<compile_context>
chip_gen: v7x
topology: tpu7x:2x2x1
jax: 0.10.2.dev20260603
libtpu: 0.0.44.dev20260713+nightly
codegen_flags: <defaults>
</compile_context>

<pallas_src>
import functools

import jax
import jax.numpy as jnp
from jax import lax
from jax.experimental import pallas as pl
from jax.experimental.pallas import tpu as pltpu
from jax.experimental.pallas import tpu_sc as plsc

N = 10000
F = 128
E = 320000
C = 2
NPAD = 10240
TRASH = N

NCORES = 2
NSUB = 16
NW = NCORES * NSUB
EPT = E // NW
K = 80
NCH = EPT // K
RPT = NPAD // NSUB


def _evolve_body(xp_ref, p_ref, iw_ref, wih_ref, whh_ref, bih_ref, bhh_ref,
                 w_out_ref, s_scr, vals_scr, xt_scr):
    p = p_ref[...]
    pnorm = jnp.sqrt(jnp.sum(p * p))
    s = lax.dot_general(p, xp_ref[...], (((1,), (1,)), ((), ())),
                        preferred_element_type=jnp.float32)
    col = lax.broadcasted_iota(jnp.int32, (1, NPAD), 1)
    s_scr[...] = jnp.reshape(jnp.where(col < N, s, -jnp.inf), (NPAD // F, F))

    fiota = (lax.broadcasted_iota(jnp.int32, (NPAD // F, F), 0) * F
             + lax.broadcasted_iota(jnp.int32, (NPAD // F, F), 1))
    ninf = jnp.float32(-jnp.inf)

    def sel_body(i, _):
        sv = s_scr[...]
        m = jnp.max(sv)
        idx = jnp.min(jnp.where(sv == m, fiota, NPAD))
        s_scr[...] = jnp.where(fiota == idx, ninf, sv)
        xt_scr[pl.ds(i, 1), :] = xp_ref[pl.ds(idx, 1), :]
        vals_scr[pl.ds(i, 1), :] = jnp.full((1, 1), m, jnp.float32)
        return 0

    lax.fori_loop(0, F, sel_body, 0)

    xt = xt_scr[...] * jnp.tanh(vals_scr[...] / pnorm)
    gi = lax.dot_general(xt, wih_ref[...], (((1,), (1,)), ((), ())),
                         preferred_element_type=jnp.float32) + bih_ref[...]
    gh = lax.dot_general(iw_ref[...], whh_ref[...], (((1,), (1,)), ((), ())),
                         preferred_element_type=jnp.float32) + bhh_ref[...]
    r = jax.nn.sigmoid(gi[:, :F] + gh[:, :F])
    z = jax.nn.sigmoid(gi[:, F:2 * F] + gh[:, F:2 * F])
    ng = jnp.tanh(gi[:, 2 * F:] + r * gh[:, 2 * F:])
    w_out_ref[...] = (1.0 - z) * ng + z * iw_ref[...]


def _evolve(xp, p2, init_w, W_ih, W_hh, b_ih2, b_hh2):
    return pl.pallas_call(
        _evolve_body,
        out_shape=jax.ShapeDtypeStruct((F, F), jnp.float32),
        scratch_shapes=[
            pltpu.VMEM((NPAD // F, F), jnp.float32),
            pltpu.VMEM((F, 1), jnp.float32),
            pltpu.VMEM((F, F), jnp.float32),
        ],
    )(xp, p2, init_w, W_ih, W_hh, b_ih2, b_hh2)


def _deg_body(ei_hbm, out_hbm, acc_sh, srcf, dstf, idxs, ones_v,
              zbuf):
    c = lax.axis_index("c")
    s = lax.axis_index("s")
    wid = s * NCORES + c
    zeros16 = jnp.zeros((16,), jnp.float32)
    ones16 = jnp.ones((16,), jnp.float32)

    def zb(i, _):
        zbuf[i, :] = zeros16
        return 0
    lax.fori_loop(0, RPT, zb, 0)

    def ob(i, _):
        ones_v[i, :] = ones16
        return 0
    lax.fori_loop(0, K, ob, 0)

    pltpu.sync_copy(zbuf, acc_sh.at[pl.ds(s * RPT, RPT)])
    plsc.subcore_barrier()

    base = wid * EPT
    pltpu.sync_copy(ei_hbm.at[0, pl.ds(base, EPT)], srcf)
    pltpu.sync_copy(ei_hbm.at[1, pl.ds(base, EPT)], dstf)

    def remap_chunk(k, _):
        def remap16(j, _):
            off = k * K + j * 16
            sv = srcf[pl.ds(off, 16)]
            dv = dstf[pl.ds(off, 16)]
            idxs[k, pl.ds(j * 16, 16)] = jnp.where(sv == dv, TRASH, dv)
            return 0
        lax.fori_loop(0, K // 16, remap16, 0)
        return 0
    lax.fori_loop(0, NCH, remap_chunk, 0)

    def scat(k, _):
        pltpu.sync_copy(ones_v, acc_sh.at[idxs.at[k]], add=True)
        return 0
    lax.fori_loop(0, NCH, scat, 0)

    plsc.subcore_barrier()
    pltpu.sync_copy(acc_sh.at[pl.ds(s * RPT, RPT)], zbuf)
    pltpu.sync_copy(zbuf, out_hbm.at[c, pl.ds(s * RPT, RPT)])


def _sc_degree(edge_index):
    mesh = plsc.VectorSubcoreMesh(core_axis_name="c", subcore_axis_name="s")
    fn = pl.kernel(
        _deg_body,
        out_type=jax.ShapeDtypeStruct((NCORES, NPAD, 16), jnp.float32),
        mesh=mesh,
        compiler_params=pltpu.CompilerParams(use_tc_tiling_on_sc=False),
        scratch_types=[
            pltpu.VMEM_SHARED((NPAD, 16), jnp.float32),
            pltpu.VMEM((EPT,), jnp.int32),
            pltpu.VMEM((EPT,), jnp.int32),
            pltpu.VMEM((NCH, K), jnp.int32),
            pltpu.VMEM((K, 16), jnp.float32),
            pltpu.VMEM((RPT, 16), jnp.float32),
        ],
    )
    return fn(edge_index)


_BLK = 1024


def _y_body(deg_ref, x_ref, w_ref, y_ref):
    deg = deg_ref[0, :, 0:1] + deg_ref[1, :, 0:1] + 1.0
    dis = 1.0 / jnp.sqrt(deg)
    xw = jnp.dot(x_ref[...], w_ref[...], preferred_element_type=jnp.float32)
    y_ref[...] = dis * xw


def _y(degp, xp, W):
    grid = (NPAD // _BLK,)
    return pl.pallas_call(
        _y_body,
        grid=grid,
        in_specs=[
            pl.BlockSpec((NCORES, _BLK, 16), lambda i: (0, i, 0)),
            pl.BlockSpec((_BLK, F), lambda i: (i, 0)),
            pl.BlockSpec((F, F), lambda i: (0, 0)),
        ],
        out_specs=pl.BlockSpec((_BLK, F), lambda i: (i, 0)),
        out_shape=jax.ShapeDtypeStruct((NPAD, F), jnp.float32),
    )(degp, xp, W)


PH = 5
PEDGE = EPT // PH
PCH = PEDGE // K
NBUF = 3


def _scat_body(y_hbm, ei_hbm, out_hbm, acc_sh, srcf, dstf, idxs,
               rows_v, sem):
    c = lax.axis_index("c")
    s = lax.axis_index("s")
    wid = s * NCORES + c
    zeros16 = jnp.zeros((16,), jnp.float32)

    def zb(i, _):
        for j in range(F // 16):
            rows_v[0, i, pl.ds(j * 16, 16)] = zeros16
        return 0
    lax.fori_loop(0, K, zb, 0)

    for q in range(RPT // K):
        pltpu.sync_copy(rows_v.at[0], acc_sh.at[pl.ds(s * RPT + q * K, K)])
    plsc.subcore_barrier()

    base = wid * EPT

    def phase(ph, _):
        pbase = base + ph * PEDGE
        pltpu.sync_copy(ei_hbm.at[0, pl.ds(pbase, PEDGE)], srcf)
        pltpu.sync_copy(ei_hbm.at[1, pl.ds(pbase, PEDGE)], dstf)

        def remap_chunk(k, _):
            def remap16(j, _):
                off = k * K + j * 16
                sv = srcf[pl.ds(off, 16)]
                dv = dstf[pl.ds(off, 16)]
                idxs[k, pl.ds(j * 16, 16)] = jnp.where(sv == dv, TRASH, dv)
                return 0
            lax.fori_loop(0, K // 16, remap16, 0)
            return 0
        lax.fori_loop(0, PCH, remap_chunk, 0)

        for b in range(NBUF):
            pltpu.async_copy(y_hbm.at[srcf.at[pl.ds(b * K, K)]],
                             rows_v.at[b], sem.at[b])

        def chunk(k, _):
            b = lax.rem(k, NBUF)
            pltpu.make_async_copy(y_hbm.at[srcf.at[pl.ds(k * K, K)]],
                                  rows_v.at[b], sem.at[b]).wait()
            pltpu.sync_copy(rows_v.at[b], acc_sh.at[idxs.at[k]], add=True)

            @pl.when(k + NBUF < PCH)
            def _():
                pltpu.async_copy(
                    y_hbm.at[srcf.at[pl.ds((k + NBUF) * K, K)]],
                    rows_v.at[b], sem.at[b])
            return 0
        lax.fori_loop(0, PCH, chunk, 0)
        return 0
    lax.fori_loop(0, PH, phase, 0)

    plsc.subcore_barrier()
    for q in range(RPT // K):
        r0 = s * RPT + q * K
        pltpu.sync_copy(acc_sh.at[pl.ds(r0, K)], rows_v.at[0])
        pltpu.sync_copy(rows_v.at[0], out_hbm.at[c, pl.ds(r0, K)])


def _sc_scatter(y, edge_index):
    mesh = plsc.VectorSubcoreMesh(core_axis_name="c", subcore_axis_name="s")
    fn = pl.kernel(
        _scat_body,
        out_type=jax.ShapeDtypeStruct((NCORES, NPAD, F), jnp.float32),
        mesh=mesh,
        compiler_params=pltpu.CompilerParams(use_tc_tiling_on_sc=False),
        scratch_types=[
            pltpu.VMEM_SHARED((NPAD, F), jnp.float32),
            pltpu.VMEM((PEDGE,), jnp.int32),
            pltpu.VMEM((PEDGE,), jnp.int32),
            pltpu.VMEM((PCH, K), jnp.int32),
            pltpu.VMEM((NBUF, K, F), jnp.float32),
            pltpu.SemaphoreType.DMA((NBUF,)),
        ],
    )
    return fn(y, edge_index)


def _cls_body(deg_ref, acc_ref, y_ref, wc_ref, bc_ref, o_ref):
    deg = deg_ref[0, :, 0:1] + deg_ref[1, :, 0:1] + 1.0
    dis = 1.0 / jnp.sqrt(deg)
    h = dis * (acc_ref[0] + acc_ref[1] + y_ref[...])
    h = jnp.maximum(h, 0.0)
    o_ref[...] = lax.dot_general(h, wc_ref[...], (((1,), (1,)), ((), ())),
                                 preferred_element_type=jnp.float32) \
        + bc_ref[...]


_CBLK = 1000


def _cls(degp, accp, y, W_cls, bc2):
    grid = (N // _CBLK,)
    return pl.pallas_call(
        _cls_body,
        grid=grid,
        in_specs=[
            pl.BlockSpec((NCORES, _CBLK, 16), lambda i: (0, i, 0)),
            pl.BlockSpec((NCORES, _CBLK, F), lambda i: (0, i, 0)),
            pl.BlockSpec((_CBLK, F), lambda i: (i, 0)),
            pl.BlockSpec((C, F), lambda i: (0, 0)),
            pl.BlockSpec((1, C), lambda i: (0, 0)),
        ],
        out_specs=pl.BlockSpec((_CBLK, C), lambda i: (i, 0)),
        out_shape=jax.ShapeDtypeStruct((N, C), jnp.float32),
    )(degp, accp, y, W_cls, bc2)


def kernel(x, edge_index, p_topk, init_w, W_ih, W_hh, b_ih, b_hh, W_cls,
           b_cls):
    xp = jnp.zeros((NPAD, F), jnp.float32).at[:N].set(x)
    p2 = p_topk.reshape(1, F)
    b_ih2 = b_ih.reshape(1, 3 * F)
    b_hh2 = b_hh.reshape(1, 3 * F)
    bc2 = b_cls.reshape(1, C)

    W = _evolve(xp, p2, init_w, W_ih, W_hh, b_ih2, b_hh2)
    degp = _sc_degree(edge_index)
    y = _y(degp, xp, W)
    accp = _sc_scatter(y, edge_index)
    return _cls(degp, accp, y, W_cls, bc2)

# --- scband reference (transcript-rebuilt; emitter-appended) ---
"""Pipeline reference for scband-temporal-gcnclassifier-h-48996986912816 (READ-ONLY COPY).

The authoritative reference and input builder live on the scoring server;
editing this copy changes nothing except your own understanding.
"""

import jax, jax.numpy as jnp
import numpy as np

N, F, E, C = 10000, 128, 320000, 2

def setup_inputs(seed: int = 0):
    key = jax.random.key(seed)
    ks = jax.random.split(key, 12)
    x = jax.random.normal(ks[0], (N, F), dtype=jnp.float32)
    edge_index = jax.random.randint(ks[1], (2, E), 0, N, dtype=jnp.int32)
    s = 0.1
    p_topk = jax.random.normal(ks[2], (F,), dtype=jnp.float32) * s
    init_w = jax.random.normal(ks[3], (F, F), dtype=jnp.float32) * s
    W_ih = jax.random.normal(ks[4], (3 * F, F), dtype=jnp.float32) * s
    W_hh = jax.random.normal(ks[5], (3 * F, F), dtype=jnp.float32) * s
    b_ih = jax.random.normal(ks[6], (3 * F,), dtype=jnp.float32) * s
    b_hh = jax.random.normal(ks[7], (3 * F,), dtype=jnp.float32) * s
    W_cls = jax.random.normal(ks[8], (C, F), dtype=jnp.float32) * s
    b_cls = jax.random.normal(ks[9], (C,), dtype=jnp.float32) * s
    return {"x": x, "edge_index": edge_index, "p_topk": p_topk, "init_w": init_w,
            "W_ih": W_ih, "W_hh": W_hh, "b_ih": b_ih, "b_hh": b_hh,
            "W_cls": W_cls, "b_cls": b_cls}

def _forward(x, p_topk, init_w, W_ih, W_hh, b_ih, b_hh, W_cls, b_cls, edge_index):
    n, f = x.shape
    # --- TopKPooling: ratio = in_channels / num_nodes  =>  k = in_channels ---
    score = (x @ p_topk) / jnp.linalg.norm(p_topk)
    k = f
    top_scores, perm = jax.lax.top_k(score, k)
    x_tilde = x[perm] * jnp.tanh(top_scores)[:, None]  # [F, F]
    # --- GRU single step: input x_tilde (batch=F, in=F), hidden init_w (F, F) ---
    gi = x_tilde @ W_ih.T + b_ih
    gh = init_w @ W_hh.T + b_hh
    i_r, i_z, i_n = jnp.split(gi, 3, axis=1)
    h_r, h_z, h_n = jnp.split(gh, 3, axis=1)
    r = jax.nn.sigmoid(i_r + h_r)
    z = jax.nn.sigmoid(i_z + h_z)
    n_gate = jnp.tanh(i_n + r * h_n)
    W = (1.0 - z) * n_gate + z * init_w  # evolved GCN weight [F, F]
    # --- GCNConv_Fixed_W: gcn_norm with remaining self loops (fill=1, improved=False) ---
    src, dst = edge_index[0], edge_index[1]
    ew = jnp.where(src == dst, 0.0, 1.0).astype(x.dtype)  # add_remaining_self_loops drops existing self loops
    loop = jnp.arange(n, dtype=edge_index.dtype)
    src_f = jnp.concatenate([src, loop])
    dst_f = jnp.concatenate([dst, loop])
    ew_f = jnp.concatenate([ew, jnp.ones(n, dtype=x.dtype)])
    deg = jax.ops.segment_sum(ew_f, dst_f, num_segments=n)
    deg_safe = jnp.where(deg > 0, deg, 1.0)
    dis = jnp.where(deg > 0, 1.0 / jnp.sqrt(deg_safe), 0.0)
    norm = dis[src_f] * ew_f * dis[dst_f]
    xw = x @ W
    h = jax.ops.segment_sum(norm[:, None] * xw[src_f], dst_f, num_segments=n)
    # --- relu -> dropout(eval: identity) -> classifier ---
    h = jax.nn.relu(h)
    out = h @ W_cls.T + b_cls
    return out

def reference(x, edge_index, p_topk, init_w, W_ih, W_hh, b_ih, b_hh, W_cls, b_cls):
    return _forward(x, p_topk, init_w, W_ih, W_hh, b_ih, b_hh, W_cls, b_cls, edge_index)

if __name__ == "__main__":
    import jax
    _d = setup_inputs()
    print(jax.jit(kernel)(*tuple(_d.values())))

</pallas_src>

<mosaic_0001>
#map = affine_map<(d0, d1) -> (0, 0)>
#map1 = affine_map<(d0, d1) -> (0, 0, 0)>
module attributes {stable_mosaic.version = 14 : i64} {
  func.func @_deg_body(%arg0: i32, %arg1: i32, %arg2: memref<2x320000xi32, #tpu.memory_space<hbm>>, %arg3: memref<2x10240x16xf32, #tpu.memory_space<hbm>>, %arg4: memref<10240x16xf32, #tpu.memory_space<vmem_shared>>, %arg5: memref<10000xi32, #tpu.memory_space<vmem>>, %arg6: memref<10000xi32, #tpu.memory_space<vmem>>, %arg7: memref<125x80xi32, #tpu.memory_space<vmem>>, %arg8: memref<80x16xf32, #tpu.memory_space<vmem>>, %arg9: memref<640x16xf32, #tpu.memory_space<vmem>>) attributes {dimension_semantics = [#tpu.dimension_semantics<core_parallel>, #tpu.dimension_semantics<subcore_parallel>], iteration_bounds = array<i64: 2, 16>, scalar_prefetch = 0 : i64, scratch_operands = 6 : i64, tpu.core_type = #tpu.core_type<sc_vector_subcore>, window_params = [{transform_indices = #map}, {transform_indices = #map1}]} {
    %mul3A = arith.constant 2 : i32
    %mul3A_0 = arith.muli %arg1, %mul3A : i32
    %add3A = arith.addi %mul3A_0, %arg0 : i32
    %broadcast_in_dim3A = arith.constant 0.000000e+00 : f32
    %broadcast_in_dim3A_1 = vector.broadcast %broadcast_in_dim3A : f32 to vector<16xf32>
    %broadcast_in_dim3A_2 = arith.constant 1.000000e+00 : f32
    %broadcast_in_dim3A_3 = vector.broadcast %broadcast_in_dim3A_2 : f32 to vector<16xf32>
    %scan3A = arith.constant 0 : i32
    %scan3A_4 = arith.constant 0 : i32
    %scan3A_5 = arith.constant 640 : i32
    %scan3A_6 = arith.addi %scan3A_4, %scan3A_5 : i32
    %scan3A_7 = arith.constant 1 : i32
    %scan3A_8 = scf.for %scan3A_41 = %scan3A_4 to %scan3A_6 step %scan3A_7 iter_args(%scan3A_42 = %scan3A) -> (i32)  : i32 {
      %swap3A = arith.index_cast %scan3A_41 : i32 to index
      %swap3A_43 = arith.constant 0 : index
      %swap3A_44 = tpu.vector_load %arg9[%swap3A, %swap3A_43] {strides = array<i32>} : memref<640x16xf32, #tpu.memory_space<vmem>>, vector<1x16xf32>,
      %swap3A_45 = vector.shape_cast %swap3A_44 : vector<1x16xf32> to vector<16xf32>
      %swap3A_46 = vector.shape_cast %broadcast_in_dim3A_1 : vector<16xf32> to vector<1x16xf32>
      tpu.vector_store %arg9[%swap3A, %swap3A_43], %swap3A_46 {strides = array<i32>} : memref<640x16xf32, #tpu.memory_space<vmem>>, vector<1x16xf32>,
      %scan3A_47 = arith.constant 0 : i32
      scf.yield %scan3A_47 : i32
    }
    %scan3A_9 = arith.constant 640 : i32
    %scan3A_10 = arith.constant 0 : i32
    %scan3A_11 = arith.constant 0 : i32
    %scan3A_12 = arith.constant 80 : i32
    %scan3A_13 = arith.addi %scan3A_11, %scan3A_12 : i32
    %scan3A_14 = arith.constant 1 : i32
    %scan3A_15 = scf.for %scan3A_41 = %scan3A_11 to %scan3A_13 step %scan3A_14 iter_args(%scan3A_42 = %scan3A_10) -> (i32)  : i32 {
      %swap3A = arith.index_cast %scan3A_41 : i32 to index
      %swap3A_43 = arith.constant 0 : index
      %swap3A_44 = tpu.vector_load %arg8[%swap3A, %swap3A_43] {strides = array<i32>} : memref<80x16xf32, #tpu.memory_space<vmem>>, vector<1x16xf32>,
      %swap3A_45 = vector.shape_cast %swap3A_44 : vector<1x16xf32> to vector<16xf32>
      %swap3A_46 = vector.shape_cast %broadcast_in_dim3A_3 : vector<16xf32> to vector<1x16xf32>
      tpu.vector_store %arg8[%swap3A, %swap3A_43], %swap3A_46 {strides = array<i32>} : memref<80x16xf32, #tpu.memory_space<vmem>>, vector<1x16xf32>,
      %scan3A_47 = arith.constant 0 : i32
      scf.yield %scan3A_47 : i32
    }
    %scan3A_16 = arith.constant 80 : i32
    %mul3A_17 = arith.constant 640 : i32
    %mul3A_18 = arith.muli %arg1, %mul3A_17 : i32
    "tpu.region"() ({
      %run_scoped3A_41 = tpu.sem_alloc : memref<!tpu.dma_semaphore, #tpu.memory_space<semaphore_mem>>
      %dma_start3A = arith.constant 0 : i32
      %dma_start3A_42 = tpu.memref_slice %arg4[%mul3A_18, %dma_start3A] : memref<10240x16xf32, #tpu.memory_space<vmem_shared>> -> memref<640x16xf32, #tpu.memory_space<vmem_shared>>
      %dma_start3A_43 = arith.constant 0 : i32
      %dma_start3A_44 = tpu.memref_slice %arg4[%mul3A_18, %dma_start3A_43] : memref<10240x16xf32, #tpu.memory_space<vmem_shared>> -> memref<640x16xf32, #tpu.memory_space<vmem_shared>>
      tpu.enqueue_dma source(%arg9 : memref<640x16xf32, #tpu.memory_space<vmem>>) target(%dma_start3A_44 : memref<640x16xf32, #tpu.memory_space<vmem_shared>>) target_semaphore(%run_scoped3A_41 : memref<!tpu.dma_semaphore, #tpu.memory_space<semaphore_mem>>)
      %dma_wait3A = arith.constant 0 : i32
      %dma_wait3A_45 = tpu.memref_slice %arg4[%mul3A_18, %dma_wait3A] : memref<10240x16xf32, #tpu.memory_space<vmem_shared>> -> memref<640x16xf32, #tpu.memory_space<vmem_shared>>
      %dma_wait3A_46 = arith.constant 0 : i32
      %dma_wait3A_47 = tpu.memref_slice %arg4[%mul3A_18, %dma_wait3A_46] : memref<10240x16xf32, #tpu.memory_space<vmem_shared>> -> memref<640x16xf32, #tpu.memory_space<vmem_shared>>
      tpu.wait_dma2 semaphore(%run_scoped3A_41 : memref<!tpu.dma_semaphore, #tpu.memory_space<semaphore_mem>>) src(%arg9 : memref<640x16xf32, #tpu.memory_space<vmem>>) dst(%dma_wait3A_47 : memref<640x16xf32, #tpu.memory_space<vmem_shared>>)
      tpu.yield
    }) : () -> ()
    %barrier3A = arith.constant 0 : index
    tpu.barrier barrier_id(%barrier3A)
    %mul3A_19 = arith.constant 10000 : i32
    %mul3A_20 = arith.muli %add3A, %mul3A_19 : i32
    %run_scoped3A = arith.constant 0 : i32
    "tpu.region"() ({
      %run_scoped3A_41 = tpu.sem_alloc : memref<!tpu.dma_semaphore, #tpu.memory_space<semaphore_mem>>
      %dma_start3A = tpu.memref_slice %arg2[%run_scoped3A, %mul3A_20] : memref<2x320000xi32, #tpu.memory_space<hbm>> -> memref<1x10000xi32, #tpu.memory_space<hbm>>
      %dma_start3A_42 = tpu.memref_squeeze %dma_start3A : memref<1x10000xi32, #tpu.memory_space<hbm>> -> memref<10000xi32, #tpu.memory_space<hbm>>
      %dma_start3A_43 = tpu.memref_slice %arg2[%run_scoped3A, %mul3A_20] : memref<2x320000xi32, #tpu.memory_space<hbm>> -> memref<1x10000xi32, #tpu.memory_space<hbm>>
      %dma_start3A_44 = tpu.memref_squeeze %dma_start3A_43 : memref<1x10000xi32, #tpu.memory_space<hbm>> -> memref<10000xi32, #tpu.memory_space<hbm>>
      tpu.enqueue_dma source(%dma_start3A_44 : memref<10000xi32, #tpu.memory_space<hbm>>) target(%arg5 : memref<10000xi32, #tpu.memory_space<vmem>>) target_semaphore(%run_scoped3A_41 : memref<!tpu.dma_semaphore, #tpu.memory_space<semaphore_mem>>)
      %dma_wait3A = tpu.memref_slice %arg2[%run_scoped3A, %mul3A_20] : memref<2x320000xi32, #tpu.memory_space<hbm>> -> memref<1x10000xi32, #tpu.memory_space<hbm>>
      %dma_wait3A_45 = tpu.memref_squeeze %dma_wait3A : memref<1x10000xi32, #tpu.memory_space<hbm>> -> memref<10000xi32, #tpu.memory_space<hbm>>
      %dma_wait3A_46 = tpu.memref_slice %arg2[%run_scoped3A, %mul3A_20] : memref<2x320000xi32, #tpu.memory_space<hbm>> -> memref<1x10000xi32, #tpu.memory_space<hbm>>
      %dma_wait3A_47 = tpu.memref_squeeze %dma_wait3A_46 : memref<1x10000xi32, #tpu.memory_space<hbm>> -> memref<10000xi32, #tpu.memory_space<hbm>>
      tpu.wait_dma2 semaphore(%run_scoped3A_41 : memref<!tpu.dma_semaphore, #tpu.memory_space<semaphore_mem>>) src(%dma_wait3A_47 : memref<10000xi32, #tpu.memory_space<hbm>>) dst(%arg5 : memref<10000xi32, #tpu.memory_space<vmem>>)
      tpu.yield
    }) : () -> ()
    %run_scoped3A_21 = arith.constant 1 : i32
    "tpu.region"() ({
      %run_scoped3A_41 = tpu.sem_alloc : memref<!tpu.dma_semaphore, #tpu.memory_space<semaphore_mem>>
      %dma_start3A = tpu.memref_slice %arg2[%run_scoped3A_21, %mul3A_20] : memref<2x320000xi32, #tpu.memory_space<hbm>> -> memref<1x10000xi32, #tpu.memory_space<hbm>>
      %dma_start3A_42 = tpu.memref_squeeze %dma_start3A : memref<1x10000xi32, #tpu.memory_space<hbm>> -> memref<10000xi32, #tpu.memory_space<hbm>>
      %dma_start3A_43 = tpu.memref_slice %arg2[%run_scoped3A_21, %mul3A_20] : memref<2x320000xi32, #tpu.memory_space<hbm>> -> memref<1x10000xi32, #tpu.memory_space<hbm>>
      %dma_start3A_44 = tpu.memref_squeeze %dma_start3A_43 : memref<1x10000xi32, #tpu.memory_space<hbm>> -> memref<10000xi32, #tpu.memory_space<hbm>>
      tpu.enqueue_dma source(%dma_start3A_44 : memref<10000xi32, #tpu.memory_space<hbm>>) target(%arg6 : memref<10000xi32, #tpu.memory_space<vmem>>) target_semaphore(%run_scoped3A_41 : memref<!tpu.dma_semaphore, #tpu.memory_space<semaphore_mem>>)
      %dma_wait3A = tpu.memref_slice %arg2[%run_scoped3A_21, %mul3A_20] : memref<2x320000xi32, #tpu.memory_space<hbm>> -> memref<1x10000xi32, #tpu.memory_space<hbm>>
      %dma_wait3A_45 = tpu.memref_squeeze %dma_wait3A : memref<1x10000xi32, #tpu.memory_space<hbm>> -> memref<10000xi32, #tpu.memory_space<hbm>>
      %dma_wait3A_46 = tpu.memref_slice %arg2[%run_scoped3A_21, %mul3A_20] : memref<2x320000xi32, #tpu.memory_space<hbm>> -> memref<1x10000xi32, #tpu.memory_space<hbm>>
      %dma_wait3A_47 = tpu.memref_squeeze %dma_wait3A_46 : memref<1x10000xi32, #tpu.memory_space<hbm>> -> memref<10000xi32, #tpu.memory_space<hbm>>
      tpu.wait_dma2 semaphore(%run_scoped3A_41 : memref<!tpu.dma_semaphore, #tpu.memory_space<semaphore_mem>>) src(%dma_wait3A_47 : memref<10000xi32, #tpu.memory_space<hbm>>) dst(%arg6 : memref<10000xi32, #tpu.memory_space<vmem>>)
      tpu.yield
    }) : () -> ()
    %scan3A_22 = arith.constant 0 : i32
    %scan3A_23 = arith.constant 0 : i32
    %scan3A_24 = arith.constant 125 : i32
    %scan3A_25 = arith.addi %scan3A_23, %scan3A_24 : i32
    %scan3A_26 = arith.constant 1 : i32
    %scan3A_27 = scf.for %scan3A_41 = %scan3A_23 to %scan3A_25 step %scan3A_26 iter_args(%scan3A_42 = %scan3A_22) -> (i32)  : i32 {
      %scan3A_43 = arith.constant 0 : i32
      %scan3A_44 = arith.constant 0 : i32
      %scan3A_45 = arith.constant 5 : i32
      %scan3A_46 = arith.addi %scan3A_44, %scan3A_45 : i32
      %scan3A_47 = arith.constant 1 : i32
      %scan3A_48 = scf.for %scan3A_51 = %scan3A_44 to %scan3A_46 step %scan3A_47 iter_args(%scan3A_52 = %scan3A_43) -> (i32)  : i32 {
        %mul3A_53 = arith.constant 80 : i32
        %mul3A_54 = arith.muli %scan3A_41, %mul3A_53 : i32
        %mul3A_55 = arith.constant 16 : i32
        %mul3A_56 = arith.muli %scan3A_51, %mul3A_55 : i32
        %add3A_57 = arith.addi %mul3A_54, %mul3A_56 : i32
        %get3A = arith.index_cast %add3A_57 : i32 to index
        %get3A_58 = tpu.vector_load %arg5[%get3A] {strides = array<i32>} : memref<10000xi32, #tpu.memory_space<vmem>>, vector<16xi32>,
        %get3A_59 = vector.shape_cast %get3A_58 : vector<16xi32> to vector<16xi32>
        %get3A_60 = arith.index_cast %add3A_57 : i32 to index
        %get3A_61 = tpu.vector_load %arg6[%get3A_60] {strides = array<i32>} : memref<10000xi32, #tpu.memory_space<vmem>>, vector<16xi32>,
        %get3A_62 = vector.shape_cast %get3A_61 : vector<16xi32> to vector<16xi32>
        %eq3A = arith.cmpi eq, %get3A_59, %get3A_62 : vector<16xi32>
        %jit3A = arith.constant 10000 : i32
        %broadcast_in_dim3A_63 = vector.broadcast %jit3A : i32 to vector<16xi32>
        %select_n3A = arith.select %eq3A, %broadcast_in_dim3A_63, %get3A_62 : vector<16xi1>, vector<16xi32>
        %mul3A_64 = arith.constant 16 : i32
        %mul3A_65 = arith.muli %scan3A_51, %mul3A_64 : i32
        %swap3A = arith.index_cast %scan3A_41 : i32 to index
        %swap3A_66 = arith.index_cast %mul3A_65 : i32 to index
        %swap3A_67 = tpu.vector_load %arg7[%swap3A, %swap3A_66] {strides = array<i32>} : memref<125x80xi32, #tpu.memory_space<vmem>>, vector<1x16xi32>,
        %swap3A_68 = vector.shape_cast %swap3A_67 : vector<1x16xi32> to vector<16xi32>
        %swap3A_69 = vector.shape_cast %select_n3A : vector<16xi32> to vector<1x16xi32>
        tpu.vector_store %arg7[%swap3A, %swap3A_66], %swap3A_69 {strides = array<i32>} : memref<125x80xi32, #tpu.memory_space<vmem>>, vector<1x16xi32>,
        %scan3A_70 = arith.constant 0 : i32
        scf.yield %scan3A_70 : i32
      }
      %scan3A_49 = arith.constant 5 : i32
      %scan3A_50 = arith.constant 0 : i32
      scf.yield %scan3A_50 : i32
    }
    %scan3A_28 = arith.constant 125 : i32
    %scan3A_29 = arith.constant 0 : i32
    %scan3A_30 = arith.constant 0 : i32
    %scan3A_31 = arith.constant 125 : i32
    %scan3A_32 = arith.addi %scan3A_30, %scan3A_31 : i32
    %scan3A_33 = arith.constant 1 : i32
    %scan3A_34 = scf.for %scan3A_41 = %scan3A_30 to %scan3A_32 step %scan3A_33 iter_args(%scan3A_42 = %scan3A_29) -> (i32)  : i32 {
      "tpu.region"() ({
        %run_scoped3A_44 = tpu.sem_alloc : memref<!tpu.dma_semaphore, #tpu.memory_space<semaphore_mem>>
        %dma_start3A = arith.constant 0 : i32
        %dma_start3A_45 = tpu.memref_slice %arg7[%scan3A_41, %dma_start3A] : memref<125x80xi32, #tpu.memory_space<vmem>> -> memref<1x80xi32, #tpu.memory_space<vmem>>
        %dma_start3A_46 = tpu.memref_squeeze %dma_start3A_45 : memref<1x80xi32, #tpu.memory_space<vmem>> -> memref<80xi32, #tpu.memory_space<vmem>>
        %dma_start3A_47 = arith.constant 0 : i32
        %dma_start3A_48 = arith.constant 0 : i32
        %dma_start3A_49 = tpu.memref_slice %arg4[%dma_start3A_47, %dma_start3A_48] : memref<10240x16xf32, #tpu.memory_space<vmem_shared>> -> memref<10240x16xf32, #tpu.memory_space<vmem_shared>>
        tpu.enqueue_indirect_dma source(%arg8 : memref<80x16xf32, #tpu.memory_space<vmem>>) target(%dma_start3A_49 : memref<10240x16xf32, #tpu.memory_space<vmem_shared>>) offsets(%dma_start3A_46 : memref<80xi32, #tpu.memory_space<vmem>>) semaphore(%run_scoped3A_44 : memref<!tpu.dma_semaphore, #tpu.memory_space<semaphore_mem>>) {add = true}
        %dma_wait3A = arith.constant 0 : i32
        %dma_wait3A_50 = tpu.memref_slice %arg7[%scan3A_41, %dma_wait3A] : memref<125x80xi32, #tpu.memory_space<vmem>> -> memref<1x80xi32, #tpu.memory_space<vmem>>
        %dma_wait3A_51 = tpu.memref_squeeze %dma_wait3A_50 : memref<1x80xi32, #tpu.memory_space<vmem>> -> memref<80xi32, #tpu.memory_space<vmem>>
        %dma_wait3A_52 = arith.constant 0 : i32
        %dma_wait3A_53 = arith.constant 0 : i32
        %dma_wait3A_54 = tpu.memref_slice %arg4[%dma_wait3A_52, %dma_wait3A_53] : memref<10240x16xf32, #tpu.memory_space<vmem_shared>> -> memref<10240x16xf32, #tpu.memory_space<vmem_shared>>
        tpu.wait_indirect_dma semaphore(%run_scoped3A_44 : memref<!tpu.dma_semaphore, #tpu.memory_space<semaphore_mem>>) src(%arg8 : memref<80x16xf32, #tpu.memory_space<vmem>>) dst(%dma_wait3A_54 : memref<10240x16xf32, #tpu.memory_space<vmem_shared>>)
        tpu.yield
      }) : () -> ()
      %scan3A_43 = arith.constant 0 : i32
      scf.yield %scan3A_43 : i32
    }
    %scan3A_35 = arith.constant 125 : i32
    %barrier3A_36 = arith.constant 0 : index
    tpu.barrier barrier_id(%barrier3A_36)
    %mul3A_37 = arith.constant 640 : i32
    %mul3A_38 = arith.muli %arg1, %mul3A_37 : i32
    "tpu.region"() ({
      %run_scoped3A_41 = tpu.sem_alloc : memref<!tpu.dma_semaphore, #tpu.memory_space<semaphore_mem>>
      %dma_start3A = arith.constant 0 : i32
      %dma_start3A_42 = tpu.memref_slice %arg4[%mul3A_38, %dma_start3A] : memref<10240x16xf32, #tpu.memory_space<vmem_shared>> -> memref<640x16xf32, #tpu.memory_space<vmem_shared>>
      %dma_start3A_43 = arith.constant 0 : i32
      %dma_start3A_44 = tpu.memref_slice %arg4[%mul3A_38, %dma_start3A_43] : memref<10240x16xf32, #tpu.memory_space<vmem_shared>> -> memref<640x16xf32, #tpu.memory_space<vmem_shared>>
      tpu.enqueue_dma source(%dma_start3A_44 : memref<640x16xf32, #tpu.memory_space<vmem_shared>>) target(%arg9 : memref<640x16xf32, #tpu.memory_space<vmem>>) target_semaphore(%run_scoped3A_41 : memref<!tpu.dma_semaphore, #tpu.memory_space<semaphore_mem>>)
      %dma_wait3A = arith.constant 0 : i32
      %dma_wait3A_45 = tpu.memref_slice %arg4[%mul3A_38, %dma_wait3A] : memref<10240x16xf32, #tpu.memory_space<vmem_shared>> -> memref<640x16xf32, #tpu.memory_space<vmem_shared>>
      %dma_wait3A_46 = arith.constant 0 : i32
      %dma_wait3A_47 = tpu.memref_slice %arg4[%mul3A_38, %dma_wait3A_46] : memref<10240x16xf32, #tpu.memory_space<vmem_shared>> -> memref<640x16xf32, #tpu.memory_space<vmem_shared>>
      tpu.wait_dma2 semaphore(%run_scoped3A_41 : memref<!tpu.dma_semaphore, #tpu.memory_space<semaphore_mem>>) src(%dma_wait3A_47 : memref<640x16xf32, #tpu.memory_space<vmem_shared>>) dst(%arg9 : memref<640x16xf32, #tpu.memory_space<vmem>>)
      tpu.yield
    }) : () -> ()
    %mul3A_39 = arith.constant 640 : i32
    %mul3A_40 = arith.muli %arg1, %mul3A_39 : i32
    "tpu.region"() ({
      %run_scoped3A_41 = tpu.sem_alloc : memref<!tpu.dma_semaphore, #tpu.memory_space<semaphore_mem>>
      %dma_start3A = arith.constant 0 : i32
      %dma_start3A_42 = tpu.memref_slice %arg3[%arg0, %mul3A_40, %dma_start3A] : memref<2x10240x16xf32, #tpu.memory_space<hbm>> -> memref<1x640x16xf32, #tpu.memory_space<hbm>>
      %dma_start3A_43 = tpu.memref_squeeze %dma_start3A_42 : memref<1x640x16xf32, #tpu.memory_space<hbm>> -> memref<640x16xf32, #tpu.memory_space<hbm>>
      %dma_start3A_44 = arith.constant 0 : i32
      %dma_start3A_45 = tpu.memref_slice %arg3[%arg0, %mul3A_40, %dma_start3A_44] : memref<2x10240x16xf32, #tpu.memory_space<hbm>> -> memref<1x640x16xf32, #tpu.memory_space<hbm>>
      %dma_start3A_46 = tpu.memref_squeeze %dma_start3A_45 : memref<1x640x16xf32, #tpu.memory_space<hbm>> -> memref<640x16xf32, #tpu.memory_space<hbm>>
      tpu.enqueue_dma source(%arg9 : memref<640x16xf32, #tpu.memory_space<vmem>>) target(%dma_start3A_46 : memref<640x16xf32, #tpu.memory_space<hbm>>) target_semaphore(%run_scoped3A_41 : memref<!tpu.dma_semaphore, #tpu.memory_space<semaphore_mem>>)
      %dma_wait3A = arith.constant 0 : i32
      %dma_wait3A_47 = tpu.memref_slice %arg3[%arg0, %mul3A_40, %dma_wait3A] : memref<2x10240x16xf32, #tpu.memory_space<hbm>> -> memref<1x640x16xf32, #tpu.memory_space<hbm>>
      %dma_wait3A_48 = tpu.memref_squeeze %dma_wait3A_47 : memref<1x640x16xf32, #tpu.memory_space<hbm>> -> memref<640x16xf32, #tpu.memory_space<hbm>>
      %dma_wait3A_49 = arith.constant 0 : i32
      %dma_wait3A_50 = tpu.memref_slice %arg3[%arg0, %mul3A_40, %dma_wait3A_49] : memref<2x10240x16xf32, #tpu.memory_space<hbm>> -> memref<1x640x16xf32, #tpu.memory_space<hbm>>
      %dma_wait3A_51 = tpu.memref_squeeze %dma_wait3A_50 : memref<1x640x16xf32, #tpu.memory_space<hbm>> -> memref<640x16xf32, #tpu.memory_space<hbm>>
      tpu.wait_dma2 semaphore(%run_scoped3A_41 : memref<!tpu.dma_semaphore, #tpu.memory_space<semaphore_mem>>) src(%arg9 : memref<640x16xf32, #tpu.memory_space<vmem>>) dst(%dma_wait3A_51 : memref<640x16xf32, #tpu.memory_space<hbm>>)
      tpu.yield
    }) : () -> ()
    return
  }
}

#map = affine_map<(d0, d1) -> (0, 0)>
#map1 = affine_map<(d0, d1) -> (0, 0, 0)>
module attributes {stable_mosaic.version = 14 : i64} {
  func.func @_scat_body(%arg0: i32, %arg1: i32, %arg2: memref<10240x128xf32, #tpu.memory_space<hbm>>, %arg3: memref<2x320000xi32, #tpu.memory_space<hbm>>, %arg4: memref<2x10240x128xf32, #tpu.memory_space<hbm>>, %arg5: memref<10240x128xf32, #tpu.memory_space<vmem_shared>>, %arg6: memref<2000xi32, #tpu.memory_space<vmem>>, %arg7: memref<2000xi32, #tpu.memory_space<vmem>>, %arg8: memref<25x80xi32, #tpu.memory_space<vmem>>, %arg9: memref<3x80x128xf32, #tpu.memory_space<vmem>>, %arg10: memref<3x!tpu.dma_semaphore, #tpu.memory_space<semaphore_mem>>) attributes {dimension_semantics = [#tpu.dimension_semantics<core_parallel>, #tpu.dimension_semantics<subcore_parallel>], iteration_bounds = array<i64: 2, 16>, scalar_prefetch = 0 : i64, scratch_operands = 6 : i64, tpu.core_type = #tpu.core_type<sc_vector_subcore>, window_params = [{transform_indices = #map}, {transform_indices = #map}, {transform_indices = #map1}]} {
    %mul3A = arith.constant 2 : i32
    %mul3A_0 = arith.muli %arg1, %mul3A : i32
    %add3A = arith.addi %mul3A_0, %arg0 : i32
    %broadcast_in_dim3A = arith.constant 0.000000e+00 : f32
    %broadcast_in_dim3A_1 = vector.broadcast %broadcast_in_dim3A : f32 to vector<16xf32>
    %scan3A = arith.constant 0 : i32
    %scan3A_2 = arith.constant 0 : i32
    %scan3A_3 = arith.constant 80 : i32
    %scan3A_4 = arith.addi %scan3A_2, %scan3A_3 : i32
    %scan3A_5 = arith.constant 1 : i32
    %scan3A_6 = scf.for %scan3A_105 = %scan3A_2 to %scan3A_4 step %scan3A_5 iter_args(%scan3A_106 = %scan3A) -> (i32)  : i32 {
      %swap3A = arith.constant 0 : i32
      %swap3A_107 = arith.index_cast %swap3A : i32 to index
      %swap3A_108 = arith.index_cast %scan3A_105 : i32 to index
      %swap3A_109 = arith.constant 0 : index
      %swap3A_110 = tpu.vector_load %arg9[%swap3A_107, %swap3A_108, %swap3A_109] {strides = array<i32>} : memref<3x80x128xf32, #tpu.memory_space<vmem>>, vector<1x1x16xf32>,
      %swap3A_111 = vector.shape_cast %swap3A_110 : vector<1x1x16xf32> to vector<16xf32>
      %swap3A_112 = vector.shape_cast %broadcast_in_dim3A_1 : vector<16xf32> to vector<1x1x16xf32>
      tpu.vector_store %arg9[%swap3A_107, %swap3A_108, %swap3A_109], %swap3A_112 {strides = array<i32>} : memref<3x80x128xf32, #tpu.memory_space<vmem>>, vector<1x1x16xf32>,
      %swap3A_113 = arith.constant 0 : i32
      %swap3A_114 = arith.index_cast %swap3A_113 : i32 to index
      %swap3A_115 = arith.index_cast %scan3A_105 : i32 to index
      %swap3A_116 = arith.constant 16 : index
      %swap3A_117 = tpu.vector_load %arg9[%swap3A_114, %swap3A_115, %swap3A_116] {strides = array<i32>} : memref<3x80x128xf32, #tpu.memory_space<vmem>>, vector<1x1x16xf32>,
      %swap3A_118 = vector.shape_cast %swap3A_117 : vector<1x1x16xf32> to vector<16xf32>
      %swap3A_119 = vector.shape_cast %broadcast_in_dim3A_1 : vector<16xf32> to vector<1x1x16xf32>
      tpu.vector_store %arg9[%swap3A_114, %swap3A_115, %swap3A_116], %swap3A_119 {strides = array<i32>} : memref<3x80x128xf32, #tpu.memory_space<vmem>>, vector<1x1x16xf32>,
      %swap3A_120 = arith.constant 0 : i32
      %swap3A_121 = arith.index_cast %swap3A_120 : i32 to index
      %swap3A_122 = arith.index_cast %scan3A_105 : i32 to index
      %swap3A_123 = arith.constant 32 : index
      %swap3A_124 = tpu.vector_load %arg9[%swap3A_121, %swap3A_122, %swap3A_123] {strides = array<i32>} : memref<3x80x128xf32, #tpu.memory_space<vmem>>, vector<1x1x16xf32>,
      %swap3A_125 = vector.shape_cast %swap3A_124 : vector<1x1x16xf32> to vector<16xf32>
      %swap3A_126 = vector.shape_cast %broadcast_in_dim3A_1 : vector<16xf32> to vector<1x1x16xf32>
      tpu.vector_store %arg9[%swap3A_121, %swap3A_122, %swap3A_123], %swap3A_126 {strides = array<i32>} : memref<3x80x128xf32, #tpu.memory_space<vmem>>, vector<1x1x16xf32>,
      %swap3A_127 = arith.constant 0 : i32
      %swap3A_128 = arith.index_cast %swap3A_127 : i32 to index
      %swap3A_129 = arith.index_cast %scan3A_105 : i32 to index
      %swap3A_130 = arith.constant 48 : index
      %swap3A_131 = tpu.vector_load %arg9[%swap3A_128, %swap3A_129, %swap3A_130] {strides = array<i32>} : memref<3x80x128xf32, #tpu.memory_space<vmem>>, vector<1x1x16xf32>,
      %swap3A_132 = vector.shape_cast %swap3A_131 : vector<1x1x16xf32> to vector<16xf32>
      %swap3A_133 = vector.shape_cast %broadcast_in_dim3A_1 : vector<16xf32> to vector<1x1x16xf32>
      tpu.vector_store %arg9[%swap3A_128, %swap3A_129, %swap3A_130], %swap3A_133 {strides = array<i32>} : memref<3x80x128xf32, #tpu.memory_space<vmem>>, vector<1x1x16xf32>,
      %swap3A_134 = arith.constant 0 : i32
      %swap3A_135 = arith.index_cast %swap3A_134 : i32 to index
      %swap3A_136 = arith.index_cast %scan3A_105 : i32 to index
      %swap3A_137 = arith.constant 64 : index
      %swap3A_138 = tpu.vector_load %arg9[%swap3A_135, %swap3A_136, %swap3A_137] {strides = array<i32>} : memref<3x80x128xf32, #tpu.memory_space<vmem>>, vector<1x1x16xf32>,
      %swap3A_139 = vector.shape_cast %swap3A_138 : vector<1x1x16xf32> to vector<16xf32>
      %swap3A_140 = vector.shape_cast %broadcast_in_dim3A_1 : vector<16xf32> to vector<1x1x16xf32>
      tpu.vector_store %arg9[%swap3A_135, %swap3A_136, %swap3A_137], %swap3A_140 {strides = array<i32>} : memref<3x80x128xf32, #tpu.memory_space<vmem>>, vector<1x1x16xf32>,
      %swap3A_141 = arith.constant 0 : i32
      %swap3A_142 = arith.index_cast %swap3A_141 : i32 to index
      %swap3A_143 = arith.index_cast %scan3A_105 : i32 to index
      %swap3A_144 = arith.constant 80 : index
      %swap3A_145 = tpu.vector_load %arg9[%swap3A_142, %swap3A_143, %swap3A_144] {strides = array<i32>} : memref<3x80x128xf32, #tpu.memory_space<vmem>>, vector<1x1x16xf32>,
      %swap3A_146 = vector.shape_cast %swap3A_145 : vector<1x1x16xf32> to vector<16xf32>
      %swap3A_147 = vector.shape_cast %broadcast_in_dim3A_1 : vector<16xf32> to vector<1x1x16xf32>
      tpu.vector_store %arg9[%swap3A_142, %swap3A_143, %swap3A_144], %swap3A_147 {strides = array<i32>} : memref<3x80x128xf32, #tpu.memory_space<vmem>>, vector<1x1x16xf32>,
      %swap3A_148 = arith.constant 0 : i32
      %swap3A_149 = arith.index_cast %swap3A_148 : i32 to index
      %swap3A_150 = arith.index_cast %scan3A_105 : i32 to index
      %swap3A_151 = arith.constant 96 : index
      %swap3A_152 = tpu.vector_load %arg9[%swap3A_149, %swap3A_150, %swap3A_151] {strides = array<i32>} : memref<3x80x128xf32, #tpu.memory_space<vmem>>, vector<1x1x16xf32>,
      %swap3A_153 = vector.shape_cast %swap3A_152 : vector<1x1x16xf32> to vector<16xf32>
      %swap3A_154 = vector.shape_cast %broadcast_in_dim3A_1 : vector<16xf32> to vector<1x1x16xf32>
      tpu.vector_store %arg9[%swap3A_149, %swap3A_150, %swap3A_151], %swap3A_154 {strides = array<i32>} : memref<3x80x128xf32, #tpu.memory_space<vmem>>, vector<1x1x16xf32>,
      %swap3A_155 = arith.constant 0 : i32
      %swap3A_156 = arith.index_cast %swap3A_155 : i32 to index
      %swap3A_157 = arith.index_cast %scan3A_105 : i32 to index
      %swap3A_158 = arith.constant 112 : index
      %swap3A_159 = tpu.vector_load %arg9[%swap3A_156, %swap3A_157, %swap3A_158] {strides = array<i32>} : memref<3x80x128xf32, #tpu.memory_space<vmem>>, vector<1x1x16xf32>,
      %swap3A_160 = vector.shape_cast %swap3A_159 : vector<1x1x16xf32> to vector<16xf32>
      %swap3A_161 = vector.shape_cast %broadcast_in_dim3A_1 : vector<16xf32> to vector<1x1x16xf32>
      tpu.vector_store %arg9[%swap3A_156, %swap3A_157, %swap3A_158], %swap3A_161 {strides = array<i32>} : memref<3x80x128xf32, #tpu.memory_space<vmem>>, vector<1x1x16xf32>,
      %scan3A_162 = arith.constant 0 : i32
      scf.yield %scan3A_162 : i32
    }
    %scan3A_7 = arith.constant 80 : i32
    %mul3A_8 = arith.constant 640 : i32
    %mul3A_9 = arith.muli %arg1, %mul3A_8 : i32
    %add3A_10 = arith.constant 0 : i32
    %add3A_11 = arith.addi %mul3A_9, %add3A_10 : i32
    %run_scoped3A = arith.constant 0 : i32
    "tpu.region"() ({
      %run_scoped3A_105 = tpu.sem_alloc : memref<!tpu.dma_semaphore, #tpu.memory_space<semaphore_mem>>
      %dma_start3A = arith.constant 0 : i32
      %dma_start3A_106 = arith.constant 0 : i32
      %dma_start3A_107 = tpu.memref_slice %arg9[%run_scoped3A, %dma_start3A, %dma_start3A_106] : memref<3x80x128xf32, #tpu.memory_space<vmem>> -> memref<1x80x128xf32, #tpu.memory_space<vmem>>
      %dma_start3A_108 = tpu.memref_squeeze %dma_start3A_107 : memref<1x80x128xf32, #tpu.memory_space<vmem>> -> memref<80x128xf32, #tpu.memory_space<vmem>>
      %dma_start3A_109 = arith.constant 0 : i32
      %dma_start3A_110 = tpu.memref_slice %arg5[%add3A_11, %dma_start3A_109] : memref<10240x128xf32, #tpu.memory_space<vmem_shared>> -> memref<80x128xf32, #tpu.memory_space<vmem_shared>>
      %dma_start3A_111 = arith.constant 0 : i32
      %dma_start3A_112 = tpu.memref_slice %arg5[%add3A_11, %dma_start3A_111] : memref<10240x128xf32, #tpu.memory_space<vmem_shared>> -> memref<80x128xf32, #tpu.memory_space<vmem_shared>>
      %dma_start3A_113 = arith.constant 0 : i32
      %dma_start3A_114 = arith.constant 0 : i32
      %dma_start3A_115 = tpu.memref_slice %arg9[%run_scoped3A, %dma_start3A_113, %dma_start3A_114] : memref<3x80x128xf32, #tpu.memory_space<vmem>> -> memref<1x80x128xf32, #tpu.memory_space<vmem>>
      %dma_start3A_116 = tpu.memref_squeeze %dma_start3A_115 : memref<1x80x128xf32, #tpu.memory_space<vmem>> -> memref<80x128xf32, #tpu.memory_space<vmem>>
      tpu.enqueue_dma source(%dma_start3A_116 : memref<80x128xf32, #tpu.memory_space<vmem>>) target(%dma_start3A_112 : memref<80x128xf32, #tpu.memory_space<vmem_shared>>) target_semaphore(%run_scoped3A_105 : memref<!tpu.dma_semaphore, #tpu.memory_space<semaphore_mem>>)
      %dma_wait3A = arith.constant 0 : i32
      %dma_wait3A_117 = arith.constant 0 : i32
      %dma_wait3A_118 = tpu.memref_slice %arg9[%run_scoped3A, %dma_wait3A, %dma_wait3A_117] : memref<3x80x128xf32, #tpu.memory_space<vmem>> -> memref<1x80x128xf32, #tpu.memory_space<vmem>>
      %dma_wait3A_119 = tpu.memref_squeeze %dma_wait3A_118 : memref<1x80x128xf32, #tpu.memory_space<vmem>> -> memref<80x128xf32, #tpu.memory_space<vmem>>
      %dma_wait3A_120 = arith.constant 0 : i32
      %dma_wait3A_121 = tpu.memref_slice %arg5[%add3A_11, %dma_wait3A_120] : memref<10240x128xf32, #tpu.memory_space<vmem_shared>> -> memref<80x128xf32, #tpu.memory_space<vmem_shared>>
      %dma_wait3A_122 = arith.constant 0 : i32
      %dma_wait3A_123 = tpu.memref_slice %arg5[%add3A_11, %dma_wait3A_122] : memref<10240x128xf32, #tpu.memory_space<vmem_shared>> -> memref<80x128xf32, #tpu.memory_space<vmem_shared>>
      %dma_wait3A_124 = arith.constant 0 : i32
      %dma_wait3A_125 = arith.constant 0 : i32
      %dma_wait3A_126 = tpu.memref_slice %arg9[%run_scoped3A, %dma_wait3A_124, %dma_wait3A_125] : memref<3x80x128xf32, #tpu.memory_space<vmem>> -> memref<1x80x128xf32, #tpu.memory_space<vmem>>
      %dma_wait3A_127 = tpu.memref_squeeze %dma_wait3A_126 : memref<1x80x128xf32, #tpu.memory_space<vmem>> -> memref<80x128xf32, #tpu.memory_space<vmem>>
      tpu.wait_dma2 semaphore(%run_scoped3A_105 : memref<!tpu.dma_semaphore, #tpu.memory_space<semaphore_mem>>) src(%dma_wait3A_127 : memref<80x128xf32, #tpu.memory_space<vmem>>) dst(%dma_wait3A_123 : memref<80x128xf32, #tpu.memory_space<vmem_shared>>)
      tpu.yield
    }) : () -> ()
    %mul3A_12 = arith.constant 640 : i32
    %mul3A_13 = arith.muli %arg1, %mul3A_12 : i32
    %add3A_14 = arith.constant 80 : i32
    %add3A_15 = arith.addi %mul3A_13, %add3A_14 : i32
    %run_scoped3A_16 = arith.constant 0 : i32
    "tpu.region"() ({
      %run_scoped3A_105 = tpu.sem_alloc : memref<!tpu.dma_semaphore, #tpu.memory_space<semaphore_mem>>
      %dma_start3A = arith.constant 0 : i32
      %dma_start3A_106 = arith.constant 0 : i32
      %dma_start3A_107 = tpu.memref_slice %arg9[%run_scoped3A_16, %dma_start3A, %dma_start3A_106] : memref<3x80x128xf32, #tpu.memory_space<vmem>> -> memref<1x80x128xf32, #tpu.memory_space<vmem>>
      %dma_start3A_108 = tpu.memref_squeeze %dma_start3A_107 : memref<1x80x128xf32, #tpu.memory_space<vmem>> -> memref<80x128xf32, #tpu.memory_space<vmem>>
      %dma_start3A_109 = arith.constant 0 : i32
      %dma_start3A_110 = tpu.memref_slice %arg5[%add3A_15, %dma_start3A_109] : memref<10240x128xf32, #tpu.memory_space<vmem_shared>> -> memref<80x128xf32, #tpu.memory_space<vmem_shared>>
      %dma_start3A_111 = arith.constant 0 : i32
      %dma_start3A_112 = tpu.memref_slice %arg5[%add3A_15, %dma_start3A_111] : memref<10240x128xf32, #tpu.memory_space<vmem_shared>> -> memref<80x128xf32, #tpu.memory_space<vmem_shared>>
      %dma_start3A_113 = arith.constant 0 : i32
      %dma_start3A_114 = arith.constant 0 : i32
      %dma_start3A_115 = tpu.memref_slice %arg9[%run_scoped3A_16, %dma_start3A_113, %dma_start3A_114] : memref<3x80x128xf32, #tpu.memory_space<vmem>> -> memref<1x80x128xf32, #tpu.memory_space<vmem>>
      %dma_start3A_116 = tpu.memref_squeeze %dma_start3A_115 : memref<1x80x128xf32, #tpu.memory_space<vmem>> -> memref<80x128xf32, #tpu.memory_space<vmem>>
      tpu.enqueue_dma source(%dma_start3A_116 : memref<80x128xf32, #tpu.memory_space<vmem>>) target(%dma_start3A_112 : memref<80x128xf32, #tpu.memory_space<vmem_shared>>) target_semaphore(%run_scoped3A_105 : memref<!tpu.dma_semaphore, #tpu.memory_space<semaphore_mem>>)
      %dma_wait3A = arith.constant 0 : i32
      %dma_wait3A_117 = arith.constant 0 : i32
      %dma_wait3A_118 = tpu.memref_slice %arg9[%run_scoped3A_16, %dma_wait3A, %dma_wait3A_117] : memref<3x80x128xf32, #tpu.memory_space<vmem>> -> memref<1x80x128xf32, #tpu.memory_space<vmem>>
      %dma_wait3A_119 = tpu.memref_squeeze %dma_wait3A_118 : memref<1x80x128xf32, #tpu.memory_space<vmem>> -> memref<80x128xf32, #tpu.memory_space<vmem>>
      %dma_wait3A_120 = arith.constant 0 : i32
      %dma_wait3A_121 = tpu.memref_slice %arg5[%add3A_15, %dma_wait3A_120] : memref<10240x128xf32, #tpu.memory_space<vmem_shared>> -> memref<80x128xf32, #tpu.memory_space<vmem_shared>>
      %dma_wait3A_122 = arith.constant 0 : i32
      %dma_wait3A_123 = tpu.memref_slice %arg5[%add3A_15, %dma_wait3A_122] : memref<10240x128xf32, #tpu.memory_space<vmem_shared>> -> memref<80x128xf32, #tpu.memory_space<vmem_shared>>
      %dma_wait3A_124 = arith.constant 0 : i32
      %dma_wait3A_125 = arith.constant 0 : i32
      %dma_wait3A_126 = tpu.memref_slice %arg9[%run_scoped3A_16, %dma_wait3A_124, %dma_wait3A_125] : memref<3x80x128xf32, #tpu.memory_space<vmem>> -> memref<1x80x128xf32, #tpu.memory_space<vmem>>
      %dma_wait3A_127 = tpu.memref_squeeze %dma_wait3A_126 : memref<1x80x128xf32, #tpu.memory_space<vmem>> -> memref<80x128xf32, #tpu.memory_space<vmem>>
      tpu.wait_dma2 semaphore(%run_scoped3A_105 : memref<!tpu.dma_semaphore, #tpu.memory_space<semaphore_mem>>) src(%dma_wait3A_127 : memref<80x128xf32, #tpu.memory_space<vmem>>) dst(%dma_wait3A_123 : memref<80x128xf32, #tpu.memory_space<vmem_shared>>)
      tpu.yield
    }) : () -> ()
    %mul3A_17 = arith.constant 640 : i32
    %mul3A_18 = arith.muli %arg1, %mul3A_17 : i32
    %add3A_19 = arith.constant 160 : i32
    %add3A_20 = arith.addi %mul3A_18, %add3A_19 : i32
    %run_scoped3A_21 = arith.constant 0 : i32
    "tpu.region"() ({
      %run_scoped3A_105 = tpu.sem_alloc : memref<!tpu.dma_semaphore, #tpu.memory_space<semaphore_mem>>
      %dma_start3A = arith.constant 0 : i32
      %dma_start3A_106 = arith.constant 0 : i32
      %dma_start3A_107 = tpu.memref_slice %arg9[%run_scoped3A_21, %dma_start3A, %dma_start3A_106] : memref<3x80x128xf32, #tpu.memory_space<vmem>> -> memref<1x80x128xf32, #tpu.memory_space<vmem>>
      %dma_start3A_108 = tpu.memref_squeeze %dma_start3A_107 : memref<1x80x128xf32, #tpu.memory_space<vmem>> -> memref<80x128xf32, #tpu.memory_space<vmem>>
      %dma_start3A_109 = arith.constant 0 : i32
      %dma_start3A_110 = tpu.memref_slice %arg5[%add3A_20, %dma_start3A_109] : memref<10240x128xf32, #tpu.memory_space<vmem_shared>> -> memref<80x128xf32, #tpu.memory_space<vmem_shared>>
      %dma_start3A_111 = arith.constant 0 : i32
      %dma_start3A_112 = tpu.memref_slice %arg5[%add3A_20, %dma_start3A_111] : memref<10240x128xf32, #tpu.memory_space<vmem_shared>> -> memref<80x128xf32, #tpu.memory_space<vmem_shared>>
      %dma_start3A_113 = arith.constant 0 : i32
      %dma_start3A_114 = arith.constant 0 : i32
      %dma_start3A_115 = tpu.memref_slice %arg9[%run_scoped3A_21, %dma_start3A_113, %dma_start3A_114] : memref<3x80x128xf32, #tpu.memory_space<vmem>> -> memref<1x80x128xf32, #tpu.memory_space<vmem>>
      %dma_start3A_116 = tpu.memref_squeeze %dma_start3A_115 : memref<1x80x128xf32, #tpu.memory_space<vmem>> -> memref<80x128xf32, #tpu.memory_space<vmem>>
      tpu.enqueue_dma source(%dma_start3A_116 : memref<80x128xf32, #tpu.memory_space<vmem>>) target(%dma_start3A_112 : memref<80x128xf32, #tpu.memory_space<vmem_shared>>) target_semaphore(%run_scoped3A_105 : memref<!tpu.dma_semaphore, #tpu.memory_space<semaphore_mem>>)
      %dma_wait3A = arith.constant 0 : i32
      %dma_wait3A_117 = arith.constant 0 : i32
      %dma_wait3A_118 = tpu.memref_slice %arg9[%run_scoped3A_21, %dma_wait3A, %dma_wait3A_117] : memref<3x80x128xf32, #tpu.memory_space<vmem>> -> memref<1x80x128xf32, #tpu.memory_space<vmem>>
      %dma_wait3A_119 = tpu.memref_squeeze %dma_wait3A_118 : memref<1x80x128xf32, #tpu.memory_space<vmem>> -> memref<80x128xf32, #tpu.memory_space<vmem>>
      %dma_wait3A_120 = arith.constant 0 : i32
      %dma_wait3A_121 = tpu.memref_slice %arg5[%add3A_20, %dma_wait3A_120] : memref<10240x128xf32, #tpu.memory_space<vmem_shared>> -> memref<80x128xf32, #tpu.memory_space<vmem_shared>>
      %dma_wait3A_122 = arith.constant 0 : i32
      %dma_wait3A_123 = tpu.memref_slice %arg5[%add3A_20, %dma_wait3A_122] : memref<10240x128xf32, #tpu.memory_space<vmem_shared>> -> memref<80x128xf32, #tpu.memory_space<vmem_shared>>
      %dma_wait3A_124 = arith.constant 0 : i32
      %dma_wait3A_125 = arith.constant 0 : i32
      %dma_wait3A_126 = tpu.memref_slice %arg9[%run_scoped3A_21, %dma_wait3A_124, %dma_wait3A_125] : memref<3x80x128xf32, #tpu.memory_space<vmem>> -> memref<1x80x128xf32, #tpu.memory_space<vmem>>
      %dma_wait3A_127 = tpu.memref_squeeze %dma_wait3A_126 : memref<1x80x128xf32, #tpu.memory_space<vmem>> -> memref<80x128xf32, #tpu.memory_space<vmem>>
      tpu.wait_dma2 semaphore(%run_scoped3A_105 : memref<!tpu.dma_semaphore, #tpu.memory_space<semaphore_mem>>) src(%dma_wait3A_127 : memref<80x128xf32, #tpu.memory_space<vmem>>) dst(%dma_wait3A_123 : memref<80x128xf32, #tpu.memory_space<vmem_shared>>)
      tpu.yield
    }) : () -> ()
    %mul3A_22 = arith.constant 640 : i32
    %mul3A_23 = arith.muli %arg1, %mul3A_22 : i32
    %add3A_24 = arith.constant 240 : i32
    %add3A_25 = arith.addi %mul3A_23, %add3A_24 : i32
    %run_scoped3A_26 = arith.constant 0 : i32
    "tpu.region"() ({
      %run_scoped3A_105 = tpu.sem_alloc : memref<!tpu.dma_semaphore, #tpu.memory_space<semaphore_mem>>
      %dma_start3A = arith.constant 0 : i32
      %dma_start3A_106 = arith.constant 0 : i32
      %dma_start3A_107 = tpu.memref_slice %arg9[%run_scoped3A_26, %dma_start3A, %dma_start3A_106] : memref<3x80x128xf32, #tpu.memory_space<vmem>> -> memref<1x80x128xf32, #tpu.memory_space<vmem>>
      %dma_start3A_108 = tpu.memref_squeeze %dma_start3A_107 : memref<1x80x128xf32, #tpu.memory_space<vmem>> -> memref<80x128xf32, #tpu.memory_space<vmem>>
      %dma_start3A_109 = arith.constant 0 : i32
      %dma_start3A_110 = tpu.memref_slice %arg5[%add3A_25, %dma_start3A_109] : memref<10240x128xf32, #tpu.memory_space<vmem_shared>> -> memref<80x128xf32, #tpu.memory_space<vmem_shared>>
      %dma_start3A_111 = arith.constant 0 : i32
      %dma_start3A_112 = tpu.memref_slice %arg5[%add3A_25, %dma_start3A_111] : memref<10240x128xf32, #tpu.memory_space<vmem_shared>> -> memref<80x128xf32, #tpu.memory_space<vmem_shared>>
      %dma_start3A_113 = arith.constant 0 : i32
      %dma_start3A_114 = arith.constant 0 : i32
      %dma_start3A_115 = tpu.memref_slice %arg9[%run_scoped3A_26, %dma_start3A_113, %dma_start3A_114] : memref<3x80x128xf32, #tpu.memory_space<vmem>> -> memref<1x80x128xf32, #tpu.memory_space<vmem>>
      %dma_start3A_116 = tpu.memref_squeeze %dma_start3A_115 : memref<1x80x128xf32, #tpu.memory_space<vmem>> -> memref<80x128xf32, #tpu.memory_space<vmem>>
      tpu.enqueue_dma source(%dma_start3A_116 : memref<80x128xf32, #tpu.memory_space<vmem>>) target(%dma_start3A_112 : memref<80x128xf32, #tpu.memory_space<vmem_shared>>) target_semaphore(%run_scoped3A_105 : memref<!tpu.dma_semaphore, #tpu.memory_space<semaphore_mem>>)
      %dma_wait3A = arith.constant 0 : i32
      %dma_wait3A_117 = arith.constant 0 : i32
      %dma_wait3A_118 = tpu.memref_slice %arg9[%run_scoped3A_26, %dma_wait3A, %dma_wait3A_117] : memref<3x80x128xf32, #tpu.memory_space<vmem>> -> memref<1x80x128xf32, #tpu.memory_space<vmem>>
      %dma_wait3A_119 = tpu.memref_squeeze %dma_wait3A_118 : memref<1x80x128xf32, #tpu.memory_space<vmem>> -> memref<80x128xf32, #tpu.memory_space<vmem>>
      %dma_wait3A_120 = arith.constant 0 : i32
      %dma_wait3A_121 = tpu.memref_slice %arg5[%add3A_25, %dma_wait3A_120] : memref<10240x128xf32, #tpu.memory_space<vmem_shared>> -> memref<80x128xf32, #tpu.memory_space<vmem_shared>>
      %dma_wait3A_122 = arith.constant 0 : i32
      %dma_wait3A_123 = tpu.memref_slice %arg5[%add3A_25, %dma_wait3A_122] : memref<10240x128xf32, #tpu.memory_space<vmem_shared>> -> memref<80x128xf32, #tpu.memory_space<vmem_shared>>
      %dma_wait3A_124 = arith.constant 0 : i32
      %dma_wait3A_125 = arith.constant 0 : i32
      %dma_wait3A_126 = tpu.memref_slice %arg9[%run_scoped3A_26, %dma_wait3A_124, %dma_wait3A_125] : memref<3x80x128xf32, #tpu.memory_space<vmem>> -> memref<1x80x128xf32, #tpu.memory_space<vmem>>
      %dma_wait3A_127 = tpu.memref_squeeze %dma_wait3A_126 : memref<1x80x128xf32, #tpu.memory_space<vmem>> -> memref<80x128xf32, #tpu.memory_space<vmem>>
      tpu.wait_dma2 semaphore(%run_scoped3A_105 : memref<!tpu.dma_semaphore, #tpu.memory_space<semaphore_mem>>) src(%dma_wait3A_127 : memref<80x128xf32, #tpu.memory_space<vmem>>) dst(%dma_wait3A_123 : memref<80x128xf32, #tpu.memory_space<vmem_shared>>)
      tpu.yield
    }) : () -> ()
    %mul3A_27 = arith.constant 640 : i32
    %mul3A_28 = arith.muli %arg1, %mul3A_27 : i32
    %add3A_29 = arith.constant 320 : i32
    %add3A_30 = arith.addi %mul3A_28, %add3A_29 : i32
    %run_scoped3A_31 = arith.constant 0 : i32
    "tpu.region"() ({
      %run_scoped3A_105 = tpu.sem_alloc : memref<!tpu.dma_semaphore, #tpu.memory_space<semaphore_mem>>
      %dma_start3A = arith.constant 0 : i32
      %dma_start3A_106 = arith.constant 0 : i32
      %dma_start3A_107 = tpu.memref_slice %arg9[%run_scoped3A_31, %dma_start3A, %dma_start3A_106] : memref<3x80x128xf32, #tpu.memory_space<vmem>> -> memref<1x80x128xf32, #tpu.memory_space<vmem>>
      %dma_start3A_108 = tpu.memref_squeeze %dma_start3A_107 : memref<1x80x128xf32, #tpu.memory_space<vmem>> -> memref<80x128xf32, #tpu.memory_space<vmem>>
      %dma_start3A_109 = arith.constant 0 : i32
      %dma_start3A_110 = tpu.memref_slice %arg5[%add3A_30, %dma_start3A_109] : memref<10240x128xf32, #tpu.memory_space<vmem_shared>> -> memref<80x128xf32, #tpu.memory_space<vmem_shared>>
      %dma_start3A_111 = arith.constant 0 : i32
      %dma_start3A_112 = tpu.memref_slice %arg5[%add3A_30, %dma_start3A_111] : memref<10240x128xf32, #tpu.memory_space<vmem_shared>> -> memref<80x128xf32, #tpu.memory_space<vmem_shared>>
      %dma_start3A_113 = arith.constant 0 : i32
      %dma_start3A_114 = arith.constant 0 : i32
      %dma_start3A_115 = tpu.memref_slice %arg9[%run_scoped3A_31, %dma_start3A_113, %dma_start3A_114] : memref<3x80x128xf32, #tpu.memory_space<vmem>> -> memref<1x80x128xf32, #tpu.memory_space<vmem>>
      %dma_start3A_116 = tpu.memref_squeeze %dma_start3A_115 : memref<1x80x128xf32, #tpu.memory_space<vmem>> -> memref<80x128xf32, #tpu.memory_space<vmem>>
      tpu.enqueue_dma source(%dma_start3A_116 : memref<80x128xf32, #tpu.memory_space<vmem>>) target(%dma_start3A_112 : memref<80x128xf32, #tpu.memory_space<vmem_shared>>) target_semaphore(%run_scoped3A_105 : memref<!tpu.dma_semaphore, #tpu.memory_space<semaphore_mem>>)
      %dma_wait3A = arith.constant 0 : i32
      %dma_wait3A_117 = arith.constant 0 : i32
      %dma_wait3A_118 = tpu.memref_slice %arg9[%run_scoped3A_31, %dma_wait3A, %dma_wait3A_117] : memref<3x80x128xf32, #tpu.memory_space<vmem>> -> memref<1x80x128xf32, #tpu.memory_space<vmem>>
      %dma_wait3A_119 = tpu.memref_squeeze %dma_wait3A_118 : memref<1x80x128xf32, #tpu.memory_space<vmem>> -> memref<80x128xf32, #tpu.memory_space<vmem>>
      %dma_wait3A_120 = arith.constant 0 : i32
      %dma_wait3A_121 = tpu.memref_slice %arg5[%add3A_30, %dma_wait3A_120] : memref<10240x128xf32, #tpu.memory_space<vmem_shared>> -> memref<80x128xf32, #tpu.memory_space<vmem_shared>>
      %dma_wait3A_122 = arith.constant 0 : i32
      %dma_wait3A_123 = tpu.memref_slice %arg5[%add3A_30, %dma_wait3A_122] : memref<10240x128xf32, #tpu.memory_space<vmem_shared>> -> memref<80x128xf32, #tpu.memory_space<vmem_shared>>
      %dma_wait3A_124 = arith.constant 0 : i32
      %dma_wait3A_125 = arith.constant 0 : i32
      %dma_wait3A_126 = tpu.memref_slice %arg9[%run_scoped3A_31, %dma_wait3A_124, %dma_wait3A_125] : memref<3x80x128xf32, #tpu.memory_space<vmem>> -> memref<1x80x128xf32, #tpu.memory_space<vmem>>
      %dma_wait3A_127 = tpu.memref_squeeze %dma_wait3A_126 : memref<1x80x128xf32, #tpu.memory_space<vmem>> -> memref<80x128xf32, #tpu.memory_space<vmem>>
      tpu.wait_dma2 semaphore(%run_scoped3A_105 : memref<!tpu.dma_semaphore, #tpu.memory_space<semaphore_mem>>) src(%dma_wait3A_127 : memref<80x128xf32, #tpu.memory_space<vmem>>) dst(%dma_wait3A_123 : memref<80x128xf32, #tpu.memory_space<vmem_shared>>)
      tpu.yield
    }) : () -> ()
    %mul3A_32 = arith.constant 640 : i32
    %mul3A_33 = arith.muli %arg1, %mul3A_32 : i32
    %add3A_34 = arith.constant 400 : i32
    %add3A_35 = arith.addi %mul3A_33, %add3A_34 : i32
    %run_scoped3A_36 = arith.constant 0 : i32
    "tpu.region"() ({
      %run_scoped3A_105 = tpu.sem_alloc : memref<!tpu.dma_semaphore, #tpu.memory_space<semaphore_mem>>
      %dma_start3A = arith.constant 0 : i32
      %dma_start3A_106 = arith.constant 0 : i32
      %dma_start3A_107 = tpu.memref_slice %arg9[%run_scoped3A_36, %dma_start3A, %dma_start3A_106] : memref<3x80x128xf32, #tpu.memory_space<vmem>> -> memref<1x80x128xf32, #tpu.memory_space<vmem>>
      %dma_start3A_108 = tpu.memref_squeeze %dma_start3A_107 : memref<1x80x128xf32, #tpu.memory_space<vmem>> -> memref<80x128xf32, #tpu.memory_space<vmem>>
      %dma_start3A_109 = arith.constant 0 : i32
      %dma_start3A_110 = tpu.memref_slice %arg5[%add3A_35, %dma_start3A_109] : memref<10240x128xf32, #tpu.memory_space<vmem_shared>> -> memref<80x128xf32, #tpu.memory_space<vmem_shared>>
      %dma_start3A_111 = arith.constant 0 : i32
      %dma_start3A_112 = tpu.memref_slice %arg5[%add3A_35, %dma_start3A_111] : memref<10240x128xf32, #tpu.memory_space<vmem_shared>> -> memref<80x128xf32, #tpu.memory_space<vmem_shared>>
      %dma_start3A_113 = arith.constant 0 : i32
      %dma_start3A_114 = arith.constant 0 : i32
      %dma_start3A_115 = tpu.memref_slice %arg9[%run_scoped3A_36, %dma_start3A_113, %dma_start3A_114] : memref<3x80x128xf32, #tpu.memory_space<vmem>> -> memref<1x80x128xf32, #tpu.memory_space<vmem>>
      %dma_start3A_116 = tpu.memref_squeeze %dma_start3A_115 : memref<1x80x128xf32, #tpu.memory_space<vmem>> -> memref<80x128xf32, #tpu.memory_space<vmem>>
      tpu.enqueue_dma source(%dma_start3A_116 : memref<80x128xf32, #tpu.memory_space<vmem>>) target(%dma_start3A_112 : memref<80x128xf32, #tpu.memory_space<vmem_shared>>) target_semaphore(%run_scoped3A_105 : memref<!tpu.dma_semaphore, #tpu.memory_space<semaphore_mem>>)
      %dma_wait3A = arith.constant 0 : i32
      %dma_wait3A_117 = arith.constant 0 : i32
      %dma_wait3A_118 = tpu.memref_slice %arg9[%run_scoped3A_36, %dma_wait3A, %dma_wait3A_117] : memref<3x80x128xf32, #tpu.memory_space<vmem>> -> memref<1x80x128xf32, #tpu.memory_space<vmem>>
      %dma_wait3A_119 = tpu.memref_squeeze %dma_wait3A_118 : memref<1x80x128xf32, #tpu.memory_space<vmem>> -> memref<80x128xf32, #tpu.memory_space<vmem>>
      %dma_wait3A_120 = arith.constant 0 : i32
      %dma_wait3A_121 = tpu.memref_slice %arg5[%add3A_35, %dma_wait3A_120] : memref<10240x128xf32, #tpu.memory_space<vmem_shared>> -> memref<80x128xf32, #tpu.memory_space<vmem_shared>>
      %dma_wait3A_122 = arith.constant 0 : i32
      %dma_wait3A_123 = tpu.memref_slice %arg5[%add3A_35, %dma_wait3A_122] : memref<10240x128xf32, #tpu.memory_space<vmem_shared>> -> memref<80x128xf32, #tpu.memory_space<vmem_shared>>
      %dma_wait3A_124 = arith.constant 0 : i32
      %dma_wait3A_125 = arith.constant 0 : i32
      %dma_wait3A_126 = tpu.memref_slice %arg9[%run_scoped3A_36, %dma_wait3A_124, %dma_wait3A_125] : memref<3x80x128xf32, #tpu.memory_space<vmem>> -> memref<1x80x128xf32, #tpu.memory_space<vmem>>
      %dma_wait3A_127 = tpu.memref_squeeze %dma_wait3A_126 : memref<1x80x128xf32, #tpu.memory_space<vmem>> -> memref<80x128xf32, #tpu.memory_space<vmem>>
      tpu.wait_dma2 semaphore(%run_scoped3A_105 : memref<!tpu.dma_semaphore, #tpu.memory_space<semaphore_mem>>) src(%dma_wait3A_127 : memref<80x128xf32, #tpu.memory_space<vmem>>) dst(%dma_wait3A_123 : memref<80x128xf32, #tpu.memory_space<vmem_shared>>)
      tpu.yield
    }) : () -> ()
    %mul3A_37 = arith.constant 640 : i32
    %mul3A_38 = arith.muli %arg1, %mul3A_37 : i32
    %add3A_39 = arith.constant 480 : i32
    %add3A_40 = arith.addi %mul3A_38, %add3A_39 : i32
    %run_scoped3A_41 = arith.constant 0 : i32
    "tpu.region"() ({
      %run_scoped3A_105 = tpu.sem_alloc : memref<!tpu.dma_semaphore, #tpu.memory_space<semaphore_mem>>
      %dma_start3A = arith.constant 0 : i32
      %dma_start3A_106 = arith.constant 0 : i32
      %dma_start3A_107 = tpu.memref_slice %arg9[%run_scoped3A_41, %dma_start3A, %dma_start3A_106] : memref<3x80x128xf32, #tpu.memory_space<vmem>> -> memref<1x80x128xf32, #tpu.memory_space<vmem>>
      %dma_start3A_108 = tpu.memref_squeeze %dma_start3A_107 : memref<1x80x128xf32, #tpu.memory_space<vmem>> -> memref<80x128xf32, #tpu.memory_space<vmem>>
      %dma_start3A_109 = arith.constant 0 : i32
      %dma_start3A_110 = tpu.memref_slice %arg5[%add3A_40, %dma_start3A_109] : memref<10240x128xf32, #tpu.memory_space<vmem_shared>> -> memref<80x128xf32, #tpu.memory_space<vmem_shared>>
      %dma_start3A_111 = arith.constant 0 : i32
      %dma_start3A_112 = tpu.memref_slice %arg5[%add3A_40, %dma_start3A_111] : memref<10240x128xf32, #tpu.memory_space<vmem_shared>> -> memref<80x128xf32, #tpu.memory_space<vmem_shared>>
      %dma_start3A_113 = arith.constant 0 : i32
      %dma_start3A_114 = arith.constant 0 : i32
      %dma_start3A_115 = tpu.memref_slice %arg9[%run_scoped3A_41, %dma_start3A_113, %dma_start3A_114] : memref<3x80x128xf32, #tpu.memory_space<vmem>> -> memref<1x80x128xf32, #tpu.memory_space<vmem>>
      %dma_start3A_116 = tpu.memref_squeeze %dma_start3A_115 : memref<1x80x128xf32, #tpu.memory_space<vmem>> -> memref<80x128xf32, #tpu.memory_space<vmem>>
      tpu.enqueue_dma source(%dma_start3A_116 : memref<80x128xf32, #tpu.memory_space<vmem>>) target(%dma_start3A_112 : memref<80x128xf32, #tpu.memory_space<vmem_shared>>) target_semaphore(%run_scoped3A_105 : memref<!tpu.dma_semaphore, #tpu.memory_space<semaphore_mem>>)
      %dma_wait3A = arith.constant 0 : i32
      %dma_wait3A_117 = arith.constant 0 : i32
      %dma_wait3A_118 = tpu.memref_slice %arg9[%run_scoped3A_41, %dma_wait3A, %dma_wait3A_117] : memref<3x80x128xf32, #tpu.memory_space<vmem>> -> memref<1x80x128xf32, #tpu.memory_space<vmem>>
      %dma_wait3A_119 = tpu.memref_squeeze %dma_wait3A_118 : memref<1x80x128xf32, #tpu.memory_space<vmem>> -> memref<80x128xf32, #tpu.memory_space<vmem>>
      %dma_wait3A_120 = arith.constant 0 : i32
      %dma_wait3A_121 = tpu.memref_slice %arg5[%add3A_40, %dma_wait3A_120] : memref<10240x128xf32, #tpu.memory_space<vmem_shared>> -> memref<80x128xf32, #tpu.memory_space<vmem_shared>>
      %dma_wait3A_122 = arith.constant 0 : i32
      %dma_wait3A_123 = tpu.memref_slice %arg5[%add3A_40, %dma_wait3A_122] : memref<10240x128xf32, #tpu.memory_space<vmem_shared>> -> memref<80x128xf32, #tpu.memory_space<vmem_shared>>
      %dma_wait3A_124 = arith.constant 0 : i32
      %dma_wait3A_125 = arith.constant 0 : i32
      %dma_wait3A_126 = tpu.memref_slice %arg9[%run_scoped3A_41, %dma_wait3A_124, %dma_wait3A_125] : memref<3x80x128xf32, #tpu.memory_space<vmem>> -> memref<1x80x128xf32, #tpu.memory_space<vmem>>
      %dma_wait3A_127 = tpu.memref_squeeze %dma_wait3A_126 : memref<1x80x128xf32, #tpu.memory_space<vmem>> -> memref<80x128xf32, #tpu.memory_space<vmem>>
      tpu.wait_dma2 semaphore(%run_scoped3A_105 : memref<!tpu.dma_semaphore, #tpu.memory_space<semaphore_mem>>) src(%dma_wait3A_127 : memref<80x128xf32, #tpu.memory_space<vmem>>) dst(%dma_wait3A_123 : memref<80x128xf32, #tpu.memory_space<vmem_shared>>)
      tpu.yield
    }) : () -> ()
    %mul3A_42 = arith.constant 640 : i32
    %mul3A_43 = arith.muli %arg1, %mul3A_42 : i32
    %add3A_44 = arith.constant 560 : i32
    %add3A_45 = arith.addi %mul3A_43, %add3A_44 : i32
    %run_scoped3A_46 = arith.constant 0 : i32
    "tpu.region"() ({
      %run_scoped3A_105 = tpu.sem_alloc : memref<!tpu.dma_semaphore, #tpu.memory_space<semaphore_mem>>
      %dma_start3A = arith.constant 0 : i32
      %dma_start3A_106 = arith.constant 0 : i32
      %dma_start3A_107 = tpu.memref_slice %arg9[%run_scoped3A_46, %dma_start3A, %dma_start3A_106] : memref<3x80x128xf32, #tpu.memory_space<vmem>> -> memref<1x80x128xf32, #tpu.memory_space<vmem>>
      %dma_start3A_108 = tpu.memref_squeeze %dma_start3A_107 : memref<1x80x128xf32, #tpu.memory_space<vmem>> -> memref<80x128xf32, #tpu.memory_space<vmem>>
      %dma_start3A_109 = arith.constant 0 : i32
      %dma_start3A_110 = tpu.memref_slice %arg5[%add3A_45, %dma_start3A_109] : memref<10240x128xf32, #tpu.memory_space<vmem_shared>> -> memref<80x128xf32, #tpu.memory_space<vmem_shared>>
      %dma_start3A_111 = arith.constant 0 : i32
      %dma_start3A_112 = tpu.memref_slice %arg5[%add3A_45, %dma_start3A_111] : memref<10240x128xf32, #tpu.memory_space<vmem_shared>> -> memref<80x128xf32, #tpu.memory_space<vmem_shared>>
      %dma_start3A_113 = arith.constant 0 : i32
      %dma_start3A_114 = arith.constant 0 : i32
      %dma_start3A_115 = tpu.memref_slice %arg9[%run_scoped3A_46, %dma_start3A_113, %dma_start3A_114] : memref<3x80x128xf32, #tpu.memory_space<vmem>> -> memref<1x80x128xf32, #tpu.memory_space<vmem>>
      %dma_start3A_116 = tpu.memref_squeeze %dma_start3A_115 : memref<1x80x128xf32, #tpu.memory_space<vmem>> -> memref<80x128xf32, #tpu.memory_space<vmem>>
      tpu.enqueue_dma source(%dma_start3A_116 : memref<80x128xf32, #tpu.memory_space<vmem>>) target(%dma_start3A_112 : memref<80x128xf32, #tpu.memory_space<vmem_shared>>) target_semaphore(%run_scoped3A_105 : memref<!tpu.dma_semaphore, #tpu.memory_space<semaphore_mem>>)
      %dma_wait3A = arith.constant 0 : i32
      %dma_wait3A_117 = arith.constant 0 : i32
      %dma_wait3A_118 = tpu.memref_slice %arg9[%run_scoped3A_46, %dma_wait3A, %dma_wait3A_117] : memref<3x80x128xf32, #tpu.memory_space<vmem>> -> memref<1x80x128xf32, #tpu.memory_space<vmem>>
      %dma_wait3A_119 = tpu.memref_squeeze %dma_wait3A_118 : memref<1x80x128xf32, #tpu.memory_space<vmem>> -> memref<80x128xf32, #tpu.memory_space<vmem>>
      %dma_wait3A_120 = arith.constant 0 : i32
      %dma_wait3A_121 = tpu.memref_slice %arg5[%add3A_45, %dma_wait3A_120] : memref<10240x128xf32, #tpu.memory_space<vmem_shared>> -> memref<80x128xf32, #tpu.memory_space<vmem_shared>>
      %dma_wait3A_122 = arith.constant 0 : i32
      %dma_wait3A_123 = tpu.memref_slice %arg5[%add3A_45, %dma_wait3A_122] : memref<10240x128xf32, #tpu.memory_space<vmem_shared>> -> memref<80x128xf32, #tpu.memory_space<vmem_shared>>
      %dma_wait3A_124 = arith.constant 0 : i32
      %dma_wait3A_125 = arith.constant 0 : i32
      %dma_wait3A_126 = tpu.memref_slice %arg9[%run_scoped3A_46, %dma_wait3A_124, %dma_wait3A_125] : memref<3x80x128xf32, #tpu.memory_space<vmem>> -> memref<1x80x128xf32, #tpu.memory_space<vmem>>
      %dma_wait3A_127 = tpu.memref_squeeze %dma_wait3A_126 : memref<1x80x128xf32, #tpu.memory_space<vmem>> -> memref<80x128xf32, #tpu.memory_space<vmem>>
      tpu.wait_dma2 semaphore(%run_scoped3A_105 : memref<!tpu.dma_semaphore, #tpu.memory_space<semaphore_mem>>) src(%dma_wait3A_127 : memref<80x128xf32, #tpu.memory_space<vmem>>) dst(%dma_wait3A_123 : memref<80x128xf32, #tpu.memory_space<vmem_shared>>)
      tpu.yield
    }) : () -> ()
    %barrier3A = arith.constant 0 : index
    tpu.barrier barrier_id(%barrier3A)
    %mul3A_47 = arith.constant 10000 : i32
    %mul3A_48 = arith.muli %add3A, %mul3A_47 : i32
    %scan3A_49 = arith.constant 0 : i32
    %scan3A_50 = arith.constant 0 : i32
    %scan3A_51 = arith.constant 5 : i32
    %scan3A_52 = arith.addi %scan3A_50, %scan3A_51 : i32
    %scan3A_53 = arith.constant 1 : i32
    %scan3A_54 = scf.for %scan3A_105 = %scan3A_50 to %scan3A_52 step %scan3A_53 iter_args(%scan3A_106 = %scan3A_49) -> (i32)  : i32 {
      %mul3A_107 = arith.constant 2000 : i32
      %mul3A_108 = arith.muli %scan3A_105, %mul3A_107 : i32
      %add3A_109 = arith.addi %mul3A_48, %mul3A_108 : i32
      %run_scoped3A_110 = arith.constant 0 : i32
      "tpu.region"() ({
        %run_scoped3A_165 = tpu.sem_alloc : memref<!tpu.dma_semaphore, #tpu.memory_space<semaphore_mem>>
        %dma_start3A_166 = tpu.memref_slice %arg3[%run_scoped3A_110, %add3A_109] : memref<2x320000xi32, #tpu.memory_space<hbm>> -> memref<1x2000xi32, #tpu.memory_space<hbm>>
        %dma_start3A_167 = tpu.memref_squeeze %dma_start3A_166 : memref<1x2000xi32, #tpu.memory_space<hbm>> -> memref<2000xi32, #tpu.memory_space<hbm>>
        %dma_start3A_168 = tpu.memref_slice %arg3[%run_scoped3A_110, %add3A_109] : memref<2x320000xi32, #tpu.memory_space<hbm>> -> memref<1x2000xi32, #tpu.memory_space<hbm>>
        %dma_start3A_169 = tpu.memref_squeeze %dma_start3A_168 : memref<1x2000xi32, #tpu.memory_space<hbm>> -> memref<2000xi32, #tpu.memory_space<hbm>>
        tpu.enqueue_dma source(%dma_start3A_169 : memref<2000xi32, #tpu.memory_space<hbm>>) target(%arg6 : memref<2000xi32, #tpu.memory_space<vmem>>) target_semaphore(%run_scoped3A_165 : memref<!tpu.dma_semaphore, #tpu.memory_space<semaphore_mem>>)
        %dma_wait3A = tpu.memref_slice %arg3[%run_scoped3A_110, %add3A_109] : memref<2x320000xi32, #tpu.memory_space<hbm>> -> memref<1x2000xi32, #tpu.memory_space<hbm>>
        %dma_wait3A_170 = tpu.memref_squeeze %dma_wait3A : memref<1x2000xi32, #tpu.memory_space<hbm>> -> memref<2000xi32, #tpu.memory_space<hbm>>
        %dma_wait3A_171 = tpu.memref_slice %arg3[%run_scoped3A_110, %add3A_109] : memref<2x320000xi32, #tpu.memory_space<hbm>> -> memref<1x2000xi32, #tpu.memory_space<hbm>>
        %dma_wait3A_172 = tpu.memref_squeeze %dma_wait3A_171 : memref<1x2000xi32, #tpu.memory_space<hbm>> -> memref<2000xi32, #tpu.memory_space<hbm>>
        tpu.wait_dma2 semaphore(%run_scoped3A_165 : memref<!tpu.dma_semaphore, #tpu.memory_space<semaphore_mem>>) src(%dma_wait3A_172 : memref<2000xi32, #tpu.memory_space<hbm>>) dst(%arg6 : memref<2000xi32, #tpu.memory_space<vmem>>)
        tpu.yield
      }) : () -> ()
      %run_scoped3A_111 = arith.constant 1 : i32
      "tpu.region"() ({
        %run_scoped3A_165 = tpu.sem_alloc : memref<!tpu.dma_semaphore, #tpu.memory_space<semaphore_mem>>
        %dma_start3A_166 = tpu.memref_slice %arg3[%run_scoped3A_111, %add3A_109] : memref<2x320000xi32, #tpu.memory_space<hbm>> -> memref<1x2000xi32, #tpu.memory_space<hbm>>
        %dma_start3A_167 = tpu.memref_squeeze %dma_start3A_166 : memref<1x2000xi32, #tpu.memory_space<hbm>> -> memref<2000xi32, #tpu.memory_space<hbm>>
        %dma_start3A_168 = tpu.memref_slice %arg3[%run_scoped3A_111, %add3A_109] : memref<2x320000xi32, #tpu.memory_space<hbm>> -> memref<1x2000xi32, #tpu.memory_space<hbm>>
        %dma_start3A_169 = tpu.memref_squeeze %dma_start3A_168 : memref<1x2000xi32, #tpu.memory_space<hbm>> -> memref<2000xi32, #tpu.memory_space<hbm>>
        tpu.enqueue_dma source(%dma_start3A_169 : memref<2000xi32, #tpu.memory_space<hbm>>) target(%arg7 : memref<2000xi32, #tpu.memory_space<vmem>>) target_semaphore(%run_scoped3A_165 : memref<!tpu.dma_semaphore, #tpu.memory_space<semaphore_mem>>)
        %dma_wait3A = tpu.memref_slice %arg3[%run_scoped3A_111, %add3A_109] : memref<2x320000xi32, #tpu.memory_space<hbm>> -> memref<1x2000xi32, #tpu.memory_space<hbm>>
        %dma_wait3A_170 = tpu.memref_squeeze %dma_wait3A : memref<1x2000xi32, #tpu.memory_space<hbm>> -> memref<2000xi32, #tpu.memory_space<hbm>>
        %dma_wait3A_171 = tpu.memref_slice %arg3[%run_scoped3A_111, %add3A_109] : memref<2x320000xi32, #tpu.memory_space<hbm>> -> memref<1x2000xi32, #tpu.memory_space<hbm>>
        %dma_wait3A_172 = tpu.memref_squeeze %dma_wait3A_171 : memref<1x2000xi32, #tpu.memory_space<hbm>> -> memref<2000xi32, #tpu.memory_space<hbm>>
        tpu.wait_dma2 semaphore(%run_scoped3A_165 : memref<!tpu.dma_semaphore, #tpu.memory_space<semaphore_mem>>) src(%dma_wait3A_172 : memref<2000xi32, #tpu.memory_space<hbm>>) dst(%arg7 : memref<2000xi32, #tpu.memory_space<vmem>>)
        tpu.yield
      }) : () -> ()
      %scan3A_112 = arith.constant 0 : i32
      %scan3A_113 = arith.constant 0 : i32
      %scan3A_114 = arith.constant 25 : i32
      %scan3A_115 = arith.addi %scan3A_113, %scan3A_114 : i32
      %scan3A_116 = arith.constant 1 : i32
      %scan3A_117 = scf.for %scan3A_165 = %scan3A_113 to %scan3A_115 step %scan3A_116 iter_args(%scan3A_166 = %scan3A_112) -> (i32)  : i32 {
        %scan3A_167 = arith.constant 0 : i32
        %scan3A_168 = arith.constant 0 : i32
        %scan3A_169 = arith.constant 5 : i32
        %scan3A_170 = arith.addi %scan3A_168, %scan3A_169 : i32
        %scan3A_171 = arith.constant 1 : i32
        %scan3A_172 = scf.for %scan3A_175 = %scan3A_168 to %scan3A_170 step %scan3A_171 iter_args(%scan3A_176 = %scan3A_167) -> (i32)  : i32 {
          %mul3A_177 = arith.constant 80 : i32
          %mul3A_178 = arith.muli %scan3A_165, %mul3A_177 : i32
          %mul3A_179 = arith.constant 16 : i32
          %mul3A_180 = arith.muli %scan3A_175, %mul3A_179 : i32
          %add3A_181 = arith.addi %mul3A_178, %mul3A_180 : i32
          %get3A = arith.index_cast %add3A_181 : i32 to index
          %get3A_182 = tpu.vector_load %arg6[%get3A] {strides = array<i32>} : memref<2000xi32, #tpu.memory_space<vmem>>, vector<16xi32>,
          %get3A_183 = vector.shape_cast %get3A_182 : vector<16xi32> to vector<16xi32>
          %get3A_184 = arith.index_cast %add3A_181 : i32 to index
          %get3A_185 = tpu.vector_load %arg7[%get3A_184] {strides = array<i32>} : memref<2000xi32, #tpu.memory_space<vmem>>, vector<16xi32>,
          %get3A_186 = vector.shape_cast %get3A_185 : vector<16xi32> to vector<16xi32>
          %eq3A = arith.cmpi eq, %get3A_183, %get3A_186 : vector<16xi32>
          %jit3A = arith.constant 10000 : i32
          %broadcast_in_dim3A_187 = vector.broadcast %jit3A : i32 to vector<16xi32>
          %select_n3A = arith.select %eq3A, %broadcast_in_dim3A_187, %get3A_186 : vector<16xi1>, vector<16xi32>
          %mul3A_188 = arith.constant 16 : i32
          %mul3A_189 = arith.muli %scan3A_175, %mul3A_188 : i32
          %swap3A = arith.index_cast %scan3A_165 : i32 to index
          %swap3A_190 = arith.index_cast %mul3A_189 : i32 to index
          %swap3A_191 = tpu.vector_load %arg8[%swap3A, %swap3A_190] {strides = array<i32>} : memref<25x80xi32, #tpu.memory_space<vmem>>, vector<1x16xi32>,
          %swap3A_192 = vector.shape_cast %swap3A_191 : vector<1x16xi32> to vector<16xi32>
          %swap3A_193 = vector.shape_cast %select_n3A : vector<16xi32> to vector<1x16xi32>
          tpu.vector_store %arg8[%swap3A, %swap3A_190], %swap3A_193 {strides = array<i32>} : memref<25x80xi32, #tpu.memory_space<vmem>>, vector<1x16xi32>,
          %scan3A_194 = arith.constant 0 : i32
          scf.yield %scan3A_194 : i32
        }
        %scan3A_173 = arith.constant 5 : i32
        %scan3A_174 = arith.constant 0 : i32
        scf.yield %scan3A_174 : i32
      }
      %scan3A_118 = arith.constant 25 : i32
      %dma_start3A = arith.constant 0 : i32
      %dma_start3A_119 = arith.constant 0 : i32
      %dma_start3A_120 = arith.constant 0 : i32
      %dma_start3A_121 = arith.constant 0 : i32
      %dma_start3A_122 = tpu.memref_slice %arg9[%dma_start3A, %dma_start3A_120, %dma_start3A_121] : memref<3x80x128xf32, #tpu.memory_space<vmem>> -> memref<1x80x128xf32, #tpu.memory_space<vmem>>
      %dma_start3A_123 = tpu.memref_squeeze %dma_start3A_122 : memref<1x80x128xf32, #tpu.memory_space<vmem>> -> memref<80x128xf32, #tpu.memory_space<vmem>>
      %dma_start3A_124 = arith.constant 0 : i32
      %dma_start3A_125 = tpu.memref_slice %arg6[%dma_start3A_124] : memref<2000xi32, #tpu.memory_space<vmem>> -> memref<80xi32, #tpu.memory_space<vmem>>
      %dma_start3A_126 = arith.constant 0 : i32
      %dma_start3A_127 = arith.constant 0 : i32
      %dma_start3A_128 = tpu.memref_slice %arg2[%dma_start3A_126, %dma_start3A_127] : memref<10240x128xf32, #tpu.memory_space<hbm>> -> memref<10240x128xf32, #tpu.memory_space<hbm>>
      %dma_start3A_129 = tpu.memref_slice %arg10[%dma_start3A_119] : memref<3x!tpu.dma_semaphore, #tpu.memory_space<semaphore_mem>> -> memref<1x!tpu.dma_semaphore, #tpu.memory_space<semaphore_mem>>
      %dma_start3A_130 = tpu.memref_squeeze %dma_start3A_129 : memref<1x!tpu.dma_semaphore, #tpu.memory_space<semaphore_mem>> -> memref<!tpu.dma_semaphore, #tpu.memory_space<semaphore_mem>>
      tpu.enqueue_indirect_dma source(%dma_start3A_128 : memref<10240x128xf32, #tpu.memory_space<hbm>>) target(%dma_start3A_123 : memref<80x128xf32, #tpu.memory_space<vmem>>) offsets(%dma_start3A_125 : memref<80xi32, #tpu.memory_space<vmem>>) semaphore(%dma_start3A_130 : memref<!tpu.dma_semaphore, #tpu.memory_space<semaphore_mem>>)
      %dma_start3A_131 = arith.constant 1 : i32
      %dma_start3A_132 = arith.constant 1 : i32
      %dma_start3A_133 = arith.constant 0 : i32
      %dma_start3A_134 = arith.constant 0 : i32
      %dma_start3A_135 = tpu.memref_slice %arg9[%dma_start3A_131, %dma_start3A_133, %dma_start3A_134] : memref<3x80x128xf32, #tpu.memory_space<vmem>> -> memref<1x80x128xf32, #tpu.memory_space<vmem>>
      %dma_start3A_136 = tpu.memref_squeeze %dma_start3A_135 : memref<1x80x128xf32, #tpu.memory_space<vmem>> -> memref<80x128xf32, #tpu.memory_space<vmem>>
      %dma_start3A_137 = arith.constant 80 : i32
      %dma_start3A_138 = tpu.memref_slice %arg6[%dma_start3A_137] : memref<2000xi32, #tpu.memory_space<vmem>> -> memref<80xi32, #tpu.memory_space<vmem>>
      %dma_start3A_139 = arith.constant 0 : i32
      %dma_start3A_140 = arith.constant 0 : i32
      %dma_start3A_141 = tpu.memref_slice %arg2[%dma_start3A_139, %dma_start3A_140] : memref<10240x128xf32, #tpu.memory_space<hbm>> -> memref<10240x128xf32, #tpu.memory_space<hbm>>
      %dma_start3A_142 = tpu.memref_slice %arg10[%dma_start3A_132] : memref<3x!tpu.dma_semaphore, #tpu.memory_space<semaphore_mem>> -> memref<1x!tpu.dma_semaphore, #tpu.memory_space<semaphore_mem>>
      %dma_start3A_143 = tpu.memref_squeeze %dma_start3A_142 : memref<1x!tpu.dma_semaphore, #tpu.memory_space<semaphore_mem>> -> memref<!tpu.dma_semaphore, #tpu.memory_space<semaphore_mem>>
      tpu.enqueue_indirect_dma source(%dma_start3A_141 : memref<10240x128xf32, #tpu.memory_space<hbm>>) target(%dma_start3A_136 : memref<80x128xf32, #tpu.memory_space<vmem>>) offsets(%dma_start3A_138 : memref<80xi32, #tpu.memory_space<vmem>>) semaphore(%dma_start3A_143 : memref<!tpu.dma_semaphore, #tpu.memory_space<semaphore_mem>>)
      %dma_start3A_144 = arith.constant 2 : i32
      %dma_start3A_145 = arith.constant 2 : i32
      %dma_start3A_146 = arith.constant 0 : i32
      %dma_start3A_147 = arith.constant 0 : i32
      %dma_start3A_148 = tpu.memref_slice %arg9[%dma_start3A_144, %dma_start3A_146, %dma_start3A_147] : memref<3x80x128xf32, #tpu.memory_space<vmem>> -> memref<1x80x128xf32, #tpu.memory_space<vmem>>
      %dma_start3A_149 = tpu.memref_squeeze %dma_start3A_148 : memref<1x80x128xf32, #tpu.memory_space<vmem>> -> memref<80x128xf32, #tpu.memory_space<vmem>>
      %dma_start3A_150 = arith.constant 160 : i32
      %dma_start3A_151 = tpu.memref_slice %arg6[%dma_start3A_150] : memref<2000xi32, #tpu.memory_space<vmem>> -> memref<80xi32, #tpu.memory_space<vmem>>
      %dma_start3A_152 = arith.constant 0 : i32
      %dma_start3A_153 = arith.constant 0 : i32
      %dma_start3A_154 = tpu.memref_slice %arg2[%dma_start3A_152, %dma_start3A_153] : memref<10240x128xf32, #tpu.memory_space<hbm>> -> memref<10240x128xf32, #tpu.memory_space<hbm>>
      %dma_start3A_155 = tpu.memref_slice %arg10[%dma_start3A_145] : memref<3x!tpu.dma_semaphore, #tpu.memory_space<semaphore_mem>> -> memref<1x!tpu.dma_semaphore, #tpu.memory_space<semaphore_mem>>
      %dma_start3A_156 = tpu.memref_squeeze %dma_start3A_155 : memref<1x!tpu.dma_semaphore, #tpu.memory_space<semaphore_mem>> -> memref<!tpu.dma_semaphore, #tpu.memory_space<semaphore_mem>>
      tpu.enqueue_indirect_dma source(%dma_start3A_154 : memref<10240x128xf32, #tpu.memory_space<hbm>>) target(%dma_start3A_149 : memref<80x128xf32, #tpu.memory_space<vmem>>) offsets(%dma_start3A_151 : memref<80xi32, #tpu.memory_space<vmem>>) semaphore(%dma_start3A_156 : memref<!tpu.dma_semaphore, #tpu.memory_space<semaphore_mem>>)
      %scan3A_157 = arith.constant 0 : i32
      %scan3A_158 = arith.constant 0 : i32
      %scan3A_159 = arith.constant 25 : i32
      %scan3A_160 = arith.addi %scan3A_158, %scan3A_159 : i32
      %scan3A_161 = arith.constant 1 : i32
      %scan3A_162 = scf.for %scan3A_165 = %scan3A_158 to %scan3A_160 step %scan3A_161 iter_args(%scan3A_166 = %scan3A_157) -> (i32)  : i32 {
        %rem3A = arith.constant 3 : i32
        %rem3A_167 = arith.remsi %scan3A_165, %rem3A : i32
        %mul3A_168 = arith.constant 80 : i32
        %mul3A_169 = arith.muli %scan3A_165, %mul3A_168 : i32
        %dma_wait3A = arith.constant 0 : i32
        %dma_wait3A_170 = arith.constant 0 : i32
        %dma_wait3A_171 = tpu.memref_slice %arg9[%rem3A_167, %dma_wait3A, %dma_wait3A_170] : memref<3x80x128xf32, #tpu.memory_space<vmem>> -> memref<1x80x128xf32, #tpu.memory_space<vmem>>
        %dma_wait3A_172 = tpu.memref_squeeze %dma_wait3A_171 : memref<1x80x128xf32, #tpu.memory_space<vmem>> -> memref<80x128xf32, #tpu.memory_space<vmem>>
        %dma_wait3A_173 = tpu.memref_slice %arg6[%mul3A_169] : memref<2000xi32, #tpu.memory_space<vmem>> -> memref<80xi32, #tpu.memory_space<vmem>>
        %dma_wait3A_174 = arith.constant 0 : i32
        %dma_wait3A_175 = arith.constant 0 : i32
        %dma_wait3A_176 = tpu.memref_slice %arg2[%dma_wait3A_174, %dma_wait3A_175] : memref<10240x128xf32, #tpu.memory_space<hbm>> -> memref<10240x128xf32, #tpu.memory_space<hbm>>
        %dma_wait3A_177 = tpu.memref_slice %arg10[%rem3A_167] : memref<3x!tpu.dma_semaphore, #tpu.memory_space<semaphore_mem>> -> memref<1x!tpu.dma_semaphore, #tpu.memory_space<semaphore_mem>>
        %dma_wait3A_178 = tpu.memref_squeeze %dma_wait3A_177 : memref<1x!tpu.dma_semaphore, #tpu.memory_space<semaphore_mem>> -> memref<!tpu.dma_semaphore, #tpu.memory_space<semaphore_mem>>
        tpu.wait_indirect_dma semaphore(%dma_wait3A_178 : memref<!tpu.dma_semaphore, #tpu.memory_space<semaphore_mem>>) src(%dma_wait3A_176 : memref<10240x128xf32, #tpu.memory_space<hbm>>) dst(%dma_wait3A_172 : memref<80x128xf32, #tpu.memory_space<vmem>>)
        "tpu.region"() ({
          %run_scoped3A_184 = tpu.sem_alloc : memref<!tpu.dma_semaphore, #tpu.memory_space<semaphore_mem>>
          %dma_start3A_185 = arith.constant 0 : i32
          %dma_start3A_186 = arith.constant 0 : i32
          %dma_start3A_187 = tpu.memref_slice %arg9[%rem3A_167, %dma_start3A_185, %dma_start3A_186] : memref<3x80x128xf32, #tpu.memory_space<vmem>> -> memref<1x80x128xf32, #tpu.memory_space<vmem>>
          %dma_start3A_188 = tpu.memref_squeeze %dma_start3A_187 : memref<1x80x128xf32, #tpu.memory_space<vmem>> -> memref<80x128xf32, #tpu.memory_space<vmem>>
          %dma_start3A_189 = arith.constant 0 : i32
          %dma_start3A_190 = tpu.memref_slice %arg8[%scan3A_165, %dma_start3A_189] : memref<25x80xi32, #tpu.memory_space<vmem>> -> memref<1x80xi32, #tpu.memory_space<vmem>>
          %dma_start3A_191 = tpu.memref_squeeze %dma_start3A_190 : memref<1x80xi32, #tpu.memory_space<vmem>> -> memref<80xi32, #tpu.memory_space<vmem>>
          %dma_start3A_192 = arith.constant 0 : i32
          %dma_start3A_193 = arith.constant 0 : i32
          %dma_start3A_194 = tpu.memref_slice %arg5[%dma_start3A_192, %dma_start3A_193] : memref<10240x128xf32, #tpu.memory_space<vmem_shared>> -> memref<10240x128xf32, #tpu.memory_space<vmem_shared>>
          tpu.enqueue_indirect_dma source(%dma_start3A_188 : memref<80x128xf32, #tpu.memory_space<vmem>>) target(%dma_start3A_194 : memref<10240x128xf32, #tpu.memory_space<vmem_shared>>) offsets(%dma_start3A_191 : memref<80xi32, #tpu.memory_space<vmem>>) semaphore(%run_scoped3A_184 : memref<!tpu.dma_semaphore, #tpu.memory_space<semaphore_mem>>) {add = true}
          %dma_wait3A_195 = arith.constant 0 : i32
          %dma_wait3A_196 = arith.constant 0 : i32
          %dma_wait3A_197 = tpu.memref_slice %arg9[%rem3A_167, %dma_wait3A_195, %dma_wait3A_196] : memref<3x80x128xf32, #tpu.memory_space<vmem>> -> memref<1x80x128xf32, #tpu.memory_space<vmem>>
          %dma_wait3A_198 = tpu.memref_squeeze %dma_wait3A_197 : memref<1x80x128xf32, #tpu.memory_space<vmem>> -> memref<80x128xf32, #tpu.memory_space<vmem>>
          %dma_wait3A_199 = arith.constant 0 : i32
          %dma_wait3A_200 = tpu.memref_slice %arg8[%scan3A_165, %dma_wait3A_199] : memref<25x80xi32, #tpu.memory_space<vmem>> -> memref<1x80xi32, #tpu.memory_space<vmem>>
          %dma_wait3A_201 = tpu.memref_squeeze %dma_wait3A_200 : memref<1x80xi32, #tpu.memory_space<vmem>> -> memref<80xi32, #tpu.memory_space<vmem>>
          %dma_wait3A_202 = arith.constant 0 : i32
          %dma_wait3A_203 = arith.constant 0 : i32
          %dma_wait3A_204 = tpu.memref_slice %arg5[%dma_wait3A_202, %dma_wait3A_203] : memref<10240x128xf32, #tpu.memory_space<vmem_shared>> -> memref<10240x128xf32, #tpu.memory_space<vmem_shared>>
          tpu.wait_indirect_dma semaphore(%run_scoped3A_184 : memref<!tpu.dma_semaphore, #tpu.memory_space<semaphore_mem>>) src(%dma_wait3A_198 : memref<80x128xf32, #tpu.memory_space<vmem>>) dst(%dma_wait3A_204 : memref<10240x128xf32, #tpu.memory_space<vmem_shared>>)
          tpu.yield
        }) : () -> ()
        %add3A_179 = arith.constant 3 : i32
        %add3A_180 = arith.addi %scan3A_165, %add3A_179 : i32
        %lt3A = arith.constant 25 : i32
        %lt3A_181 = arith.cmpi slt, %add3A_180, %lt3A : i32
        %convert_element_type3A = arith.extui %lt3A_181 : i1 to i32
        %cond3A = arith.constant 0 : i32
        %cond3A_182 = arith.cmpi ne, %convert_element_type3A, %cond3A : i32
        scf.if %cond3A_182 {
          %add3A_184 = arith.constant 3 : i32
          %add3A_185 = arith.addi %scan3A_165, %add3A_184 : i32
          %mul3A_186 = arith.constant 80 : i32
          %mul3A_187 = arith.muli %add3A_185, %mul3A_186 : i32
          %dma_start3A_188 = arith.constant 0 : i32
          %dma_start3A_189 = arith.constant 0 : i32
          %dma_start3A_190 = tpu.memref_slice %arg9[%rem3A_167, %dma_start3A_188, %dma_start3A_189] : memref<3x80x128xf32, #tpu.memory_space<vmem>> -> memref<1x80x128xf32, #tpu.memory_space<vmem>>
          %dma_start3A_191 = tpu.memref_squeeze %dma_start3A_190 : memref<1x80x128xf32, #tpu.memory_space<vmem>> -> memref<80x128xf32, #tpu.memory_space<vmem>>
          %dma_start3A_192 = tpu.memref_slice %arg6[%mul3A_187] : memref<2000xi32, #tpu.memory_space<vmem>> -> memref<80xi32, #tpu.memory_space<vmem>>
          %dma_start3A_193 = arith.constant 0 : i32
          %dma_start3A_194 = arith.constant 0 : i32
          %dma_start3A_195 = tpu.memref_slice %arg2[%dma_start3A_193, %dma_start3A_194] : memref<10240x128xf32, #tpu.memory_space<hbm>> -> memref<10240x128xf32, #tpu.memory_space<hbm>>
          %dma_start3A_196 = tpu.memref_slice %arg10[%rem3A_167] : memref<3x!tpu.dma_semaphore, #tpu.memory_space<semaphore_mem>> -> memref<1x!tpu.dma_semaphore, #tpu.memory_space<semaphore_mem>>
          %dma_start3A_197 = tpu.memref_squeeze %dma_start3A_196 : memref<1x!tpu.dma_semaphore, #tpu.memory_space<semaphore_mem>> -> memref<!tpu.dma_semaphore, #tpu.memory_space<semaphore_mem>>
          tpu.enqueue_indirect_dma source(%dma_start3A_195 : memref<10240x128xf32, #tpu.memory_space<hbm>>) target(%dma_start3A_191 : memref<80x128xf32, #tpu.memory_space<vmem>>) offsets(%dma_start3A_192 : memref<80xi32, #tpu.memory_space<vmem>>) semaphore(%dma_start3A_197 : memref<!tpu.dma_semaphore, #tpu.memory_space<semaphore_mem>>)
        } else {
        }
        %scan3A_183 = arith.constant 0 : i32
        scf.yield %scan3A_183 : i32
      }
      %scan3A_163 = arith.constant 25 : i32
      %scan3A_164 = arith.constant 0 : i32
      scf.yield %scan3A_164 : i32
    }
    %scan3A_55 = arith.constant 5 : i32
    %barrier3A_56 = arith.constant 0 : index
    tpu.barrier barrier_id(%barrier3A_56)
    %mul3A_57 = arith.constant 640 : i32
    %mul3A_58 = arith.muli %arg1, %mul3A_57 : i32
    %add3A_59 = arith.constant 0 : i32
    %add3A_60 = arith.addi %mul3A_58, %add3A_59 : i32
    %run_scoped3A_61 = arith.constant 0 : i32
    "tpu.region"() ({
      %run_scoped3A_105 = tpu.sem_alloc : memref<!tpu.dma_semaphore, #tpu.memory_space<semaphore_mem>>
      %dma_start3A = arith.constant 0 : i32
      %dma_start3A_106 = arith.constant 0 : i32
      %dma_start3A_107 = tpu.memref_slice %arg9[%run_scoped3A_61, %dma_start3A, %dma_start3A_106] : memref<3x80x128xf32, #tpu.memory_space<vmem>> -> memref<1x80x128xf32, #tpu.memory_space<vmem>>
      %dma_start3A_108 = tpu.memref_squeeze %dma_start3A_107 : memref<1x80x128xf32, #tpu.memory_space<vmem>> -> memref<80x128xf32, #tpu.memory_space<vmem>>
      %dma_start3A_109 = arith.constant 0 : i32
      %dma_start3A_110 = tpu.memref_slice %arg5[%add3A_60, %dma_start3A_109] : memref<10240x128xf32, #tpu.memory_space<vmem_shared>> -> memref<80x128xf32, #tpu.memory_space<vmem_shared>>
      %dma_start3A_111 = arith.constant 0 : i32
      %dma_start3A_112 = arith.constant 0 : i32
      %dma_start3A_113 = tpu.memref_slice %arg9[%run_scoped3A_61, %dma_start3A_111, %dma_start3A_112] : memref<3x80x128xf32, #tpu.memory_space<vmem>> -> memref<1x80x128xf32, #tpu.memory_space<vmem>>
      %dma_start3A_114 = tpu.memref_squeeze %dma_start3A_113 : memref<1x80x128xf32, #tpu.memory_space<vmem>> -> memref<80x128xf32, #tpu.memory_space<vmem>>
      %dma_start3A_115 = arith.constant 0 : i32
      %dma_start3A_116 = tpu.memref_slice %arg5[%add3A_60, %dma_start3A_115] : memref<10240x128xf32, #tpu.memory_space<vmem_shared>> -> memref<80x128xf32, #tpu.memory_space<vmem_shared>>
      tpu.enqueue_dma source(%dma_start3A_116 : memref<80x128xf32, #tpu.memory_space<vmem_shared>>) target(%dma_start3A_114 : memref<80x128xf32, #tpu.memory_space<vmem>>) target_semaphore(%run_scoped3A_105 : memref<!tpu.dma_semaphore, #tpu.memory_space<semaphore_mem>>)
      %dma_wait3A = arith.constant 0 : i32
      %dma_wait3A_117 = arith.constant 0 : i32
      %dma_wait3A_118 = tpu.memref_slice %arg9[%run_scoped3A_61, %dma_wait3A, %dma_wait3A_117] : memref<3x80x128xf32, #tpu.memory_space<vmem>> -> memref<1x80x128xf32, #tpu.memory_space<vmem>>
      %dma_wait3A_119 = tpu.memref_squeeze %dma_wait3A_118 : memref<1x80x128xf32, #tpu.memory_space<vmem>> -> memref<80x128xf32, #tpu.memory_space<vmem>>
      %dma_wait3A_120 = arith.constant 0 : i32
      %dma_wait3A_121 = tpu.memref_slice %arg5[%add3A_60, %dma_wait3A_120] : memref<10240x128xf32, #tpu.memory_space<vmem_shared>> -> memref<80x128xf32, #tpu.memory_space<vmem_shared>>
      %dma_wait3A_122 = arith.constant 0 : i32
      %dma_wait3A_123 = arith.constant 0 : i32
      %dma_wait3A_124 = tpu.memref_slice %arg9[%run_scoped3A_61, %dma_wait3A_122, %dma_wait3A_123] : memref<3x80x128xf32, #tpu.memory_space<vmem>> -> memref<1x80x128xf32, #tpu.memory_space<vmem>>
      %dma_wait3A_125 = tpu.memref_squeeze %dma_wait3A_124 : memref<1x80x128xf32, #tpu.memory_space<vmem>> -> memref<80x128xf32, #tpu.memory_space<vmem>>
      %dma_wait3A_126 = arith.constant 0 : i32
      %dma_wait3A_127 = tpu.memref_slice %arg5[%add3A_60, %dma_wait3A_126] : memref<10240x128xf32, #tpu.memory_space<vmem_shared>> -> memref<80x128xf32, #tpu.memory_space<vmem_shared>>
      tpu.wait_dma2 semaphore(%run_scoped3A_105 : memref<!tpu.dma_semaphore, #tpu.memory_space<semaphore_mem>>) src(%dma_wait3A_127 : memref<80x128xf32, #tpu.memory_space<vmem_shared>>) dst(%dma_wait3A_125 : memref<80x128xf32, #tpu.memory_space<vmem>>)
      tpu.yield
    }) : () -> ()
    %run_scoped3A_62 = arith.constant 0 : i32
    "tpu.region"() ({
      %run_scoped3A_105 = tpu.sem_alloc : memref<!tpu.dma_semaphore, #tpu.memory_space<semaphore_mem>>
      %dma_start3A = arith.constant 0 : i32
      %dma_start3A_106 = arith.constant 0 : i32
      %dma_start3A_107 = tpu.memref_slice %arg9[%run_scoped3A_62, %dma_start3A, %dma_start3A_106] : memref<3x80x128xf32, #tpu.memory_space<vmem>> -> memref<1x80x128xf32, #tpu.memory_space<vmem>>
      %dma_start3A_108 = tpu.memref_squeeze %dma_start3A_107 : memref<1x80x128xf32, #tpu.memory_space<vmem>> -> memref<80x128xf32, #tpu.memory_space<vmem>>
      %dma_start3A_109 = arith.constant 0 : i32
      %dma_start3A_110 = tpu.memref_slice %arg4[%arg0, %add3A_60, %dma_start3A_109] : memref<2x10240x128xf32, #tpu.memory_space<hbm>> -> memref<1x80x128xf32, #tpu.memory_space<hbm>>
      %dma_start3A_111 = tpu.memref_squeeze %dma_start3A_110 : memref<1x80x128xf32, #tpu.memory_space<hbm>> -> memref<80x128xf32, #tpu.memory_space<hbm>>
      %dma_start3A_112 = arith.constant 0 : i32
      %dma_start3A_113 = tpu.memref_slice %arg4[%arg0, %add3A_60, %dma_start3A_112] : memref<2x10240x128xf32, #tpu.memory_space<hbm>> -> memref<1x80x128xf32, #tpu.memory_space<hbm>>
      %dma_start3A_114 = tpu.memref_squeeze %dma_start3A_113 : memref<1x80x128xf32, #tpu.memory_space<hbm>> -> memref<80x128xf32, #tpu.memory_space<hbm>>
      %dma_start3A_115 = arith.constant 0 : i32
      %dma_start3A_116 = arith.constant 0 : i32
      %dma_start3A_117 = tpu.memref_slice %arg9[%run_scoped3A_62, %dma_start3A_115, %dma_start3A_116] : memref<3x80x128xf32, #tpu.memory_space<vmem>> -> memref<1x80x128xf32, #tpu.memory_space<vmem>>
      %dma_start3A_118 = tpu.memref_squeeze %dma_start3A_117 : memref<1x80x128xf32, #tpu.memory_space<vmem>> -> memref<80x128xf32, #tpu.memory_space<vmem>>
      tpu.enqueue_dma source(%dma_start3A_118 : memref<80x128xf32, #tpu.memory_space<vmem>>) target(%dma_start3A_114 : memref<80x128xf32, #tpu.memory_space<hbm>>) target_semaphore(%run_scoped3A_105 : memref<!tpu.dma_semaphore, #tpu.memory_space<semaphore_mem>>)
      %dma_wait3A = arith.constant 0 : i32
      %dma_wait3A_119 = arith.constant 0 : i32
      %dma_wait3A_120 = tpu.memref_slice %arg9[%run_scoped3A_62, %dma_wait3A, %dma_wait3A_119] : memref<3x80x128xf32, #tpu.memory_space<vmem>> -> memref<1x80x128xf32, #tpu.memory_space<vmem>>
      %dma_wait3A_121 = tpu.memref_squeeze %dma_wait3A_120 : memref<1x80x128xf32, #tpu.memory_space<vmem>> -> memref<80x128xf32, #tpu.memory_space<vmem>>
      %dma_wait3A_122 = arith.constant 0 : i32
      %dma_wait3A_123 = tpu.memref_slice %arg4[%arg0, %add3A_60, %dma_wait3A_122] : memref<2x10240x128xf32, #tpu.memory_space<hbm>> -> memref<1x80x128xf32, #tpu.memory_space<hbm>>
      %dma_wait3A_124 = tpu.memref_squeeze %dma_wait3A_123 : memref<1x80x128xf32, #tpu.memory_space<hbm>> -> memref<80x128xf32, #tpu.memory_space<hbm>>
      %dma_wait3A_125 = arith.constant 0 : i32
      %dma_wait3A_126 = tpu.memref_slice %arg4[%arg0, %add3A_60, %dma_wait3A_125] : memref<2x10240x128xf32, #tpu.memory_space<hbm>> -> memref<1x80x128xf32, #tpu.memory_space<hbm>>
      %dma_wait3A_127 = tpu.memref_squeeze %dma_wait3A_126 : memref<1x80x128xf32, #tpu.memory_space<hbm>> -> memref<80x128xf32, #tpu.memory_space<hbm>>
      %dma_wait3A_128 = arith.constant 0 : i32
      %dma_wait3A_129 = arith.constant 0 : i32
      %dma_wait3A_130 = tpu.memref_slice %arg9[%run_scoped3A_62, %dma_wait3A_128, %dma_wait3A_129] : memref<3x80x128xf32, #tpu.memory_space<vmem>> -> memref<1x80x128xf32, #tpu.memory_space<vmem>>
      %dma_wait3A_131 = tpu.memref_squeeze %dma_wait3A_130 : memref<1x80x128xf32, #tpu.memory_space<vmem>> -> memref<80x128xf32, #tpu.memory_space<vmem>>
      tpu.wait_dma2 semaphore(%run_scoped3A_105 : memref<!tpu.dma_semaphore, #tpu.memory_space<semaphore_mem>>) src(%dma_wait3A_131 : memref<80x128xf32, #tpu.memory_space<vmem>>) dst(%dma_wait3A_127 : memref<80x128xf32, #tpu.memory_space<hbm>>)
      tpu.yield
    }) : () -> ()
    %mul3A_63 = arith.constant 640 : i32
    %mul3A_64 = arith.muli %arg1, %mul3A_63 : i32
    %add3A_65 = arith.constant 80 : i32
    %add3A_66 = arith.addi %mul3A_64, %add3A_65 : i32
    %run_scoped3A_67 = arith.constant 0 : i32
    "tpu.region"() ({
      %run_scoped3A_105 = tpu.sem_alloc : memref<!tpu.dma_semaphore, #tpu.memory_space<semaphore_mem>>
      %dma_start3A = arith.constant 0 : i32
      %dma_start3A_106 = arith.constant 0 : i32
      %dma_start3A_107 = tpu.memref_slice %arg9[%run_scoped3A_67, %dma_start3A, %dma_start3A_106] : memref<3x80x128xf32, #tpu.memory_space<vmem>> -> memref<1x80x128xf32, #tpu.memory_space<vmem>>
      %dma_start3A_108 = tpu.memref_squeeze %dma_start3A_107 : memref<1x80x128xf32, #tpu.memory_space<vmem>> -> memref<80x128xf32, #tpu.memory_space<vmem>>
      %dma_start3A_109 = arith.constant 0 : i32
      %dma_start3A_110 = tpu.memref_slice %arg5[%add3A_66, %dma_start3A_109] : memref<10240x128xf32, #tpu.memory_space<vmem_shared>> -> memref<80x128xf32, #tpu.memory_space<vmem_shared>>
      %dma_start3A_111 = arith.constant 0 : i32
      %dma_start3A_112 = arith.constant 0 : i32
      %dma_start3A_113 = tpu.memref_slice %arg9[%run_scoped3A_67, %dma_start3A_111, %dma_start3A_112] : memref<3x80x128xf32, #tpu.memory_space<vmem>> -> memref<1x80x128xf32, #tpu.memory_space<vmem>>
      %dma_start3A_114 = tpu.memref_squeeze %dma_start3A_113 : memref<1x80x128xf32, #tpu.memory_space<vmem>> -> memref<80x128xf32, #tpu.memory_space<vmem>>
      %dma_start3A_115 = arith.constant 0 : i32
      %dma_start3A_116 = tpu.memref_slice %arg5[%add3A_66, %dma_start3A_115] : memref<10240x128xf32, #tpu.memory_space<vmem_shared>> -> memref<80x128xf32, #tpu.memory_space<vmem_shared>>
      tpu.enqueue_dma source(%dma_start3A_116 : memref<80x128xf32, #tpu.memory_space<vmem_shared>>) target(%dma_start3A_114 : memref<80x128xf32, #tpu.memory_space<vmem>>) target_semaphore(%run_scoped3A_105 : memref<!tpu.dma_semaphore, #tpu.memory_space<semaphore_mem>>)
      %dma_wait3A = arith.constant 0 : i32
      %dma_wait3A_117 = arith.constant 0 : i32
      %dma_wait3A_118 = tpu.memref_slice %arg9[%run_scoped3A_67, %dma_wait3A, %dma_wait3A_117] : memref<3x80x128xf32, #tpu.memory_space<vmem>> -> memref<1x80x128xf32, #tpu.memory_space<vmem>>
      %dma_wait3A_119 = tpu.memref_squeeze %dma_wait3A_118 : memref<1x80x128xf32, #tpu.memory_space<vmem>> -> memref<80x128xf32, #tpu.memory_space<vmem>>
      %dma_wait3A_120 = arith.constant 0 : i32
      %dma_wait3A_121 = tpu.memref_slice %arg5[%add3A_66, %dma_wait3A_120] : memref<10240x128xf32, #tpu.memory_space<vmem_shared>> -> memref<80x128xf32, #tpu.memory_space<vmem_shared>>
      %dma_wait3A_122 = arith.constant 0 : i32
      %dma_wait3A_123 = arith.constant 0 : i32
      %dma_wait3A_124 = tpu.memref_slice %arg9[%run_scoped3A_67, %dma_wait3A_122, %dma_wait3A_123] : memref<3x80x128xf32, #tpu.memory_space<vmem>> -> memref<1x80x128xf32, #tpu.memory_space<vmem>>
      %dma_wait3A_125 = tpu.memref_squeeze %dma_wait3A_124 : memref<1x80x128xf32, #tpu.memory_space<vmem>> -> memref<80x128xf32, #tpu.memory_space<vmem>>
      %dma_wait3A_126 = arith.constant 0 : i32
      %dma_wait3A_127 = tpu.memref_slice %arg5[%add3A_66, %dma_wait3A_126] : memref<10240x128xf32, #tpu.memory_space<vmem_shared>> -> memref<80x128xf32, #tpu.memory_space<vmem_shared>>
      tpu.wait_dma2 semaphore(%run_scoped3A_105 : memref<!tpu.dma_semaphore, #tpu.memory_space<semaphore_mem>>) src(%dma_wait3A_127 : memref<80x128xf32, #tpu.memory_space<vmem_shared>>) dst(%dma_wait3A_125 : memref<80x128xf32, #tpu.memory_space<vmem>>)
      tpu.yield
    }) : () -> ()
    %run_scoped3A_68 = arith.constant 0 : i32
    "tpu.region"() ({
      %run_scoped3A_105 = tpu.sem_alloc : memref<!tpu.dma_semaphore, #tpu.memory_space<semaphore_mem>>
      %dma_start3A = arith.constant 0 : i32
      %dma_start3A_106 = arith.constant 0 : i32
      %dma_start3A_107 = tpu.memref_slice %arg9[%run_scoped3A_68, %dma_start3A, %dma_start3A_106] : memref<3x80x128xf32, #tpu.memory_space<vmem>> -> memref<1x80x128xf32, #tpu.memory_space<vmem>>
      %dma_start3A_108 = tpu.memref_squeeze %dma_start3A_107 : memref<1x80x128xf32, #tpu.memory_space<vmem>> -> memref<80x128xf32, #tpu.memory_space<vmem>>
      %dma_start3A_109 = arith.constant 0 : i32
      %dma_start3A_110 = tpu.memref_slice %arg4[%arg0, %add3A_66, %dma_start3A_109] : memref<2x10240x128xf32, #tpu.memory_space<hbm>> -> memref<1x80x128xf32, #tpu.memory_space<hbm>>
      %dma_start3A_111 = tpu.memref_squeeze %dma_start3A_110 : memref<1x80x128xf32, #tpu.memory_space<hbm>> -> memref<80x128xf32, #tpu.memory_space<hbm>>
      %dma_start3A_112 = arith.constant 0 : i32
      %dma_start3A_113 = tpu.memref_slice %arg4[%arg0, %add3A_66, %dma_start3A_112] : memref<2x10240x128xf32, #tpu.memory_space<hbm>> -> memref<1x80x128xf32, #tpu.memory_space<hbm>>
      %dma_start3A_114 = tpu.memref_squeeze %dma_start3A_113 : memref<1x80x128xf32, #tpu.memory_space<hbm>> -> memref<80x128xf32, #tpu.memory_space<hbm>>
      %dma_start3A_115 = arith.constant 0 : i32
      %dma_start3A_116 = arith.constant 0 : i32
      %dma_start3A_117 = tpu.memref_slice %arg9[%run_scoped3A_68, %dma_start3A_115, %dma_start3A_116] : memref<3x80x128xf32, #tpu.memory_space<vmem>> -> memref<1x80x128xf32, #tpu.memory_space<vmem>>
      %dma_start3A_118 = tpu.memref_squeeze %dma_start3A_117 : memref<1x80x128xf32, #tpu.memory_space<vmem>> -> memref<80x128xf32, #tpu.memory_space<vmem>>
      tpu.enqueue_dma source(%dma_start3A_118 : memref<80x128xf32, #tpu.memory_space<vmem>>) target(%dma_start3A_114 : memref<80x128xf32, #tpu.memory_space<hbm>>) target_semaphore(%run_scoped3A_105 : memref<!tpu.dma_semaphore, #tpu.memory_space<semaphore_mem>>)
      %dma_wait3A = arith.constant 0 : i32
      %dma_wait3A_119 = arith.constant 0 : i32
      %dma_wait3A_120 = tpu.memref_slice %arg9[%run_scoped3A_68, %dma_wait3A, %dma_wait3A_119] : memref<3x80x128xf32, #tpu.memory_space<vmem>> -> memref<1x80x128xf32, #tpu.memory_space<vmem>>
      %dma_wait3A_121 = tpu.memref_squeeze %dma_wait3A_120 : memref<1x80x128xf32, #tpu.memory_space<vmem>> -> memref<80x128xf32, #tpu.memory_space<vmem>>
      %dma_wait3A_122 = arith.constant 0 : i32
      %dma_wait3A_123 = tpu.memref_slice %arg4[%arg0, %add3A_66, %dma_wait3A_122] : memref<2x10240x128xf32, #tpu.memory_space<hbm>> -> memref<1x80x128xf32, #tpu.memory_space<hbm>>
      %dma_wait3A_124 = tpu.memref_squeeze %dma_wait3A_123 : memref<1x80x128xf32, #tpu.memory_space<hbm>> -> memref<80x128xf32, #tpu.memory_space<hbm>>
      %dma_wait3A_125 = arith.constant 0 : i32
      %dma_wait3A_126 = tpu.memref_slice %arg4[%arg0, %add3A_66, %dma_wait3A_125] : memref<2x10240x128xf32, #tpu.memory_space<hbm>> -> memref<1x80x128xf32, #tpu.memory_space<hbm>>
      %dma_wait3A_127 = tpu.memref_squeeze %dma_wait3A_126 : memref<1x80x128xf32, #tpu.memory_space<hbm>> -> memref<80x128xf32, #tpu.memory_space<hbm>>
      %dma_wait3A_128 = arith.constant 0 : i32
      %dma_wait3A_129 = arith.constant 0 : i32
      %dma_wait3A_130 = tpu.memref_slice %arg9[%run_scoped3A_68, %dma_wait3A_128, %dma_wait3A_129] : memref<3x80x128xf32, #tpu.memory_space<vmem>> -> memref<1x80x128xf32, #tpu.memory_space<vmem>>
      %dma_wait3A_131 = tpu.memref_squeeze %dma_wait3A_130 : memref<1x80x128xf32, #tpu.memory_space<vmem>> -> memref<80x128xf32, #tpu.memory_space<vmem>>
      tpu.wait_dma2 semaphore(%run_scoped3A_105 : memref<!tpu.dma_semaphore, #tpu.memory_space<semaphore_mem>>) src(%dma_wait3A_131 : memref<80x128xf32, #tpu.memory_space<vmem>>) dst(%dma_wait3A_127 : memref<80x128xf32, #tpu.memory_space<hbm>>)
      tpu.yield
    }) : () -> ()
    %mul3A_69 = arith.constant 640 : i32
    %mul3A_70 = arith.muli %arg1, %mul3A_69 : i32
    %add3A_71 = arith.constant 160 : i32
    %add3A_72 = arith.addi %mul3A_70, %add3A_71 : i32
    %run_scoped3A_73 = arith.constant 0 : i32
    "tpu.region"() ({
      %run_scoped3A_105 = tpu.sem_alloc : memref<!tpu.dma_semaphore, #tpu.memory_space<semaphore_mem>>
      %dma_start3A = arith.constant 0 : i32
      %dma_start3A_106 = arith.constant 0 : i32
      %dma_start3A_107 = tpu.memref_slice %arg9[%run_scoped3A_73, %dma_start3A, %dma_start3A_106] : memref<3x80x128xf32, #tpu.memory_space<vmem>> -> memref<1x80x128xf32, #tpu.memory_space<vmem>>
      %dma_start3A_108 = tpu.memref_squeeze %dma_start3A_107 : memref<1x80x128xf32, #tpu.memory_space<vmem>> -> memref<80x128xf32, #tpu.memory_space<vmem>>
      %dma_start3A_109 = arith.constant 0 : i32
      %dma_start3A_110 = tpu.memref_slice %arg5[%add3A_72, %dma_start3A_109] : memref<10240x128xf32, #tpu.memory_space<vmem_shared>> -> memref<80x128xf32, #tpu.memory_space<vmem_shared>>
      %dma_start3A_111 = arith.constant 0 : i32
      %dma_start3A_112 = arith.constant 0 : i32
      %dma_start3A_113 = tpu.memref_slice %arg9[%run_scoped3A_73, %dma_start3A_111, %dma_start3A_112] : memref<3x80x128xf32, #tpu.memory_space<vmem>> -> memref<1x80x128xf32, #tpu.memory_space<vmem>>
      %dma_start3A_114 = tpu.memref_squeeze %dma_start3A_113 : memref<1x80x128xf32, #tpu.memory_space<vmem>> -> memref<80x128xf32, #tpu.memory_space<vmem>>
      %dma_start3A_115 = arith.constant 0 : i32
      %dma_start3A_116 = tpu.memref_slice %arg5[%add3A_72, %dma_start3A_115] : memref<10240x128xf32, #tpu.memory_space<vmem_shared>> -> memref<80x128xf32, #tpu.memory_space<vmem_shared>>
      tpu.enqueue_dma source(%dma_start3A_116 : memref<80x128xf32, #tpu.memory_space<vmem_shared>>) target(%dma_start3A_114 : memref<80x128xf32, #tpu.memory_space<vmem>>) target_semaphore(%run_scoped3A_105 : memref<!tpu.dma_semaphore, #tpu.memory_space<semaphore_mem>>)
      %dma_wait3A = arith.constant 0 : i32
      %dma_wait3A_117 = arith.constant 0 : i32
      %dma_wait3A_118 = tpu.memref_slice %arg9[%run_scoped3A_73, %dma_wait3A, %dma_wait3A_117] : memref<3x80x128xf32, #tpu.memory_space<vmem>> -> memref<1x80x128xf32, #tpu.memory_space<vmem>>
      %dma_wait3A_119 = tpu.memref_squeeze %dma_wait3A_118 : memref<1x80x128xf32, #tpu.memory_space<vmem>> -> memref<80x128xf32, #tpu.memory_space<vmem>>
      %dma_wait3A_120 = arith.constant 0 : i32
      %dma_wait3A_121 = tpu.memref_slice %arg5[%add3A_72, %dma_wait3A_120] : memref<10240x128xf32, #tpu.memory_space<vmem_shared>> -> memref<80x128xf32, #tpu.memory_space<vmem_shared>>
      %dma_wait3A_122 = arith.constant 0 : i32
      %dma_wait3A_123 = arith.constant 0 : i32
      %dma_wait3A_124 = tpu.memref_slice %arg9[%run_scoped3A_73, %dma_wait3A_122, %dma_wait3A_123] : memref<3x80x128xf32, #tpu.memory_space<vmem>> -> memref<1x80x128xf32, #tpu.memory_space<vmem>>
      %dma_wait3A_125 = tpu.memref_squeeze %dma_wait3A_124 : memref<1x80x128xf32, #tpu.memory_space<vmem>> -> memref<80x128xf32, #tpu.memory_space<vmem>>
      %dma_wait3A_126 = arith.constant 0 : i32
      %dma_wait3A_127 = tpu.memref_slice %arg5[%add3A_72, %dma_wait3A_126] : memref<10240x128xf32, #tpu.memory_space<vmem_shared>> -> memref<80x128xf32, #tpu.memory_space<vmem_shared>>
      tpu.wait_dma2 semaphore(%run_scoped3A_105 : memref<!tpu.dma_semaphore, #tpu.memory_space<semaphore_mem>>) src(%dma_wait3A_127 : memref<80x128xf32, #tpu.memory_space<vmem_shared>>) dst(%dma_wait3A_125 : memref<80x128xf32, #tpu.memory_space<vmem>>)
      tpu.yield
    }) : () -> ()
    %run_scoped3A_74 = arith.constant 0 : i32
    "tpu.region"() ({
      %run_scoped3A_105 = tpu.sem_alloc : memref<!tpu.dma_semaphore, #tpu.memory_space<semaphore_mem>>
      %dma_start3A = arith.constant 0 : i32
      %dma_start3A_106 = arith.constant 0 : i32
      %dma_start3A_107 = tpu.memref_slice %arg9[%run_scoped3A_74, %dma_start3A, %dma_start3A_106] : memref<3x80x128xf32, #tpu.memory_space<vmem>> -> memref<1x80x128xf32, #tpu.memory_space<vmem>>
      %dma_start3A_108 = tpu.memref_squeeze %dma_start3A_107 : memref<1x80x128xf32, #tpu.memory_space<vmem>> -> memref<80x128xf32, #tpu.memory_space<vmem>>
      %dma_start3A_109 = arith.constant 0 : i32
      %dma_start3A_110 = tpu.memref_slice %arg4[%arg0, %add3A_72, %dma_start3A_109] : memref<2x10240x128xf32, #tpu.memory_space<hbm>> -> memref<1x80x128xf32, #tpu.memory_space<hbm>>
      %dma_start3A_111 = tpu.memref_squeeze %dma_start3A_110 : memref<1x80x128xf32, #tpu.memory_space<hbm>> -> memref<80x128xf32, #tpu.memory_space<hbm>>
      %dma_start3A_112 = arith.constant 0 : i32
      %dma_start3A_113 = tpu.memref_slice %arg4[%arg0, %add3A_72, %dma_start3A_112] : memref<2x10240x128xf32, #tpu.memory_space<hbm>> -> memref<1x80x128xf32, #tpu.memory_space<hbm>>
      %dma_start3A_114 = tpu.memref_squeeze %dma_start3A_113 : memref<1x80x128xf32, #tpu.memory_space<hbm>> -> memref<80x128xf32, #tpu.memory_space<hbm>>
      %dma_start3A_115 = arith.constant 0 : i32
      %dma_start3A_116 = arith.constant 0 : i32
      %dma_start3A_117 = tpu.memref_slice %arg9[%run_scoped3A_74, %dma_start3A_115, %dma_start3A_116] : memref<3x80x128xf32, #tpu.memory_space<vmem>> -> memref<1x80x128xf32, #tpu.memory_space<vmem>>
      %dma_start3A_118 = tpu.memref_squeeze %dma_start3A_117 : memref<1x80x128xf32, #tpu.memory_space<vmem>> -> memref<80x128xf32, #tpu.memory_space<vmem>>
      tpu.enqueue_dma source(%dma_start3A_118 : memref<80x128xf32, #tpu.memory_space<vmem>>) target(%dma_start3A_114 : memref<80x128xf32, #tpu.memory_space<hbm>>) target_semaphore(%run_scoped3A_105 : memref<!tpu.dma_semaphore, #tpu.memory_space<semaphore_mem>>)
      %dma_wait3A = arith.constant 0 : i32
      %dma_wait3A_119 = arith.constant 0 : i32
      %dma_wait3A_120 = tpu.memref_slice %arg9[%run_scoped3A_74, %dma_wait3A, %dma_wait3A_119] : memref<3x80x128xf32, #tpu.memory_space<vmem>> -> memref<1x80x128xf32, #tpu.memory_space<vmem>>
      %dma_wait3A_121 = tpu.memref_squeeze %dma_wait3A_120 : memref<1x80x128xf32, #tpu.memory_space<vmem>> -> memref<80x128xf32, #tpu.memory_space<vmem>>
      %dma_wait3A_122 = arith.constant 0 : i32
      %dma_wait3A_123 = tpu.memref_slice %arg4[%arg0, %add3A_72, %dma_wait3A_122] : memref<2x10240x128xf32, #tpu.memory_space<hbm>> -> memref<1x80x128xf32, #tpu.memory_space<hbm>>
      %dma_wait3A_124 = tpu.memref_squeeze %dma_wait3A_123 : memref<1x80x128xf32, #tpu.memory_space<hbm>> -> memref<80x128xf32, #tpu.memory_space<hbm>>
      %dma_wait3A_125 = arith.constant 0 : i32
      %dma_wait3A_126 = tpu.memref_slice %arg4[%arg0, %add3A_72, %dma_wait3A_125] : memref<2x10240x128xf32, #tpu.memory_space<hbm>> -> memref<1x80x128xf32, #tpu.memory_space<hbm>>
      %dma_wait3A_127 = tpu.memref_squeeze %dma_wait3A_126 : memref<1x80x128xf32, #tpu.memory_space<hbm>> -> memref<80x128xf32, #tpu.memory_space<hbm>>
      %dma_wait3A_128 = arith.constant 0 : i32
      %dma_wait3A_129 = arith.constant 0 : i32
      %dma_wait3A_130 = tpu.memref_slice %arg9[%run_scoped3A_74, %dma_wait3A_128, %dma_wait3A_129] : memref<3x80x128xf32, #tpu.memory_space<vmem>> -> memref<1x80x128xf32, #tpu.memory_space<vmem>>
      %dma_wait3A_131 = tpu.memref_squeeze %dma_wait3A_130 : memref<1x80x128xf32, #tpu.memory_space<vmem>> -> memref<80x128xf32, #tpu.memory_space<vmem>>
      tpu.wait_dma2 semaphore(%run_scoped3A_105 : memref<!tpu.dma_semaphore, #tpu.memory_space<semaphore_mem>>) src(%dma_wait3A_131 : memref<80x128xf32, #tpu.memory_space<vmem>>) dst(%dma_wait3A_127 : memref<80x128xf32, #tpu.memory_space<hbm>>)
      tpu.yield
    }) : () -> ()
    %mul3A_75 = arith.constant 640 : i32
    %mul3A_76 = arith.muli %arg1, %mul3A_75 : i32
    %add3A_77 = arith.constant 240 : i32
    %add3A_78 = arith.addi %mul3A_76, %add3A_77 : i32
    %run_scoped3A_79 = arith.constant 0 : i32
    "tpu.region"() ({
      %run_scoped3A_105 = tpu.sem_alloc : memref<!tpu.dma_semaphore, #tpu.memory_space<semaphore_mem>>
      %dma_start3A = arith.constant 0 : i32
      %dma_start3A_106 = arith.constant 0 : i32
      %dma_start3A_107 = tpu.memref_slice %arg9[%run_scoped3A_79, %dma_start3A, %dma_start3A_106] : memref<3x80x128xf32, #tpu.memory_space<vmem>> -> memref<1x80x128xf32, #tpu.memory_space<vmem>>
      %dma_start3A_108 = tpu.memref_squeeze %dma_start3A_107 : memref<1x80x128xf32, #tpu.memory_space<vmem>> -> memref<80x128xf32, #tpu.memory_space<vmem>>
      %dma_start3A_109 = arith.constant 0 : i32
      %dma_start3A_110 = tpu.memref_slice %arg5[%add3A_78, %dma_start3A_109] : memref<10240x128xf32, #tpu.memory_space<vmem_shared>> -> memref<80x128xf32, #tpu.memory_space<vmem_shared>>
      %dma_start3A_111 = arith.constant 0 : i32
      %dma_start3A_112 = arith.constant 0 : i32
      %dma_start3A_113 = tpu.memref_slice %arg9[%run_scoped3A_79, %dma_start3A_111, %dma_start3A_112] : memref<3x80x128xf32, #tpu.memory_space<vmem>> -> memref<1x80x128xf32, #tpu.memory_space<vmem>>
      %dma_start3A_114 = tpu.memref_squeeze %dma_start3A_113 : memref<1x80x128xf32, #tpu.memory_space<vmem>> -> memref<80x128xf32, #tpu.memory_space<vmem>>
      %dma_start3A_115 = arith.constant 0 : i32
      %dma_start3A_116 = tpu.memref_slice %arg5[%add3A_78, %dma_start3A_115] : memref<10240x128xf32, #tpu.memory_space<vmem_shared>> -> memref<80x128xf32, #tpu.memory_space<vmem_shared>>
      tpu.enqueue_dma source(%dma_start3A_116 : memref<80x128xf32, #tpu.memory_space<vmem_shared>>) target(%dma_start3A_114 : memref<80x128xf32, #tpu.memory_space<vmem>>) target_semaphore(%run_scoped3A_105 : memref<!tpu.dma_semaphore, #tpu.memory_space<semaphore_mem>>)
      %dma_wait3A = arith.constant 0 : i32
      %dma_wait3A_117 = arith.constant 0 : i32
      %dma_wait3A_118 = tpu.memref_slice %arg9[%run_scoped3A_79, %dma_wait3A, %dma_wait3A_117] : memref<3x80x128xf32, #tpu.memory_space<vmem>> -> memref<1x80x128xf32, #tpu.memory_space<vmem>>
      %dma_wait3A_119 = tpu.memref_squeeze %dma_wait3A_118 : memref<1x80x128xf32, #tpu.memory_space<vmem>> -> memref<80x128xf32, #tpu.memory_space<vmem>>
      %dma_wait3A_120 = arith.constant 0 : i32
      %dma_wait3A_121 = tpu.memref_slice %arg5[%add3A_78, %dma_wait3A_120] : memref<10240x128xf32, #tpu.memory_space<vmem_shared>> -> memref<80x128xf32, #tpu.memory_space<vmem_shared>>
      %dma_wait3A_122 = arith.constant 0 : i32
      %dma_wait3A_123 = arith.constant 0 : i32
      %dma_wait3A_124 = tpu.memref_slice %arg9[%run_scoped3A_79, %dma_wait3A_122, %dma_wait3A_123] : memref<3x80x128xf32, #tpu.memory_space<vmem>> -> memref<1x80x128xf32, #tpu.memory_space<vmem>>
      %dma_wait3A_125 = tpu.memref_squeeze %dma_wait3A_124 : memref<1x80x128xf32, #tpu.memory_space<vmem>> -> memref<80x128xf32, #tpu.memory_space<vmem>>
      %dma_wait3A_126 = arith.constant 0 : i32
      %dma_wait3A_127 = tpu.memref_slice %arg5[%add3A_78, %dma_wait3A_126] : memref<10240x128xf32, #tpu.memory_space<vmem_shared>> -> memref<80x128xf32, #tpu.memory_space<vmem_shared>>
      tpu.wait_dma2 semaphore(%run_scoped3A_105 : memref<!tpu.dma_semaphore, #tpu.memory_space<semaphore_mem>>) src(%dma_wait3A_127 : memref<80x128xf32, #tpu.memory_space<vmem_shared>>) dst(%dma_wait3A_125 : memref<80x128xf32, #tpu.memory_space<vmem>>)
      tpu.yield
    }) : () -> ()
    %run_scoped3A_80 = arith.constant 0 : i32
    "tpu.region"() ({
      %run_scoped3A_105 = tpu.sem_alloc : memref<!tpu.dma_semaphore, #tpu.memory_space<semaphore_mem>>
      %dma_start3A = arith.constant 0 : i32
      %dma_start3A_106 = arith.constant 0 : i32
      %dma_start3A_107 = tpu.memref_slice %arg9[%run_scoped3A_80, %dma_start3A, %dma_start3A_106] : memref<3x80x128xf32, #tpu.memory_space<vmem>> -> memref<1x80x128xf32, #tpu.memory_space<vmem>>
      %dma_start3A_108 = tpu.memref_squeeze %dma_start3A_107 : memref<1x80x128xf32, #tpu.memory_space<vmem>> -> memref<80x128xf32, #tpu.memory_space<vmem>>
      %dma_start3A_109 = arith.constant 0 : i32
      %dma_start3A_110 = tpu.memref_slice %arg4[%arg0, %add3A_78, %dma_start3A_109] : memref<2x10240x128xf32, #tpu.memory_space<hbm>> -> memref<1x80x128xf32, #tpu.memory_space<hbm>>
      %dma_start3A_111 = tpu.memref_squeeze %dma_start3A_110 : memref<1x80x128xf32, #tpu.memory_space<hbm>> -> memref<80x128xf32, #tpu.memory_space<hbm>>
      %dma_start3A_112 = arith.constant 0 : i32
      %dma_start3A_113 = tpu.memref_slice %arg4[%arg0, %add3A_78, %dma_start3A_112] : memref<2x10240x128xf32, #tpu.memory_space<hbm>> -> memref<1x80x128xf32, #tpu.memory_space<hbm>>
      %dma_start3A_114 = tpu.memref_squeeze %dma_start3A_113 : memref<1x80x128xf32, #tpu.memory_space<hbm>> -> memref<80x128xf32, #tpu.memory_space<hbm>>
      %dma_start3A_115 = arith.constant 0 : i32
      %dma_start3A_116 = arith.constant 0 : i32
      %dma_start3A_117 = tpu.memref_slice %arg9[%run_scoped3A_80, %dma_start3A_115, %dma_start3A_116] : memref<3x80x128xf32, #tpu.memory_space<vmem>> -> memref<1x80x128xf32, #tpu.memory_space<vmem>>
      %dma_start3A_118 = tpu.memref_squeeze %dma_start3A_117 : memref<1x80x128xf32, #tpu.memory_space<vmem>> -> memref<80x128xf32, #tpu.memory_space<vmem>>
      tpu.enqueue_dma source(%dma_start3A_118 : memref<80x128xf32, #tpu.memory_space<vmem>>) target(%dma_start3A_114 : memref<80x128xf32, #tpu.memory_space<hbm>>) target_semaphore(%run_scoped3A_105 : memref<!tpu.dma_semaphore, #tpu.memory_space<semaphore_mem>>)
      %dma_wait3A = arith.constant 0 : i32
      %dma_wait3A_119 = arith.constant 0 : i32
      %dma_wait3A_120 = tpu.memref_slice %arg9[%run_scoped3A_80, %dma_wait3A, %dma_wait3A_119] : memref<3x80x128xf32, #tpu.memory_space<vmem>> -> memref<1x80x128xf32, #tpu.memory_space<vmem>>
      %dma_wait3A_121 = tpu.memref_squeeze %dma_wait3A_120 : memref<1x80x128xf32, #tpu.memory_space<vmem>> -> memref<80x128xf32, #tpu.memory_space<vmem>>
      %dma_wait3A_122 = arith.constant 0 : i32
      %dma_wait3A_123 = tpu.memref_slice %arg4[%arg0, %add3A_78, %dma_wait3A_122] : memref<2x10240x128xf32, #tpu.memory_space<hbm>> -> memref<1x80x128xf32, #tpu.memory_space<hbm>>
      %dma_wait3A_124 = tpu.memref_squeeze %dma_wait3A_123 : memref<1x80x128xf32, #tpu.memory_space<hbm>> -> memref<80x128xf32, #tpu.memory_space<hbm>>
      %dma_wait3A_125 = arith.constant 0 : i32
      %dma_wait3A_126 = tpu.memref_slice %arg4[%arg0, %add3A_78, %dma_wait3A_125] : memref<2x10240x128xf32, #tpu.memory_space<hbm>> -> memref<1x80x128xf32, #tpu.memory_space<hbm>>
      %dma_wait3A_127 = tpu.memref_squeeze %dma_wait3A_126 : memref<1x80x128xf32, #tpu.memory_space<hbm>> -> memref<80x128xf32, #tpu.memory_space<hbm>>
      %dma_wait3A_128 = arith.constant 0 : i32
      %dma_wait3A_129 = arith.constant 0 : i32
      %dma_wait3A_130 = tpu.memref_slice %arg9[%run_scoped3A_80, %dma_wait3A_128, %dma_wait3A_129] : memref<3x80x128xf32, #tpu.memory_space<vmem>> -> memref<1x80x128xf32, #tpu.memory_space<vmem>>
      %dma_wait3A_131 = tpu.memref_squeeze %dma_wait3A_130 : memref<1x80x128xf32, #tpu.memory_space<vmem>> -> memref<80x128xf32, #tpu.memory_space<vmem>>
      tpu.wait_dma2 semaphore(%run_scoped3A_105 : memref<!tpu.dma_semaphore, #tpu.memory_space<semaphore_mem>>) src(%dma_wait3A_131 : memref<80x128xf32, #tpu.memory_space<vmem>>) dst(%dma_wait3A_127 : memref<80x128xf32, #tpu.memory_space<hbm>>)
      tpu.yield
    }) : () -> ()
    %mul3A_81 = arith.constant 640 : i32
    %mul3A_82 = arith.muli %arg1, %mul3A_81 : i32
    %add3A_83 = arith.constant 320 : i32
    %add3A_84 = arith.addi %mul3A_82, %add3A_83 : i32
    %run_scoped3A_85 = arith.constant 0 : i32
    "tpu.region"() ({
      %run_scoped3A_105 = tpu.sem_alloc : memref<!tpu.dma_semaphore, #tpu.memory_space<semaphore_mem>>
      %dma_start3A = arith.constant 0 : i32
      %dma_start3A_106 = arith.constant 0 : i32
      %dma_start3A_107 = tpu.memref_slice %arg9[%run_scoped3A_85, %dma_start3A, %dma_start3A_106] : memref<3x80x128xf32, #tpu.memory_space<vmem>> -> memref<1x80x128xf32, #tpu.memory_space<vmem>>
      %dma_start3A_108 = tpu.memref_squeeze %dma_start3A_107 : memref<1x80x128xf32, #tpu.memory_space<vmem>> -> memref<80x128xf32, #tpu.memory_space<vmem>>
      %dma_start3A_109 = arith.constant 0 : i32
      %dma_start3A_110 = tpu.memref_slice %arg5[%add3A_84, %dma_start3A_109] : memref<10240x128xf32, #tpu.memory_space<vmem_shared>> -> memref<80x128xf32, #tpu.memory_space<vmem_shared>>
      %dma_start3A_111 = arith.constant 0 : i32
      %dma_start3A_112 = arith.constant 0 : i32
      %dma_start3A_113 = tpu.memref_slice %arg9[%run_scoped3A_85, %dma_start3A_111, %dma_start3A_112] : memref<3x80x128xf32, #tpu.memory_space<vmem>> -> memref<1x80x128xf32, #tpu.memory_space<vmem>>
      %dma_start3A_114 = tpu.memref_squeeze %dma_start3A_113 : memref<1x80x128xf32, #tpu.memory_space<vmem>> -> memref<80x128xf32, #tpu.memory_space<vmem>>
      %dma_start3A_115 = arith.constant 0 : i32
      %dma_start3A_116 = tpu.memref_slice %arg5[%add3A_84, %dma_start3A_115] : memref<10240x128xf32, #tpu.memory_space<vmem_shared>> -> memref<80x128xf32, #tpu.memory_space<vmem_shared>>
      tpu.enqueue_dma source(%dma_start3A_116 : memref<80x128xf32, #tpu.memory_space<vmem_shared>>) target(%dma_start3A_114 : memref<80x128xf32, #tpu.memory_space<vmem>>) target_semaphore(%run_scoped3A_105 : memref<!tpu.dma_semaphore, #tpu.memory_space<semaphore_mem>>)
      %dma_wait3A = arith.constant 0 : i32
      %dma_wait3A_117 = arith.constant 0 : i32
      %dma_wait3A_118 = tpu.memref_slice %arg9[%run_scoped3A_85, %dma_wait3A, %dma_wait3A_117] : memref<3x80x128xf32, #tpu.memory_space<vmem>> -> memref<1x80x128xf32, #tpu.memory_space<vmem>>
      %dma_wait3A_119 = tpu.memref_squeeze %dma_wait3A_118 : memref<1x80x128xf32, #tpu.memory_space<vmem>> -> memref<80x128xf32, #tpu.memory_space<vmem>>
      %dma_wait3A_120 = arith.constant 0 : i32
      %dma_wait3A_121 = tpu.memref_slice %arg5[%add3A_84, %dma_wait3A_120] : memref<10240x128xf32, #tpu.memory_space<vmem_shared>> -> memref<80x128xf32, #tpu.memory_space<vmem_shared>>
      %dma_wait3A_122 = arith.constant 0 : i32
      %dma_wait3A_123 = arith.constant 0 : i32
      %dma_wait3A_124 = tpu.memref_slice %arg9[%run_scoped3A_85, %dma_wait3A_122, %dma_wait3A_123] : memref<3x80x128xf32, #tpu.memory_space<vmem>> -> memref<1x80x128xf32, #tpu.memory_space<vmem>>
      %dma_wait3A_125 = tpu.memref_squeeze %dma_wait3A_124 : memref<1x80x128xf32, #tpu.memory_space<vmem>> -> memref<80x128xf32, #tpu.memory_space<vmem>>
      %dma_wait3A_126 = arith.constant 0 : i32
      %dma_wait3A_127 = tpu.memref_slice %arg5[%add3A_84, %dma_wait3A_126] : memref<10240x128xf32, #tpu.memory_space<vmem_shared>> -> memref<80x128xf32, #tpu.memory_space<vmem_shared>>
      tpu.wait_dma2 semaphore(%run_scoped3A_105 : memref<!tpu.dma_semaphore, #tpu.memory_space<semaphore_mem>>) src(%dma_wait3A_127 : memref<80x128xf32, #tpu.memory_space<vmem_shared>>) dst(%dma_wait3A_125 : memref<80x128xf32, #tpu.memory_space<vmem>>)
      tpu.yield
    }) : () -> ()
    %run_scoped3A_86 = arith.constant 0 : i32
    "tpu.region"() ({
      %run_scoped3A_105 = tpu.sem_alloc : memref<!tpu.dma_semaphore, #tpu.memory_space<semaphore_mem>>
      %dma_start3A = arith.constant 0 : i32
      %dma_start3A_106 = arith.constant 0 : i32
      %dma_start3A_107 = tpu.memref_slice %arg9[%run_scoped3A_86, %dma_start3A, %dma_start3A_106] : memref<3x80x128xf32, #tpu.memory_space<vmem>> -> memref<1x80x128xf32, #tpu.memory_space<vmem>>
      %dma_start3A_108 = tpu.memref_squeeze %dma_start3A_107 : memref<1x80x128xf32, #tpu.memory_space<vmem>> -> memref<80x128xf32, #tpu.memory_space<vmem>>
      %dma_start3A_109 = arith.constant 0 : i32
      %dma_start3A_110 = tpu.memref_slice %arg4[%arg0, %add3A_84, %dma_start3A_109] : memref<2x10240x128xf32, #tpu.memory_space<hbm>> -> memref<1x80x128xf32, #tpu.memory_space<hbm>>
      %dma_start3A_111 = tpu.memref_squeeze %dma_start3A_110 : memref<1x80x128xf32, #tpu.memory_space<hbm>> -> memref<80x128xf32, #tpu.memory_space<hbm>>
      %dma_start3A_112 = arith.constant 0 : i32
      %dma_start3A_113 = tpu.memref_slice %arg4[%arg0, %add3A_84, %dma_start3A_112] : memref<2x10240x128xf32, #tpu.memory_space<hbm>> -> memref<1x80x128xf32, #tpu.memory_space<hbm>>
      %dma_start3A_114 = tpu.memref_squeeze %dma_start3A_113 : memref<1x80x128xf32, #tpu.memory_space<hbm>> -> memref<80x128xf32, #tpu.memory_space<hbm>>
      %dma_start3A_115 = arith.constant 0 : i32
      %dma_start3A_116 = arith.constant 0 : i32
      %dma_start3A_117 = tpu.memref_slice %arg9[%run_scoped3A_86, %dma_start3A_115, %dma_start3A_116] : memref<3x80x128xf32, #tpu.memory_space<vmem>> -> memref<1x80x128xf32, #tpu.memory_space<vmem>>
      %dma_start3A_118 = tpu.memref_squeeze %dma_start3A_117 : memref<1x80x128xf32, #tpu.memory_space<vmem>> -> memref<80x128xf32, #tpu.memory_space<vmem>>
      tpu.enqueue_dma source(%dma_start3A_118 : memref<80x128xf32, #tpu.memory_space<vmem>>) target(%dma_start3A_114 : memref<80x128xf32, #tpu.memory_space<hbm>>) target_semaphore(%run_scoped3A_105 : memref<!tpu.dma_semaphore, #tpu.memory_space<semaphore_mem>>)
      %dma_wait3A = arith.constant 0 : i32
      %dma_wait3A_119 = arith.constant 0 : i32
      %dma_wait3A_120 = tpu.memref_slice %arg9[%run_scoped3A_86, %dma_wait3A, %dma_wait3A_119] : memref<3x80x128xf32, #tpu.memory_space<vmem>> -> memref<1x80x128xf32, #tpu.memory_space<vmem>>
      %dma_wait3A_121 = tpu.memref_squeeze %dma_wait3A_120 : memref<1x80x128xf32, #tpu.memory_space<vmem>> -> memref<80x128xf32, #tpu.memory_space<vmem>>
      %dma_wait3A_122 = arith.constant 0 : i32
      %dma_wait3A_123 = tpu.memref_slice %arg4[%arg0, %add3A_84, %dma_wait3A_122] : memref<2x10240x128xf32, #tpu.memory_space<hbm>> -> memref<1x80x128xf32, #tpu.memory_space<hbm>>
      %dma_wait3A_124 = tpu.memref_squeeze %dma_wait3A_123 : memref<1x80x128xf32, #tpu.memory_space<hbm>> -> memref<80x128xf32, #tpu.memory_space<hbm>>
      %dma_wait3A_125 = arith.constant 0 : i32
      %dma_wait3A_126 = tpu.memref_slice %arg4[%arg0, %add3A_84, %dma_wait3A_125] : memref<2x10240x128xf32, #tpu.memory_space<hbm>> -> memref<1x80x128xf32, #tpu.memory_space<hbm>>
      %dma_wait3A_127 = tpu.memref_squeeze %dma_wait3A_126 : memref<1x80x128xf32, #tpu.memory_space<hbm>> -> memref<80x128xf32, #tpu.memory_space<hbm>>
      %dma_wait3A_128 = arith.constant 0 : i32
      %dma_wait3A_129 = arith.constant 0 : i32
      %dma_wait3A_130 = tpu.memref_slice %arg9[%run_scoped3A_86, %dma_wait3A_128, %dma_wait3A_129] : memref<3x80x128xf32, #tpu.memory_space<vmem>> -> memref<1x80x128xf32, #tpu.memory_space<vmem>>
      %dma_wait3A_131 = tpu.memref_squeeze %dma_wait3A_130 : memref<1x80x128xf32, #tpu.memory_space<vmem>> -> memref<80x128xf32, #tpu.memory_space<vmem>>
      tpu.wait_dma2 semaphore(%run_scoped3A_105 : memref<!tpu.dma_semaphore, #tpu.memory_space<semaphore_mem>>) src(%dma_wait3A_131 : memref<80x128xf32, #tpu.memory_space<vmem>>) dst(%dma_wait3A_127 : memref<80x128xf32, #tpu.memory_space<hbm>>)
      tpu.yield
    }) : () -> ()
    %mul3A_87 = arith.constant 640 : i32
    %mul3A_88 = arith.muli %arg1, %mul3A_87 : i32
    %add3A_89 = arith.constant 400 : i32
    %add3A_90 = arith.addi %mul3A_88, %add3A_89 : i32
    %run_scoped3A_91 = arith.constant 0 : i32
    "tpu.region"() ({
      %run_scoped3A_105 = tpu.sem_alloc : memref<!tpu.dma_semaphore, #tpu.memory_space<semaphore_mem>>
      %dma_start3A = arith.constant 0 : i32
      %dma_start3A_106 = arith.constant 0 : i32
      %dma_start3A_107 = tpu.memref_slice %arg9[%run_scoped3A_91, %dma_start3A, %dma_start3A_106] : memref<3x80x128xf32, #tpu.memory_space<vmem>> -> memref<1x80x128xf32, #tpu.memory_space<vmem>>
      %dma_start3A_108 = tpu.memref_squeeze %dma_start3A_107 : memref<1x80x128xf32, #tpu.memory_space<vmem>> -> memref<80x128xf32, #tpu.memory_space<vmem>>
      %dma_start3A_109 = arith.constant 0 : i32
      %dma_start3A_110 = tpu.memref_slice %arg5[%add3A_90, %dma_start3A_109] : memref<10240x128xf32, #tpu.memory_space<vmem_shared>> -> memref<80x128xf32, #tpu.memory_space<vmem_shared>>
      %dma_start3A_111 = arith.constant 0 : i32
      %dma_start3A_112 = arith.constant 0 : i32
      %dma_start3A_113 = tpu.memref_slice %arg9[%run_scoped3A_91, %dma_start3A_111, %dma_start3A_112] : memref<3x80x128xf32, #tpu.memory_space<vmem>> -> memref<1x80x128xf32, #tpu.memory_space<vmem>>
      %dma_start3A_114 = tpu.memref_squeeze %dma_start3A_113 : memref<1x80x128xf32, #tpu.memory_space<vmem>> -> memref<80x128xf32, #tpu.memory_space<vmem>>
      %dma_start3A_115 = arith.constant 0 : i32
      %dma_start3A_116 = tpu.memref_slice %arg5[%add3A_90, %dma_start3A_115] : memref<10240x128xf32, #tpu.memory_space<vmem_shared>> -> memref<80x128xf32, #tpu.memory_space<vmem_shared>>
      tpu.enqueue_dma source(%dma_start3A_116 : memref<80x128xf32, #tpu.memory_space<vmem_shared>>) target(%dma_start3A_114 : memref<80x128xf32, #tpu.memory_space<vmem>>) target_semaphore(%run_scoped3A_105 : memref<!tpu.dma_semaphore, #tpu.memory_space<semaphore_mem>>)
      %dma_wait3A = arith.constant 0 : i32
      %dma_wait3A_117 = arith.constant 0 : i32
      %dma_wait3A_118 = tpu.memref_slice %arg9[%run_scoped3A_91, %dma_wait3A, %dma_wait3A_117] : memref<3x80x128xf32, #tpu.memory_space<vmem>> -> memref<1x80x128xf32, #tpu.memory_space<vmem>>
      %dma_wait3A_119 = tpu.memref_squeeze %dma_wait3A_118 : memref<1x80x128xf32, #tpu.memory_space<vmem>> -> memref<80x128xf32, #tpu.memory_space<vmem>>
      %dma_wait3A_120 = arith.constant 0 : i32
      %dma_wait3A_121 = tpu.memref_slice %arg5[%add3A_90, %dma_wait3A_120] : memref<10240x128xf32, #tpu.memory_space<vmem_shared>> -> memref<80x128xf32, #tpu.memory_space<vmem_shared>>
      %dma_wait3A_122 = arith.constant 0 : i32
      %dma_wait3A_123 = arith.constant 0 : i32
      %dma_wait3A_124 = tpu.memref_slice %arg9[%run_scoped3A_91, %dma_wait3A_122, %dma_wait3A_123] : memref<3x80x128xf32, #tpu.memory_space<vmem>> -> memref<1x80x128xf32, #tpu.memory_space<vmem>>
      %dma_wait3A_125 = tpu.memref_squeeze %dma_wait3A_124 : memref<1x80x128xf32, #tpu.memory_space<vmem>> -> memref<80x128xf32, #tpu.memory_space<vmem>>
      %dma_wait3A_126 = arith.constant 0 : i32
      %dma_wait3A_127 = tpu.memref_slice %arg5[%add3A_90, %dma_wait3A_126] : memref<10240x128xf32, #tpu.memory_space<vmem_shared>> -> memref<80x128xf32, #tpu.memory_space<vmem_shared>>
      tpu.wait_dma2 semaphore(%run_scoped3A_105 : memref<!tpu.dma_semaphore, #tpu.memory_space<semaphore_mem>>) src(%dma_wait3A_127 : memref<80x128xf32, #tpu.memory_space<vmem_shared>>) dst(%dma_wait3A_125 : memref<80x128xf32, #tpu.memory_space<vmem>>)
      tpu.yield
    }) : () -> ()
    %run_scoped3A_92 = arith.constant 0 : i32
    "tpu.region"() ({
      %run_scoped3A_105 = tpu.sem_alloc : memref<!tpu.dma_semaphore, #tpu.memory_space<semaphore_mem>>
      %dma_start3A = arith.constant 0 : i32
      %dma_start3A_106 = arith.constant 0 : i32
      %dma_start3A_107 = tpu.memref_slice %arg9[%run_scoped3A_92, %dma_start3A, %dma_start3A_106] : memref<3x80x128xf32, #tpu.memory_space<vmem>> -> memref<1x80x128xf32, #tpu.memory_space<vmem>>
      %dma_start3A_108 = tpu.memref_squeeze %dma_start3A_107 : memref<1x80x128xf32, #tpu.memory_space<vmem>> -> memref<80x128xf32, #tpu.memory_space<vmem>>
      %dma_start3A_109 = arith.constant 0 : i32
      %dma_start3A_110 = tpu.memref_slice %arg4[%arg0, %add3A_90, %dma_start3A_109] : memref<2x10240x128xf32, #tpu.memory_space<hbm>> -> memref<1x80x128xf32, #tpu.memory_space<hbm>>
      %dma_start3A_111 = tpu.memref_squeeze %dma_start3A_110 : memref<1x80x128xf32, #tpu.memory_space<hbm>> -> memref<80x128xf32, #tpu.memory_space<hbm>>
      %dma_start3A_112 = arith.constant 0 : i32
      %dma_start3A_113 = tpu.memref_slice %arg4[%arg0, %add3A_90, %dma_start3A_112] : memref<2x10240x128xf32, #tpu.memory_space<hbm>> -> memref<1x80x128xf32, #tpu.memory_space<hbm>>
      %dma_start3A_114 = tpu.memref_squeeze %dma_start3A_113 : memref<1x80x128xf32, #tpu.memory_space<hbm>> -> memref<80x128xf32, #tpu.memory_space<hbm>>
      %dma_start3A_115 = arith.constant 0 : i32
      %dma_start3A_116 = arith.constant 0 : i32
      %dma_start3A_117 = tpu.memref_slice %arg9[%run_scoped3A_92, %dma_start3A_115, %dma_start3A_116] : memref<3x80x128xf32, #tpu.memory_space<vmem>> -> memref<1x80x128xf32, #tpu.memory_space<vmem>>
      %dma_start3A_118 = tpu.memref_squeeze %dma_start3A_117 : memref<1x80x128xf32, #tpu.memory_space<vmem>> -> memref<80x128xf32, #tpu.memory_space<vmem>>
      tpu.enqueue_dma source(%dma_start3A_118 : memref<80x128xf32, #tpu.memory_space<vmem>>) target(%dma_start3A_114 : memref<80x128xf32, #tpu.memory_space<hbm>>) target_semaphore(%run_scoped3A_105 : memref<!tpu.dma_semaphore, #tpu.memory_space<semaphore_mem>>)
      %dma_wait3A = arith.constant 0 : i32
      %dma_wait3A_119 = arith.constant 0 : i32
      %dma_wait3A_120 = tpu.memref_slice %arg9[%run_scoped3A_92, %dma_wait3A, %dma_wait3A_119] : memref<3x80x128xf32, #tpu.memory_space<vmem>> -> memref<1x80x128xf32, #tpu.memory_space<vmem>>
      %dma_wait3A_121 = tpu.memref_squeeze %dma_wait3A_120 : memref<1x80x128xf32, #tpu.memory_space<vmem>> -> memref<80x128xf32, #tpu.memory_space<vmem>>
      %dma_wait3A_122 = arith.constant 0 : i32
      %dma_wait3A_123 = tpu.memref_slice %arg4[%arg0, %add3A_90, %dma_wait3A_122] : memref<2x10240x128xf32, #tpu.memory_space<hbm>> -> memref<1x80x128xf32, #tpu.memory_space<hbm>>
      %dma_wait3A_124 = tpu.memref_squeeze %dma_wait3A_123 : memref<1x80x128xf32, #tpu.memory_space<hbm>> -> memref<80x128xf32, #tpu.memory_space<hbm>>
      %dma_wait3A_125 = arith.constant 0 : i32
      %dma_wait3A_126 = tpu.memref_slice %arg4[%arg0, %add3A_90, %dma_wait3A_125] : memref<2x10240x128xf32, #tpu.memory_space<hbm>> -> memref<1x80x128xf32, #tpu.memory_space<hbm>>
      %dma_wait3A_127 = tpu.memref_squeeze %dma_wait3A_126 : memref<1x80x128xf32, #tpu.memory_space<hbm>> -> memref<80x128xf32, #tpu.memory_space<hbm>>
      %dma_wait3A_128 = arith.constant 0 : i32
      %dma_wait3A_129 = arith.constant 0 : i32
      %dma_wait3A_130 = tpu.memref_slice %arg9[%run_scoped3A_92, %dma_wait3A_128, %dma_wait3A_129] : memref<3x80x128xf32, #tpu.memory_space<vmem>> -> memref<1x80x128xf32, #tpu.memory_space<vmem>>
      %dma_wait3A_131 = tpu.memref_squeeze %dma_wait3A_130 : memref<1x80x128xf32, #tpu.memory_space<vmem>> -> memref<80x128xf32, #tpu.memory_space<vmem>>
      tpu.wait_dma2 semaphore(%run_scoped3A_105 : memref<!tpu.dma_semaphore, #tpu.memory_space<semaphore_mem>>) src(%dma_wait3A_131 : memref<80x128xf32, #tpu.memory_space<vmem>>) dst(%dma_wait3A_127 : memref<80x128xf32, #tpu.memory_space<hbm>>)
      tpu.yield
    }) : () -> ()
    %mul3A_93 = arith.constant 640 : i32
    %mul3A_94 = arith.muli %arg1, %mul3A_93 : i32
    %add3A_95 = arith.constant 480 : i32
    %add3A_96 = arith.addi %mul3A_94, %add3A_95 : i32
    %run_scoped3A_97 = arith.constant 0 : i32
    "tpu.region"() ({
      %run_scoped3A_105 = tpu.sem_alloc : memref<!tpu.dma_semaphore, #tpu.memory_space<semaphore_mem>>
      %dma_start3A = arith.constant 0 : i32
      %dma_start3A_106 = arith.constant 0 : i32
      %dma_start3A_107 = tpu.memref_slice %arg9[%run_scoped3A_97, %dma_start3A, %dma_start3A_106] : memref<3x80x128xf32, #tpu.memory_space<vmem>> -> memref<1x80x128xf32, #tpu.memory_space<vmem>>
      %dma_start3A_108 = tpu.memref_squeeze %dma_start3A_107 : memref<1x80x128xf32, #tpu.memory_space<vmem>> -> memref<80x128xf32, #tpu.memory_space<vmem>>
      %dma_start3A_109 = arith.constant 0 : i32
      %dma_start3A_110 = tpu.memref_slice %arg5[%add3A_96, %dma_start3A_109] : memref<10240x128xf32, #tpu.memory_space<vmem_shared>> -> memref<80x128xf32, #tpu.memory_space<vmem_shared>>
      %dma_start3A_111 = arith.constant 0 : i32
      %dma_start3A_112 = arith.constant 0 : i32
      %dma_start3A_113 = tpu.memref_slice %arg9[%run_scoped3A_97, %dma_start3A_111, %dma_start3A_112] : memref<3x80x128xf32, #tpu.memory_space<vmem>> -> memref<1x80x128xf32, #tpu.memory_space<vmem>>
      %dma_start3A_114 = tpu.memref_squeeze %dma_start3A_113 : memref<1x80x128xf32, #tpu.memory_space<vmem>> -> memref<80x128xf32, #tpu.memory_space<vmem>>
      %dma_start3A_115 = arith.constant 0 : i32
      %dma_start3A_116 = tpu.memref_slice %arg5[%add3A_96, %dma_start3A_115] : memref<10240x128xf32, #tpu.memory_space<vmem_shared>> -> memref<80x128xf32, #tpu.memory_space<vmem_shared>>
      tpu.enqueue_dma source(%dma_start3A_116 : memref<80x128xf32, #tpu.memory_space<vmem_shared>>) target(%dma_start3A_114 : memref<80x128xf32, #tpu.memory_space<vmem>>) target_semaphore(%run_scoped3A_105 : memref<!tpu.dma_semaphore, #tpu.memory_space<semaphore_mem>>)
      %dma_wait3A = arith.constant 0 : i32
      %dma_wait3A_117 = arith.constant 0 : i32
      %dma_wait3A_118 = tpu.memref_slice %arg9[%run_scoped3A_97, %dma_wait3A, %dma_wait3A_117] : memref<3x80x128xf32, #tpu.memory_space<vmem>> -> memref<1x80x128xf32, #tpu.memory_space<vmem>>
      %dma_wait3A_119 = tpu.memref_squeeze %dma_wait3A_118 : memref<1x80x128xf32, #tpu.memory_space<vmem>> -> memref<80x128xf32, #tpu.memory_space<vmem>>
      %dma_wait3A_120 = arith.constant 0 : i32
      %dma_wait3A_121 = tpu.memref_slice %arg5[%add3A_96, %dma_wait3A_120] : memref<10240x128xf32, #tpu.memory_space<vmem_shared>> -> memref<80x128xf32, #tpu.memory_space<vmem_shared>>
      %dma_wait3A_122 = arith.constant 0 : i32
      %dma_wait3A_123 = arith.constant 0 : i32
      %dma_wait3A_124 = tpu.memref_slice %arg9[%run_scoped3A_97, %dma_wait3A_122, %dma_wait3A_123] : memref<3x80x128xf32, #tpu.memory_space<vmem>> -> memref<1x80x128xf32, #tpu.memory_space<vmem>>
      %dma_wait3A_125 = tpu.memref_squeeze %dma_wait3A_124 : memref<1x80x128xf32, #tpu.memory_space<vmem>> -> memref<80x128xf32, #tpu.memory_space<vmem>>
      %dma_wait3A_126 = arith.constant 0 : i32
      %dma_wait3A_127 = tpu.memref_slice %arg5[%add3A_96, %dma_wait3A_126] : memref<10240x128xf32, #tpu.memory_space<vmem_shared>> -> memref<80x128xf32, #tpu.memory_space<vmem_shared>>
      tpu.wait_dma2 semaphore(%run_scoped3A_105 : memref<!tpu.dma_semaphore, #tpu.memory_space<semaphore_mem>>) src(%dma_wait3A_127 : memref<80x128xf32, #tpu.memory_space<vmem_shared>>) dst(%dma_wait3A_125 : memref<80x128xf32, #tpu.memory_space<vmem>>)
      tpu.yield
    }) : () -> ()
    %run_scoped3A_98 = arith.constant 0 : i32
    "tpu.region"() ({
      %run_scoped3A_105 = tpu.sem_alloc : memref<!tpu.dma_semaphore, #tpu.memory_space<semaphore_mem>>
      %dma_start3A = arith.constant 0 : i32
      %dma_start3A_106 = arith.constant 0 : i32
      %dma_start3A_107 = tpu.memref_slice %arg9[%run_scoped3A_98, %dma_start3A, %dma_start3A_106] : memref<3x80x128xf32, #tpu.memory_space<vmem>> -> memref<1x80x128xf32, #tpu.memory_space<vmem>>
      %dma_start3A_108 = tpu.memref_squeeze %dma_start3A_107 : memref<1x80x128xf32, #tpu.memory_space<vmem>> -> memref<80x128xf32, #tpu.memory_space<vmem>>
      %dma_start3A_109 = arith.constant 0 : i32
      %dma_start3A_110 = tpu.memref_slice %arg4[%arg0, %add3A_96, %dma_start3A_109] : memref<2x10240x128xf32, #tpu.memory_space<hbm>> -> memref<1x80x128xf32, #tpu.memory_space<hbm>>
      %dma_start3A_111 = tpu.memref_squeeze %dma_start3A_110 : memref<1x80x128xf32, #tpu.memory_space<hbm>> -> memref<80x128xf32, #tpu.memory_space<hbm>>
      %dma_start3A_112 = arith.constant 0 : i32
      %dma_start3A_113 = tpu.memref_slice %arg4[%arg0, %add3A_96, %dma_start3A_112] : memref<2x10240x128xf32, #tpu.memory_space<hbm>> -> memref<1x80x128xf32, #tpu.memory_space<hbm>>
      %dma_start3A_114 = tpu.memref_squeeze %dma_start3A_113 : memref<1x80x128xf32, #tpu.memory_space<hbm>> -> memref<80x128xf32, #tpu.memory_space<hbm>>
      %dma_start3A_115 = arith.constant 0 : i32
      %dma_start3A_116 = arith.constant 0 : i32
      %dma_start3A_117 = tpu.memref_slice %arg9[%run_scoped3A_98, %dma_start3A_115, %dma_start3A_116] : memref<3x80x128xf32, #tpu.memory_space<vmem>> -> memref<1x80x128xf32, #tpu.memory_space<vmem>>
      %dma_start3A_118 = tpu.memref_squeeze %dma_start3A_117 : memref<1x80x128xf32, #tpu.memory_space<vmem>> -> memref<80x128xf32, #tpu.memory_space<vmem>>
      tpu.enqueue_dma source(%dma_start3A_118 : memref<80x128xf32, #tpu.memory_space<vmem>>) target(%dma_start3A_114 : memref<80x128xf32, #tpu.memory_space<hbm>>) target_semaphore(%run_scoped3A_105 : memref<!tpu.dma_semaphore, #tpu.memory_space<semaphore_mem>>)
      %dma_wait3A = arith.constant 0 : i32
      %dma_wait3A_119 = arith.constant 0 : i32
      %dma_wait3A_120 = tpu.memref_slice %arg9[%run_scoped3A_98, %dma_wait3A, %dma_wait3A_119] : memref<3x80x128xf32, #tpu.memory_space<vmem>> -> memref<1x80x128xf32, #tpu.memory_space<vmem>>
      %dma_wait3A_121 = tpu.memref_squeeze %dma_wait3A_120 : memref<1x80x128xf32, #tpu.memory_space<vmem>> -> memref<80x128xf32, #tpu.memory_space<vmem>>
      %dma_wait3A_122 = arith.constant 0 : i32
      %dma_wait3A_123 = tpu.memref_slice %arg4[%arg0, %add3A_96, %dma_wait3A_122] : memref<2x10240x128xf32, #tpu.memory_space<hbm>> -> memref<1x80x128xf32, #tpu.memory_space<hbm>>
      %dma_wait3A_124 = tpu.memref_squeeze %dma_wait3A_123 : memref<1x80x128xf32, #tpu.memory_space<hbm>> -> memref<80x128xf32, #tpu.memory_space<hbm>>
      %dma_wait3A_125 = arith.constant 0 : i32
      %dma_wait3A_126 = tpu.memref_slice %arg4[%arg0, %add3A_96, %dma_wait3A_125] : memref<2x10240x128xf32, #tpu.memory_space<hbm>> -> memref<1x80x128xf32, #tpu.memory_space<hbm>>
      %dma_wait3A_127 = tpu.memref_squeeze %dma_wait3A_126 : memref<1x80x128xf32, #tpu.memory_space<hbm>> -> memref<80x128xf32, #tpu.memory_space<hbm>>
      %dma_wait3A_128 = arith.constant 0 : i32
      %dma_wait3A_129 = arith.constant 0 : i32
      %dma_wait3A_130 = tpu.memref_slice %arg9[%run_scoped3A_98, %dma_wait3A_128, %dma_wait3A_129] : memref<3x80x128xf32, #tpu.memory_space<vmem>> -> memref<1x80x128xf32, #tpu.memory_space<vmem>>
      %dma_wait3A_131 = tpu.memref_squeeze %dma_wait3A_130 : memref<1x80x128xf32, #tpu.memory_space<vmem>> -> memref<80x128xf32, #tpu.memory_space<vmem>>
      tpu.wait_dma2 semaphore(%run_scoped3A_105 : memref<!tpu.dma_semaphore, #tpu.memory_space<semaphore_mem>>) src(%dma_wait3A_131 : memref<80x128xf32, #tpu.memory_space<vmem>>) dst(%dma_wait3A_127 : memref<80x128xf32, #tpu.memory_space<hbm>>)
      tpu.yield
    }) : () -> ()
    %mul3A_99 = arith.constant 640 : i32
    %mul3A_100 = arith.muli %arg1, %mul3A_99 : i32
    %add3A_101 = arith.constant 560 : i32
    %add3A_102 = arith.addi %mul3A_100, %add3A_101 : i32
    %run_scoped3A_103 = arith.constant 0 : i32
    "tpu.region"() ({
      %run_scoped3A_105 = tpu.sem_alloc : memref<!tpu.dma_semaphore, #tpu.memory_space<semaphore_mem>>
      %dma_start3A = arith.constant 0 : i32
      %dma_start3A_106 = arith.constant 0 : i32
      %dma_start3A_107 = tpu.memref_slice %arg9[%run_scoped3A_103, %dma_start3A, %dma_start3A_106] : memref<3x80x128xf32, #tpu.memory_space<vmem>> -> memref<1x80x128xf32, #tpu.memory_space<vmem>>
      %dma_start3A_108 = tpu.memref_squeeze %dma_start3A_107 : memref<1x80x128xf32, #tpu.memory_space<vmem>> -> memref<80x128xf32, #tpu.memory_space<vmem>>
      %dma_start3A_109 = arith.constant 0 : i32
      %dma_start3A_110 = tpu.memref_slice %arg5[%add3A_102, %dma_start3A_109] : memref<10240x128xf32, #tpu.memory_space<vmem_shared>> -> memref<80x128xf32, #tpu.memory_space<vmem_shared>>
      %dma_start3A_111 = arith.constant 0 : i32
      %dma_start3A_112 = arith.constant 0 : i32
      %dma_start3A_113 = tpu.memref_slice %arg9[%run_scoped3A_103, %dma_start3A_111, %dma_start3A_112] : memref<3x80x128xf32, #tpu.memory_space<vmem>> -> memref<1x80x128xf32, #tpu.memory_space<vmem>>
      %dma_start3A_114 = tpu.memref_squeeze %dma_start3A_113 : memref<1x80x128xf32, #tpu.memory_space<vmem>> -> memref<80x128xf32, #tpu.memory_space<vmem>>
      %dma_start3A_115 = arith.constant 0 : i32
      %dma_start3A_116 = tpu.memref_slice %arg5[%add3A_102, %dma_start3A_115] : memref<10240x128xf32, #tpu.memory_space<vmem_shared>> -> memref<80x128xf32, #tpu.memory_space<vmem_shared>>
      tpu.enqueue_dma source(%dma_start3A_116 : memref<80x128xf32, #tpu.memory_space<vmem_shared>>) target(%dma_start3A_114 : memref<80x128xf32, #tpu.memory_space<vmem>>) target_semaphore(%run_scoped3A_105 : memref<!tpu.dma_semaphore, #tpu.memory_space<semaphore_mem>>)
      %dma_wait3A = arith.constant 0 : i32
      %dma_wait3A_117 = arith.constant 0 : i32
      %dma_wait3A_118 = tpu.memref_slice %arg9[%run_scoped3A_103, %dma_wait3A, %dma_wait3A_117] : memref<3x80x128xf32, #tpu.memory_space<vmem>> -> memref<1x80x128xf32, #tpu.memory_space<vmem>>
      %dma_wait3A_119 = tpu.memref_squeeze %dma_wait3A_118 : memref<1x80x128xf32, #tpu.memory_space<vmem>> -> memref<80x128xf32, #tpu.memory_space<vmem>>
      %dma_wait3A_120 = arith.constant 0 : i32
      %dma_wait3A_121 = tpu.memref_slice %arg5[%add3A_102, %dma_wait3A_120] : memref<10240x128xf32, #tpu.memory_space<vmem_shared>> -> memref<80x128xf32, #tpu.memory_space<vmem_shared>>
      %dma_wait3A_122 = arith.constant 0 : i32
      %dma_wait3A_123 = arith.constant 0 : i32
      %dma_wait3A_124 = tpu.memref_slice %arg9[%run_scoped3A_103, %dma_wait3A_122, %dma_wait3A_123] : memref<3x80x128xf32, #tpu.memory_space<vmem>> -> memref<1x80x128xf32, #tpu.memory_space<vmem>>
      %dma_wait3A_125 = tpu.memref_squeeze %dma_wait3A_124 : memref<1x80x128xf32, #tpu.memory_space<vmem>> -> memref<80x128xf32, #tpu.memory_space<vmem>>
      %dma_wait3A_126 = arith.constant 0 : i32
      %dma_wait3A_127 = tpu.memref_slice %arg5[%add3A_102, %dma_wait3A_126] : memref<10240x128xf32, #tpu.memory_space<vmem_shared>> -> memref<80x128xf32, #tpu.memory_space<vmem_shared>>
      tpu.wait_dma2 semaphore(%run_scoped3A_105 : memref<!tpu.dma_semaphore, #tpu.memory_space<semaphore_mem>>) src(%dma_wait3A_127 : memref<80x128xf32, #tpu.memory_space<vmem_shared>>) dst(%dma_wait3A_125 : memref<80x128xf32, #tpu.memory_space<vmem>>)
      tpu.yield
    }) : () -> ()
    %run_scoped3A_104 = arith.constant 0 : i32
    "tpu.region"() ({
      %run_scoped3A_105 = tpu.sem_alloc : memref<!tpu.dma_semaphore, #tpu.memory_space<semaphore_mem>>
      %dma_start3A = arith.constant 0 : i32
      %dma_start3A_106 = arith.constant 0 : i32
      %dma_start3A_107 = tpu.memref_slice %arg9[%run_scoped3A_104, %dma_start3A, %dma_start3A_106] : memref<3x80x128xf32, #tpu.memory_space<vmem>> -> memref<1x80x128xf32, #tpu.memory_space<vmem>>
      %dma_start3A_108 = tpu.memref_squeeze %dma_start3A_107 : memref<1x80x128xf32, #tpu.memory_space<vmem>> -> memref<80x128xf32, #tpu.memory_space<vmem>>
      %dma_start3A_109 = arith.constant 0 : i32
      %dma_start3A_110 = tpu.memref_slice %arg4[%arg0, %add3A_102, %dma_start3A_109] : memref<2x10240x128xf32, #tpu.memory_space<hbm>> -> memref<1x80x128xf32, #tpu.memory_space<hbm>>
      %dma_start3A_111 = tpu.memref_squeeze %dma_start3A_110 : memref<1x80x128xf32, #tpu.memory_space<hbm>> -> memref<80x128xf32, #tpu.memory_space<hbm>>
      %dma_start3A_112 = arith.constant 0 : i32
      %dma_start3A_113 = tpu.memref_slice %arg4[%arg0, %add3A_102, %dma_start3A_112] : memref<2x10240x128xf32, #tpu.memory_space<hbm>> -> memref<1x80x128xf32, #tpu.memory_space<hbm>>
      %dma_start3A_114 = tpu.memref_squeeze %dma_start3A_113 : memref<1x80x128xf32, #tpu.memory_space<hbm>> -> memref<80x128xf32, #tpu.memory_space<hbm>>
      %dma_start3A_115 = arith.constant 0 : i32
      %dma_start3A_116 = arith.constant 0 : i32
      %dma_start3A_117 = tpu.memref_slice %arg9[%run_scoped3A_104, %dma_start3A_115, %dma_start3A_116] : memref<3x80x128xf32, #tpu.memory_space<vmem>> -> memref<1x80x128xf32, #tpu.memory_space<vmem>>
      %dma_start3A_118 = tpu.memref_squeeze %dma_start3A_117 : memref<1x80x128xf32, #tpu.memory_space<vmem>> -> memref<80x128xf32, #tpu.memory_space<vmem>>
      tpu.enqueue_dma source(%dma_start3A_118 : memref<80x128xf32, #tpu.memory_space<vmem>>) target(%dma_start3A_114 : memref<80x128xf32, #tpu.memory_space<hbm>>) target_semaphore(%run_scoped3A_105 : memref<!tpu.dma_semaphore, #tpu.memory_space<semaphore_mem>>)
      %dma_wait3A = arith.constant 0 : i32
      %dma_wait3A_119 = arith.constant 0 : i32
      %dma_wait3A_120 = tpu.memref_slice %arg9[%run_scoped3A_104, %dma_wait3A, %dma_wait3A_119] : memref<3x80x128xf32, #tpu.memory_space<vmem>> -> memref<1x80x128xf32, #tpu.memory_space<vmem>>
      %dma_wait3A_121 = tpu.memref_squeeze %dma_wait3A_120 : memref<1x80x128xf32, #tpu.memory_space<vmem>> -> memref<80x128xf32, #tpu.memory_space<vmem>>
      %dma_wait3A_122 = arith.constant 0 : i32
      %dma_wait3A_123 = tpu.memref_slice %arg4[%arg0, %add3A_102, %dma_wait3A_122] : memref<2x10240x128xf32, #tpu.memory_space<hbm>> -> memref<1x80x128xf32, #tpu.memory_space<hbm>>
      %dma_wait3A_124 = tpu.memref_squeeze %dma_wait3A_123 : memref<1x80x128xf32, #tpu.memory_space<hbm>> -> memref<80x128xf32, #tpu.memory_space<hbm>>
      %dma_wait3A_125 = arith.constant 0 : i32
      %dma_wait3A_126 = tpu.memref_slice %arg4[%arg0, %add3A_102, %dma_wait3A_125] : memref<2x10240x128xf32, #tpu.memory_space<hbm>> -> memref<1x80x128xf32, #tpu.memory_space<hbm>>
      %dma_wait3A_127 = tpu.memref_squeeze %dma_wait3A_126 : memref<1x80x128xf32, #tpu.memory_space<hbm>> -> memref<80x128xf32, #tpu.memory_space<hbm>>
      %dma_wait3A_128 = arith.constant 0 : i32
      %dma_wait3A_129 = arith.constant 0 : i32
      %dma_wait3A_130 = tpu.memref_slice %arg9[%run_scoped3A_104, %dma_wait3A_128, %dma_wait3A_129] : memref<3x80x128xf32, #tpu.memory_space<vmem>> -> memref<1x80x128xf32, #tpu.memory_space<vmem>>
      %dma_wait3A_131 = tpu.memref_squeeze %dma_wait3A_130 : memref<1x80x128xf32, #tpu.memory_space<vmem>> -> memref<80x128xf32, #tpu.memory_space<vmem>>
      tpu.wait_dma2 semaphore(%run_scoped3A_105 : memref<!tpu.dma_semaphore, #tpu.memory_space<semaphore_mem>>) src(%dma_wait3A_131 : memref<80x128xf32, #tpu.memory_space<vmem>>) dst(%dma_wait3A_127 : memref<80x128xf32, #tpu.memory_space<hbm>>)
      tpu.yield
    }) : () -> ()
    return
  }
}

module attributes {stable_mosaic.version = 14 : i64} {
  func.func @_evolve_body(%arg0: memref<10240x128xf32, #tpu.memory_space<vmem>>, %arg1: memref<1x128xf32, #tpu.memory_space<vmem>>, %arg2: memref<128x128xf32, #tpu.memory_space<vmem>>, %arg3: memref<384x128xf32, #tpu.memory_space<vmem>>, %arg4: memref<384x128xf32, #tpu.memory_space<vmem>>, %arg5: memref<1x384xf32, #tpu.memory_space<vmem>>, %arg6: memref<1x384xf32, #tpu.memory_space<vmem>>, %arg7: memref<128x128xf32, #tpu.memory_space<vmem>>, %arg8: memref<80x128xf32, #tpu.memory_space<vmem>>, %arg9: memref<128x1xf32, #tpu.memory_space<vmem>>, %arg10: memref<128x128xf32, #tpu.memory_space<vmem>>) attributes {dimension_semantics = [], scalar_prefetch = 0 : i64, scratch_operands = 3 : i64, tpu.core_type = #tpu.core_type<tc>} {
    %get3A = arith.constant 0 : index
    %get3A_0 = arith.constant 0 : index
    %get3A_1 = vector.load %arg1[%get3A, %get3A_0] : memref<1x128xf32, #tpu.memory_space<vmem>>, vector<1x128xf32>
    %mul3A = arith.mulf %get3A_1, %get3A_1 : vector<1x128xf32>
    %reduce_sum3A = vector.shape_cast %mul3A : vector<1x128xf32> to vector<1x1x128xf32>
    %reduce_sum3A_2 = arith.constant dense<0.000000e+00> : vector<1xf32>
    %reduce_sum3A_3 = vector.multi_reduction <add>, %reduce_sum3A, %reduce_sum3A_2 [1, 2] : vector<1x1x128xf32> to vector<1xf32>
    %reduce_sum3A_4 = vector.shape_cast %reduce_sum3A_3 : vector<1xf32> to vector<1x1x1xf32>
    %reduce_sum3A_5 = vector.extract %reduce_sum3A_4[0, 0, 0] : f32 from vector<1x1x1xf32>
    %sqrt3A = math.sqrt %reduce_sum3A_5 : f32
    %get3A_6 = arith.constant 0 : index
    %get3A_7 = arith.constant 0 : index
    %get3A_8 = vector.load %arg0[%get3A_6, %get3A_7] : memref<10240x128xf32, #tpu.memory_space<vmem>>, vector<10240x128xf32>
    %dot_general3A = arith.constant dense<0.000000e+00> : vector<1x10240xf32>
    %dot_general3A_9 = tpu.matmul %get3A_1, %get3A_8, %dot_general3A {dimension_numbers = #tpu.dot_dimension_numbers<[1], [1], [0], [0], [0, 0, 1, 0], [], []>, transpose_lhs_hint = false} : vector<1x128xf32>, vector<10240x128xf32>, vector<1x10240xf32> -> vector<1x10240xf32>
    %iota3A = tpu.iota {dimensions = array<i32: 1>} : vector<1x10240xi32>
    %lt3A = arith.constant 10000 : i32
    %lt3A_10 = vector.broadcast %lt3A : i32 to vector<1x10240xi32>
    %lt3A_11 = arith.cmpi slt, %iota3A, %lt3A_10 : vector<1x10240xi32>
    %jit3A = arith.constant 0xFF800000 : f32
    %broadcast_in_dim3A = vector.broadcast %jit3A : f32 to vector<1x10240xf32>
    %select_n3A = arith.select %lt3A_11, %dot_general3A_9, %broadcast_in_dim3A : vector<1x10240xi1>, vector<1x10240xf32>
    %reshape3A = vector.shape_cast %select_n3A : vector<1x10240xf32> to vector<80x128xf32>
    %swap3A = arith.constant 0 : index
    %swap3A_12 = arith.constant 0 : index
    %swap3A_13 = vector.load %arg8[%swap3A, %swap3A_12] : memref<80x128xf32, #tpu.memory_space<vmem>>, vector<80x128xf32>
    tpu.vector_store %arg8[%swap3A, %swap3A_12], %reshape3A {strides = array<i32>} : memref<80x128xf32, #tpu.memory_space<vmem>>, vector<80x128xf32>,
    %iota3A_14 = tpu.iota {dimensions = array<i32: 0>} : vector<80x128xi32>
    %mul3A_15 = arith.constant 128 : i32
    %mul3A_16 = vector.broadcast %mul3A_15 : i32 to vector<80x128xi32>
    %mul3A_17 = arith.muli %iota3A_14, %mul3A_16 : vector<80x128xi32>
    %iota3A_18 = tpu.iota {dimensions = array<i32: 1>} : vector<80x128xi32>
    %add3A = arith.addi %mul3A_17, %iota3A_18 : vector<80x128xi32>
    %scan3A = arith.constant 0xFF800000 : f32
    %scan3A_19 = arith.constant 0 : i32
    %scan3A_20 = arith.constant 128 : i32
    %scan3A_21 = arith.addi %scan3A_19, %scan3A_20 : i32
    %scan3A_22 = arith.constant 1 : i32
    scf.for %scan3A_88 = %scan3A_19 to %scan3A_21 step %scan3A_22  : i32 {
      %get3A_89 = arith.constant 0 : index
      %get3A_90 = arith.constant 0 : index
      %get3A_91 = vector.load %arg8[%get3A_89, %get3A_90] : memref<80x128xf32, #tpu.memory_space<vmem>>, vector<80x128xf32>
      %reduce_max3A = vector.shape_cast %get3A_91 : vector<80x128xf32> to vector<1x80x128xf32>
      %reduce_max3A_92 = arith.constant dense<0xFF800000> : vector<1xf32>
      %reduce_max3A_93 = vector.multi_reduction <maximumf>, %reduce_max3A, %reduce_max3A_92 [1, 2] : vector<1x80x128xf32> to vector<1xf32>
      %reduce_max3A_94 = vector.shape_cast %reduce_max3A_93 : vector<1xf32> to vector<1x1x1xf32>
      %reduce_max3A_95 = vector.extract %reduce_max3A_94[0, 0, 0] : f32 from vector<1x1x1xf32>
      %eq3A = vector.broadcast %reduce_max3A_95 : f32 to vector<80x128xf32>
      %eq3A_96 = arith.cmpf oeq, %get3A_91, %eq3A : vector<80x128xf32>
      %jit3A_97 = arith.constant 10240 : i32
      %broadcast_in_dim3A_98 = vector.broadcast %jit3A_97 : i32 to vector<80x128xi32>
      %select_n3A_99 = arith.select %eq3A_96, %add3A, %broadcast_in_dim3A_98 : vector<80x128xi1>, vector<80x128xi32>
      %reduce_min3A = vector.shape_cast %select_n3A_99 : vector<80x128xi32> to vector<1x80x128xi32>
      %reduce_min3A_100 = arith.constant dense<2147483647> : vector<1xi32>
      %reduce_min3A_101 = vector.multi_reduction <minsi>, %reduce_min3A, %reduce_min3A_100 [1, 2] : vector<1x80x128xi32> to vector<1xi32>
      %reduce_min3A_102 = vector.shape_cast %reduce_min3A_101 : vector<1xi32> to vector<1x1x1xi32>
      %reduce_min3A_103 = vector.extract %reduce_min3A_102[0, 0, 0] : i32 from vector<1x1x1xi32>
      %eq3A_104 = vector.broadcast %reduce_min3A_103 : i32 to vector<80x128xi32>
      %eq3A_105 = arith.cmpi eq, %add3A, %eq3A_104 : vector<80x128xi32>
      %broadcast_in_dim3A_106 = vector.broadcast %scan3A : f32 to vector<80x128xf32>
      %select_n3A_107 = arith.select %eq3A_105, %broadcast_in_dim3A_106, %get3A_91 : vector<80x128xi1>, vector<80x128xf32>
      %swap3A_108 = arith.constant 0 : index
      %swap3A_109 = arith.constant 0 : index
      %swap3A_110 = vector.load %arg8[%swap3A_108, %swap3A_109] : memref<80x128xf32, #tpu.memory_space<vmem>>, vector<80x128xf32>
      tpu.vector_store %arg8[%swap3A_108, %swap3A_109], %select_n3A_107 {strides = array<i32>} : memref<80x128xf32, #tpu.memory_space<vmem>>, vector<80x128xf32>,
      %get3A_111 = arith.index_cast %reduce_min3A_103 : i32 to index
      %get3A_112 = arith.constant 0 : index
      %get3A_113 = vector.load %arg0[%get3A_111, %get3A_112] : memref<10240x128xf32, #tpu.memory_space<vmem>>, vector<1x128xf32>
      %swap3A_114 = arith.index_cast %scan3A_88 : i32 to index
      %swap3A_115 = arith.constant 0 : index
      %swap3A_116 = vector.load %arg10[%swap3A_114, %swap3A_115] : memref<128x128xf32, #tpu.memory_space<vmem>>, vector<1x128xf32>
      tpu.vector_store %arg10[%swap3A_114, %swap3A_115], %get3A_113 {strides = array<i32>} : memref<128x128xf32, #tpu.memory_space<vmem>>, vector<1x128xf32>,
      %broadcast_in_dim3A_117 = vector.broadcast %reduce_max3A_95 : f32 to vector<1x1xf32>
      %swap3A_118 = arith.index_cast %scan3A_88 : i32 to index
      %swap3A_119 = arith.constant 0 : index
      %swap3A_120 = vector.load %arg9[%swap3A_118, %swap3A_119] : memref<128x1xf32, #tpu.memory_space<vmem>>, vector<1x1xf32>
      tpu.vector_store %arg9[%swap3A_118, %swap3A_119], %broadcast_in_dim3A_117 {strides = array<i32>} : memref<128x1xf32, #tpu.memory_space<vmem>>, vector<1x1xf32>,
    }
    %scan3A_23 = arith.constant 128 : i32
    %get3A_24 = arith.constant 0 : index
    %get3A_25 = arith.constant 0 : index
    %get3A_26 = vector.load %arg10[%get3A_24, %get3A_25] : memref<128x128xf32, #tpu.memory_space<vmem>>, vector<128x128xf32>
    %get3A_27 = arith.constant 0 : index
    %get3A_28 = arith.constant 0 : index
    %get3A_29 = vector.load %arg9[%get3A_27, %get3A_28] : memref<128x1xf32, #tpu.memory_space<vmem>>, vector<128x1xf32>
    %div3A = vector.broadcast %sqrt3A : f32 to vector<128x1xf32>
    %div3A_30 = arith.divf %get3A_29, %div3A : vector<128x1xf32>
    %tanh3A = math.tanh %div3A_30 : vector<128x1xf32>
    %mul3A_31 = vector.broadcast %tanh3A : vector<128x1xf32> to vector<128x128xf32>
    %mul3A_32 = arith.mulf %get3A_26, %mul3A_31 : vector<128x128xf32>
    %get3A_33 = arith.constant 0 : index
    %get3A_34 = arith.constant 0 : index
    %get3A_35 = vector.load %arg3[%get3A_33, %get3A_34] : memref<384x128xf32, #tpu.memory_space<vmem>>, vector<384x128xf32>
    %dot_general3A_36 = arith.constant dense<0.000000e+00> : vector<128x384xf32>
    %dot_general3A_37 = tpu.matmul %mul3A_32, %get3A_35, %dot_general3A_36 {dimension_numbers = #tpu.dot_dimension_numbers<[1], [1], [0], [0], [0, 0, 1, 0], [], []>, transpose_lhs_hint = false} : vector<128x128xf32>, vector<384x128xf32>, vector<128x384xf32> -> vector<128x384xf32>
    %get3A_38 = arith.constant 0 : index
    %get3A_39 = arith.constant 0 : index
    %get3A_40 = vector.load %arg5[%get3A_38, %get3A_39] : memref<1x384xf32, #tpu.memory_space<vmem>>, vector<1x384xf32>
    %add3A_41 = vector.broadcast %get3A_40 : vector<1x384xf32> to vector<128x384xf32>
    %add3A_42 = arith.addf %dot_general3A_37, %add3A_41 : vector<128x384xf32>
    %get3A_43 = arith.constant 0 : index
    %get3A_44 = arith.constant 0 : index
    %get3A_45 = vector.load %arg2[%get3A_43, %get3A_44] : memref<128x128xf32, #tpu.memory_space<vmem>>, vector<128x128xf32>
    %get3A_46 = arith.constant 0 : index
    %get3A_47 = arith.constant 0 : index
    %get3A_48 = vector.load %arg4[%get3A_46, %get3A_47] : memref<384x128xf32, #tpu.memory_space<vmem>>, vector<384x128xf32>
    %dot_general3A_49 = arith.constant dense<0.000000e+00> : vector<128x384xf32>
    %dot_general3A_50 = tpu.matmul %get3A_45, %get3A_48, %dot_general3A_49 {dimension_numbers = #tpu.dot_dimension_numbers<[1], [1], [0], [0], [0, 0, 1, 0], [], []>, transpose_lhs_hint = false} : vector<128x128xf32>, vector<384x128xf32>, vector<128x384xf32> -> vector<128x384xf32>
    %get3A_51 = arith.constant 0 : index
    %get3A_52 = arith.constant 0 : index
    %get3A_53 = vector.load %arg6[%get3A_51, %get3A_52] : memref<1x384xf32, #tpu.memory_space<vmem>>, vector<1x384xf32>
    %add3A_54 = vector.broadcast %get3A_53 : vector<1x384xf32> to vector<128x384xf32>
    %add3A_55 = arith.addf %dot_general3A_50, %add3A_54 : vector<128x384xf32>
    %slice3A = vector.extract_strided_slice %add3A_42 {offsets = [0, 0], sizes = [128, 128], strides = [1, 1]} : vector<128x384xf32> to vector<128x128xf32>
    %slice3A_56 = vector.extract_strided_slice %add3A_55 {offsets = [0, 0], sizes = [128, 128], strides = [1, 1]} : vector<128x384xf32> to vector<128x128xf32>
    %add3A_57 = arith.addf %slice3A, %slice3A_56 : vector<128x128xf32>
    %logistic3A = arith.negf %add3A_57 : vector<128x128xf32>
    %logistic3A_58 = math.exp %logistic3A : vector<128x128xf32>
    %logistic3A_59 = arith.constant 1.000000e+00 : f32
    %logistic3A_60 = vector.broadcast %logistic3A_59 : f32 to vector<128x128xf32>
    %logistic3A_61 = arith.addf %logistic3A_60, %logistic3A_58 : vector<128x128xf32>
    %logistic3A_62 = arith.divf %logistic3A_60, %logistic3A_61 : vector<128x128xf32>
    %slice3A_63 = vector.extract_strided_slice %add3A_42 {offsets = [0, 128], sizes = [128, 128], strides = [1, 1]} : vector<128x384xf32> to vector<128x128xf32>
    %slice3A_64 = vector.extract_strided_slice %add3A_55 {offsets = [0, 128], sizes = [128, 128], strides = [1, 1]} : vector<128x384xf32> to vector<128x128xf32>
    %add3A_65 = arith.addf %slice3A_63, %slice3A_64 : vector<128x128xf32>
    %logistic3A_66 = arith.negf %add3A_65 : vector<128x128xf32>
    %logistic3A_67 = math.exp %logistic3A_66 : vector<128x128xf32>
    %logistic3A_68 = arith.constant 1.000000e+00 : f32
    %logistic3A_69 = vector.broadcast %logistic3A_68 : f32 to vector<128x128xf32>
    %logistic3A_70 = arith.addf %logistic3A_69, %logistic3A_67 : vector<128x128xf32>
    %logistic3A_71 = arith.divf %logistic3A_69, %logistic3A_70 : vector<128x128xf32>
    %slice3A_72 = vector.extract_strided_slice %add3A_42 {offsets = [0, 256], sizes = [128, 128], strides = [1, 1]} : vector<128x384xf32> to vector<128x128xf32>
    %slice3A_73 = vector.extract_strided_slice %add3A_55 {offsets = [0, 256], sizes = [128, 128], strides = [1, 1]} : vector<128x384xf32> to vector<128x128xf32>
    %mul3A_74 = arith.mulf %logistic3A_62, %slice3A_73 : vector<128x128xf32>
    %add3A_75 = arith.addf %slice3A_72, %mul3A_74 : vector<128x128xf32>
    %tanh3A_76 = math.tanh %add3A_75 : vector<128x128xf32>
    %sub3A = arith.constant 1.000000e+00 : f32
    %sub3A_77 = vector.broadcast %sub3A : f32 to vector<128x128xf32>
    %sub3A_78 = arith.subf %sub3A_77, %logistic3A_71 : vector<128x128xf32>
    %mul3A_79 = arith.mulf %sub3A_78, %tanh3A_76 : vector<128x128xf32>
    %get3A_80 = arith.constant 0 : index
    %get3A_81 = arith.constant 0 : index
    %get3A_82 = vector.load %arg2[%get3A_80, %get3A_81] : memref<128x128xf32, #tpu.memory_space<vmem>>, vector<128x128xf32>
    %mul3A_83 = arith.mulf %logistic3A_71, %get3A_82 : vector<128x128xf32>
    %add3A_84 = arith.addf %mul3A_79, %mul3A_83 : vector<128x128xf32>
    %swap3A_85 = arith.constant 0 : index
    %swap3A_86 = arith.constant 0 : index
    %swap3A_87 = vector.load %arg7[%swap3A_85, %swap3A_86] : memref<128x128xf32, #tpu.memory_space<vmem>>, vector<128x128xf32>
    tpu.vector_store %arg7[%swap3A_85, %swap3A_86], %add3A_84 {strides = array<i32>} : memref<128x128xf32, #tpu.memory_space<vmem>>, vector<128x128xf32>,
    return
  }
}

module attributes {stable_mosaic.version = 14 : i64} {
  func.func @_y_body(%arg0: i32, %arg1: memref<2x1024x16xf32, #tpu.memory_space<vmem>>, %arg2: memref<1024x128xf32, #tpu.memory_space<vmem>>, %arg3: memref<128x128xf32, #tpu.memory_space<vmem>>, %arg4: memref<1024x128xf32, #tpu.memory_space<vmem>>) attributes {dimension_semantics = [#tpu.dimension_semantics<arbitrary>], iteration_bounds = array<i64: 10>, scalar_prefetch = 0 : i64, scratch_operands = 0 : i64, tpu.core_type = #tpu.core_type<tc>, window_params = [{transform_indices = @transform_0, window_bounds = array<i64: 2, 1024, 16>}, {transform_indices = @transform_1, window_bounds = array<i64: 1024, 128>}, {pipeline_mode = #tpu.pipeline_mode<synchronous>, transform_indices = @transform_2, window_bounds = array<i64: 128, 128>}, {transform_indices = @transform_3, window_bounds = array<i64: 1024, 128>}]} {
    %get3A = arith.constant 0 : index
    %get3A_0 = arith.constant 0 : index
    %get3A_1 = arith.constant 0 : index
    %get3A_2 = vector.load %arg1[%get3A, %get3A_0, %get3A_1] : memref<2x1024x16xf32, #tpu.memory_space<vmem>>, vector<1x1024x1xf32>
    %get3A_3 = vector.shape_cast %get3A_2 : vector<1x1024x1xf32> to vector<1024x1xf32>
    %get3A_4 = arith.constant 1 : index
    %get3A_5 = arith.constant 0 : index
    %get3A_6 = arith.constant 0 : index
    %get3A_7 = vector.load %arg1[%get3A_4, %get3A_5, %get3A_6] : memref<2x1024x16xf32, #tpu.memory_space<vmem>>, vector<1x1024x1xf32>
    %get3A_8 = vector.shape_cast %get3A_7 : vector<1x1024x1xf32> to vector<1024x1xf32>
    %add3A = arith.addf %get3A_3, %get3A_8 : vector<1024x1xf32>
    %add3A_9 = arith.constant 1.000000e+00 : f32
    %add3A_10 = vector.broadcast %add3A_9 : f32 to vector<1024x1xf32>
    %add3A_11 = arith.addf %add3A, %add3A_10 : vector<1024x1xf32>
    %sqrt3A = math.sqrt %add3A_11 : vector<1024x1xf32>
    %div3A = arith.constant 1.000000e+00 : f32
    %div3A_12 = vector.broadcast %div3A : f32 to vector<1024x1xf32>
    %div3A_13 = arith.divf %div3A_12, %sqrt3A : vector<1024x1xf32>
    %get3A_14 = arith.constant 0 : index
    %get3A_15 = arith.constant 0 : index
    %get3A_16 = vector.load %arg2[%get3A_14, %get3A_15] : memref<1024x128xf32, #tpu.memory_space<vmem>>, vector<1024x128xf32>
    %get3A_17 = arith.constant 0 : index
    %get3A_18 = arith.constant 0 : index
    %get3A_19 = vector.load %arg3[%get3A_17, %get3A_18] : memref<128x128xf32, #tpu.memory_space<vmem>>, vector<128x128xf32>
    %dot_general3A = arith.constant dense<0.000000e+00> : vector<1024x128xf32>
    %dot_general3A_20 = tpu.matmul %get3A_16, %get3A_19, %dot_general3A {dimension_numbers = #tpu.dot_dimension_numbers<[1], [0], [0], [1], [0, 0, 1, 1], [], []>, transpose_lhs_hint = false} : vector<1024x128xf32>, vector<128x128xf32>, vector<1024x128xf32> -> vector<1024x128xf32>
    %mul3A = vector.broadcast %div3A_13 : vector<1024x1xf32> to vector<1024x128xf32>
    %mul3A_21 = arith.mulf %mul3A, %dot_general3A_20 : vector<1024x128xf32>
    %swap3A = arith.constant 0 : index
    %swap3A_22 = arith.constant 0 : index
    %swap3A_23 = vector.load %arg4[%swap3A, %swap3A_22] : memref<1024x128xf32, #tpu.memory_space<vmem>>, vector<1024x128xf32>
    tpu.vector_store %arg4[%swap3A, %swap3A_22], %mul3A_21 {strides = array<i32>} : memref<1024x128xf32, #tpu.memory_space<vmem>>, vector<1024x128xf32>,
    return
  }
  func.func @transform_0(%arg0: i32) -> (i32, i32, i32) {
    %c0_i32 = arith.constant 0 : i32
    %c0_i32_0 = arith.constant 0 : i32
    %c0_i32_1 = arith.constant 0 : i32
    return %c0_i32, %arg0, %c0_i32_0 : i32, i32, i32
  }
  func.func @transform_1(%arg0: i32) -> (i32, i32) {
    %c0_i32 = arith.constant 0 : i32
    %c0_i32_0 = arith.constant 0 : i32
    return %arg0, %c0_i32 : i32, i32
  }
  func.func @transform_2(%arg0: i32) -> (i32, i32) {
    %c0_i32 = arith.constant 0 : i32
    %c0_i32_0 = arith.constant 0 : i32
    %c0_i32_1 = arith.constant 0 : i32
    return %c0_i32, %c0_i32_0 : i32, i32
  }
  func.func @transform_3(%arg0: i32) -> (i32, i32) {
    %c0_i32 = arith.constant 0 : i32
    %c0_i32_0 = arith.constant 0 : i32
    return %arg0, %c0_i32 : i32, i32
  }
}

module attributes {stable_mosaic.version = 14 : i64} {
  func.func @_cls_body(%arg0: i32, %arg1: memref<2x1000x16xf32, #tpu.memory_space<vmem>>, %arg2: memref<2x1000x128xf32, #tpu.memory_space<vmem>>, %arg3: memref<1000x128xf32, #tpu.memory_space<vmem>>, %arg4: memref<2x128xf32, #tpu.memory_space<vmem>>, %arg5: memref<1x2xf32, #tpu.memory_space<vmem>>, %arg6: memref<1000x2xf32, #tpu.memory_space<vmem>>) attributes {dimension_semantics = [#tpu.dimension_semantics<arbitrary>], iteration_bounds = array<i64: 10>, scalar_prefetch = 0 : i64, scratch_operands = 0 : i64, tpu.core_type = #tpu.core_type<tc>, window_params = [{transform_indices = @transform_0, window_bounds = array<i64: 2, 1000, 16>}, {transform_indices = @transform_1, window_bounds = array<i64: 2, 1000, 128>}, {transform_indices = @transform_2, window_bounds = array<i64: 1000, 128>}, {pipeline_mode = #tpu.pipeline_mode<synchronous>, transform_indices = @transform_3, window_bounds = array<i64: 2, 128>}, {pipeline_mode = #tpu.pipeline_mode<synchronous>, transform_indices = @transform_4, window_bounds = array<i64: 1, 2>}, {transform_indices = @transform_5, window_bounds = array<i64: 1000, 2>}]} {
    %get3A = arith.constant 0 : index
    %get3A_0 = arith.constant 0 : index
    %get3A_1 = arith.constant 0 : index
    %get3A_2 = vector.load %arg1[%get3A, %get3A_0, %get3A_1] : memref<2x1000x16xf32, #tpu.memory_space<vmem>>, vector<1x1000x1xf32>
    %get3A_3 = vector.shape_cast %get3A_2 : vector<1x1000x1xf32> to vector<1000x1xf32>
    %get3A_4 = arith.constant 1 : index
    %get3A_5 = arith.constant 0 : index
    %get3A_6 = arith.constant 0 : index
    %get3A_7 = vector.load %arg1[%get3A_4, %get3A_5, %get3A_6] : memref<2x1000x16xf32, #tpu.memory_space<vmem>>, vector<1x1000x1xf32>
    %get3A_8 = vector.shape_cast %get3A_7 : vector<1x1000x1xf32> to vector<1000x1xf32>
    %add3A = arith.addf %get3A_3, %get3A_8 : vector<1000x1xf32>
    %add3A_9 = arith.constant 1.000000e+00 : f32
    %add3A_10 = vector.broadcast %add3A_9 : f32 to vector<1000x1xf32>
    %add3A_11 = arith.addf %add3A, %add3A_10 : vector<1000x1xf32>
    %sqrt3A = math.sqrt %add3A_11 : vector<1000x1xf32>
    %div3A = arith.constant 1.000000e+00 : f32
    %div3A_12 = vector.broadcast %div3A : f32 to vector<1000x1xf32>
    %div3A_13 = arith.divf %div3A_12, %sqrt3A : vector<1000x1xf32>
    %get3A_14 = arith.constant 0 : index
    %get3A_15 = arith.constant 0 : index
    %get3A_16 = arith.constant 0 : index
    %get3A_17 = vector.load %arg2[%get3A_14, %get3A_15, %get3A_16] : memref<2x1000x128xf32, #tpu.memory_space<vmem>>, vector<1x1000x128xf32>
    %get3A_18 = vector.shape_cast %get3A_17 : vector<1x1000x128xf32> to vector<1000x128xf32>
    %get3A_19 = arith.constant 1 : index
    %get3A_20 = arith.constant 0 : index
    %get3A_21 = arith.constant 0 : index
    %get3A_22 = vector.load %arg2[%get3A_19, %get3A_20, %get3A_21] : memref<2x1000x128xf32, #tpu.memory_space<vmem>>, vector<1x1000x128xf32>
    %get3A_23 = vector.shape_cast %get3A_22 : vector<1x1000x128xf32> to vector<1000x128xf32>
    %add3A_24 = arith.addf %get3A_18, %get3A_23 : vector<1000x128xf32>
    %get3A_25 = arith.constant 0 : index
    %get3A_26 = arith.constant 0 : index
    %get3A_27 = vector.load %arg3[%get3A_25, %get3A_26] : memref<1000x128xf32, #tpu.memory_space<vmem>>, vector<1000x128xf32>
    %add3A_28 = arith.addf %add3A_24, %get3A_27 : vector<1000x128xf32>
    %mul3A = vector.broadcast %div3A_13 : vector<1000x1xf32> to vector<1000x128xf32>
    %mul3A_29 = arith.mulf %mul3A, %add3A_28 : vector<1000x128xf32>
    %max3A = arith.constant 0.000000e+00 : f32
    %max3A_30 = vector.broadcast %max3A : f32 to vector<1000x128xf32>
    %max3A_31 = arith.maximumf %mul3A_29, %max3A_30 : vector<1000x128xf32>
    %get3A_32 = arith.constant 0 : index
    %get3A_33 = arith.constant 0 : index
    %get3A_34 = vector.load %arg4[%get3A_32, %get3A_33] : memref<2x128xf32, #tpu.memory_space<vmem>>, vector<2x128xf32>
    %dot_general3A = arith.constant dense<0.000000e+00> : vector<1000x2xf32>
    %dot_general3A_35 = tpu.matmul %max3A_31, %get3A_34, %dot_general3A {dimension_numbers = #tpu.dot_dimension_numbers<[1], [1], [0], [0], [0, 0, 1, 0], [], []>, transpose_lhs_hint = false} : vector<1000x128xf32>, vector<2x128xf32>, vector<1000x2xf32> -> vector<1000x2xf32>
    %get3A_36 = arith.constant 0 : index
    %get3A_37 = arith.constant 0 : index
    %get3A_38 = vector.load %arg5[%get3A_36, %get3A_37] : memref<1x2xf32, #tpu.memory_space<vmem>>, vector<1x2xf32>
    %add3A_39 = vector.broadcast %get3A_38 : vector<1x2xf32> to vector<1000x2xf32>
    %add3A_40 = arith.addf %dot_general3A_35, %add3A_39 : vector<1000x2xf32>
    %swap3A = arith.constant 0 : index
    %swap3A_41 = arith.constant 0 : index
    %swap3A_42 = vector.load %arg6[%swap3A, %swap3A_41] : memref<1000x2xf32, #tpu.memory_space<vmem>>, vector<1000x2xf32>
    tpu.vector_store %arg6[%swap3A, %swap3A_41], %add3A_40 {strides = array<i32>} : memref<1000x2xf32, #tpu.memory_space<vmem>>, vector<1000x2xf32>,
    return
  }
  func.func @transform_0(%arg0: i32) -> (i32, i32, i32) {
    %c0_i32 = arith.constant 0 : i32
    %c0_i32_0 = arith.constant 0 : i32
    %c0_i32_1 = arith.constant 0 : i32
    return %c0_i32, %arg0, %c0_i32_0 : i32, i32, i32
  }
  func.func @transform_1(%arg0: i32) -> (i32, i32, i32) {
    %c0_i32 = arith.constant 0 : i32
    %c0_i32_0 = arith.constant 0 : i32
    %c0_i32_1 = arith.constant 0 : i32
    return %c0_i32, %arg0, %c0_i32_0 : i32, i32, i32
  }
  func.func @transform_2(%arg0: i32) -> (i32, i32) {
    %c0_i32 = arith.constant 0 : i32
    %c0_i32_0 = arith.constant 0 : i32
    return %arg0, %c0_i32 : i32, i32
  }
  func.func @transform_3(%arg0: i32) -> (i32, i32) {
    %c0_i32 = arith.constant 0 : i32
    %c0_i32_0 = arith.constant 0 : i32
    %c0_i32_1 = arith.constant 0 : i32
    return %c0_i32, %c0_i32_0 : i32, i32
  }
  func.func @transform_4(%arg0: i32) -> (i32, i32) {
    %c0_i32 = arith.constant 0 : i32
    %c0_i32_0 = arith.constant 0 : i32
    %c0_i32_1 = arith.constant 0 : i32
    return %c0_i32, %c0_i32_0 : i32, i32
  }
  func.func @transform_5(%arg0: i32) -> (i32, i32) {
    %c0_i32 = arith.constant 0 : i32
    %c0_i32_0 = arith.constant 0 : i32
    return %arg0, %c0_i32 : i32, i32
  }
}

</mosaic_0001>

<sc_bundles>
// kernel: kernel.10.cloned.1.call-start
scs
__scs_entry_jumppad:
0x0: {  	(pc) =	sbr.rel $0x88, $3  }
0x1: {  	(tag) =	ssettag $0x0;
	lr =	simm.s32 $0x1  }
0x2: {  	[smem:$0x3F97] =	sst lr;
	_ =	strace $0xD0000000  }
0x3: {  	_ = 	snop  }
0x4: {  	_ = 	snop  }
0x5: {  	_ = 	snop  }
0x6: {  	_ = 	snop  }
0x7: {  	_ = 	snop  }
__scs_overlays_trampoline_lowered:
0x8: {  	[smem:$0x3FA6] =	sst s0  }
0x9: {  	[smem:$0x3FA7] =	sst s1  }
0xa: {  	[smem:$0x3FA8] =	sst s2  }
0xb: {  	[smem:$0x3FA9] =	sst s3  }
0xc: {  	[smem:$0x3FAA] =	sst s4  }
0xd: {  	[smem:$0x3FAB] =	sst s5  }
0xe: {  	[smem:$0x3FAC] =	sst s6  }
0xf: {  	[smem:$0x3FAD] =	sst s7  }
0x10: {  	[smem:$0x3FAE] =	sst s8  }
0x11: {  	[smem:$0x3FAF] =	sst s9;
	s0 =	simm.s32 @!p0 $0x0  }
0x12: {  	s1 =	sld [smem:$0x3F95];
	s0 =	simm.s32 @p0 $0x1  }
0x13: {  	[smem:$0x3FB0] =	sst s0;
	s0 =	simm.s32 @!p1 $0x0  }
0x14: {  	s2 =	sld [smem:$0x3F94];
	s0 =	simm.s32 @p1 $0x1  }
0x15: {  	[smem:$0x3FB1] =	sst s0;
	s0 =	simm.s32 @!p2 $0x0  }
0x16: {  	s3 =	sld [smem:$0x3FDB];
	s0 =	simm.s32 @p2 $0x1  }
0x17: {  	s4 =	simm.s32 $0x1BF5;
	[smem:$0x3FB3] =	sst s0  }
0x18: {  	s0 =	sld [smem:$0x3F96];
	_ =	swait.ge [sflag:s4], $0x0  }
0x19: {  	s7 =	sld [smem:$0x3F97]  }
0x1a: {  	s8 =	sadd.s32 $0xFFFFE003, lr  }
0x1b: {  	s9 =	sadd.s32 $0xFFFFFEF7, lr;
	s5 =	simm.s32 $0xFFFFFFFF;
	p2 =	slt.u32 s8, $0xFFFFF086  }
0x1c: {  	p1 =	slt.u32 s9, $0xF7A;
	s5 =	simm.s32 @!p2 $0x0  }
0x1d: {  	s5 =	simm.s32 @p1 $0x1;
	p0 =	seq.s32 s7, s2  }
0x1e: {  	s7 =	smul.u32 @!p0 $0xF7A, s2;
	p2 =	seq.s32 @!p0 s5, $0x0  }
0x1f: {  	s9 =	smul.u32 $0xF7A, s1;
	s8 =	simm.s32 @!p0 $0x1BF5;
	p2 =	por !p2, p0  }
0x20: {  	[sflag:s8] =	ssyncset.s32 @!p0 $0xFFFFF086;
	s6 =	sadd.s32 @!p0 s3, s7;
	s7 =	simm.s32 @!p0 $0x108  }
0x21: {  	s3 =	sadd.s32 s3, s9;
	s6 =	sadd.s32 @!p0 $0x88, s6;
	s7 =	simm.s32 @p2 $0x1082  }
0x22: {  	[simem:s7], [sflag:s8] =	dma.local @!p0 [hbm:s6], $0xF7A  }
0x23: {  	s9 =	sor.u32 $0xD0000000, s2;
	s6 =	simm.s32 $0x108;
	_ =	swait.ge @!p0 [sflag:s8], $0x0  }
0x24: {  	s3 =	sadd.s32 $0x88, s3;
	s6 =	simm.s32 @!p1 $0x1082;
	[sflag:s4] =	ssyncset.s32 $0xFFFFF086  }
0x25: {  	[simem:s6], [sflag:s4] =	dma.local [hbm:s3], $0xF7A  }
0x26: {  	[smem:$0x3F97] =	sst s1;
	(tag) =	ssettag s2;
	_ =	strace s9  }
0x27: {  	s1 =	sld [smem:$0x3FA7]  }
0x28: {  	s2 =	sld [smem:$0x3FA8]  }
0x29: {  	s4 =	sld [smem:$0x3FAA]  }
0x2a: {  	p0 =	seq.s32 s5, $0x0;
	s5 =	sld [smem:$0x3FAB]  }
0x2b: {  	s6 =	sld [smem:$0x3FAC]  }
0x2c: {  	s7 =	sld [smem:$0x3FAD]  }
0x2d: {  	s3 =	simm.s32 $0x108;
	s8 =	sld [smem:$0x3FAE]  }
0x2e: {  	s3 =	simm.s32 @!p0 $0x1082;
	s9 =	sld [smem:$0x3FAF]  }
0x2f: {  	lr =	sadd.s32 s0, s3;
	s0 =	sld [smem:$0x3FA6]  }
0x30: {  	s3 =	sld [smem:$0x3FA9]  }
0x31: {  	[smem:$0x3FB2] =	sst s10  }
0x32: {  	s10 =	sld [smem:$0x3FB0];
	_ =	sdelay $0x3  }
0x33: {  	p0 =	seq.s32 s10, $0x1;
	s10 =	sld [smem:$0x3FB2];
	_ =	sdelay $0x3  }
0x34: {  	[smem:$0x3FB2] =	sst s10  }
0x35: {  	s10 =	sld [smem:$0x3FB1];
	_ =	sdelay $0x3  }
0x36: {  	p1 =	seq.s32 s10, $0x1;
	s10 =	sld [smem:$0x3FB2];
	_ =	sdelay $0x3  }
0x37: {  	[smem:$0x3FB2] =	sst s10  }
0x38: {  	s10 =	sld [smem:$0x3FB3]  }
0x39: {  	_ = 	snop;
	(pc) =	sbr.ind lr, $3  }
0x3a: {  	_ = 	snop  }
0x3b: {  	_ = 	snop  }
0x3c: {  	p2 =	seq.s32 s10, $0x1;
	s10 =	sld [smem:$0x3FB2]  }
0x3d: {  	_ =	shalt  }
0x3e: {  	_ =	shalt  }
0x3f: {  	_ =	shalt  }
0x40: {  	_ =	shalt  }
0x41: {  	_ =	shalt  }
0x42: {  	_ =	shalt  }
0x43: {  	_ =	shalt  }
0x44: {  	_ =	shalt  }
0x45: {  	_ =	shalt  }
0x46: {  	_ =	shalt  }
0x47: {  	_ =	shalt  }
0x48: {  	_ =	shalt  }
0x49: {  	_ =	shalt  }
0x4a: {  	_ =	shalt  }
0x4b: {  	_ =	shalt  }
0x4c: {  	_ =	shalt  }
0x4d: {  	_ =	shalt  }
0x4e: {  	_ =	shalt  }
0x4f: {  	_ =	shalt  }
0x50: {  	_ =	shalt  }
0x51: {  	_ =	shalt  }
0x52: {  	_ =	shalt  }
0x53: {  	_ =	shalt  }
0x54: {  	_ =	shalt  }
0x55: {  	_ =	shalt  }
0x56: {  	_ =	shalt  }
0x57: {  	_ =	shalt  }
0x58: {  	_ =	shalt  }
0x59: {  	_ =	shalt  }
0x5a: {  	_ =	shalt  }
0x5b: {  	_ =	shalt  }
0x5c: {  	_ =	shalt  }
0x5d: {  	_ =	shalt  }
0x5e: {  	_ =	shalt  }
0x5f: {  	_ =	shalt  }
0x60: {  	_ =	shalt  }
0x61: {  	_ =	shalt  }
0x62: {  	_ =	shalt  }
0x63: {  	_ =	shalt  }
0x64: {  	_ =	shalt  }
0x65: {  	_ =	shalt  }
0x66: {  	_ =	shalt  }
0x67: {  	_ =	shalt  }
0x68: {  	_ =	shalt  }
0x69: {  	_ =	shalt  }
0x6a: {  	_ =	shalt  }
0x6b: {  	_ =	shalt  }
0x6c: {  	_ =	shalt  }
0x6d: {  	_ =	shalt  }
0x6e: {  	_ =	shalt  }
0x6f: {  	_ =	shalt  }
0x70: {  	_ =	shalt  }
0x71: {  	_ =	shalt  }
0x72: {  	_ =	shalt  }
0x73: {  	_ =	shalt  }
0x74: {  	_ =	shalt  }
0x75: {  	_ =	shalt  }
0x76: {  	_ =	shalt  }
0x77: {  	_ =	shalt  }
0x78: {  	_ =	shalt  }
0x79: {  	_ =	shalt  }
0x7a: {  	_ =	shalt  }
0x7b: {  	_ =	shalt  }
0x7c: {  	_ =	shalt  }
0x7d: {  	_ =	shalt  }
0x7e: {  	_ =	shalt  }
0x7f: {  	_ =	shalt  }
0x80: {  	_ =	shalt  }
0x81: {  	_ =	shalt  }
0x82: {  	_ =	shalt  }
0x83: {  	_ =	shalt  }
0x84: {  	_ =	shalt  }
0x85: {  	_ =	shalt  }
0x86: {  	_ =	shalt  }
0x87: {  	_ =	shalt  }
.Lfunc_end0:
.L_simem_size_0:
called_computation.1_lowered:
.L_overlay_start_0:
0x88: {  	s2 =	sld [smem:$0x3FD9]  }
0x89: {  	s3 =	sld [smem:$0x3FFE];
	_ =	sdelay $0x1  }
0x8a: {  	s1 =	srdreg.scid  }
0x8b: {  	s0 =	sand.u32 $0x1, s1  }
0x8c: {  	s16 =	sshll.u32 s0, $0xA;
	s2 =	sadd.s32 s3, s2  }
0x8d: {  	s2 =	sadd.s32 s2, s16  }
0x8e: {  	[smem:$0x3FBE] =	sst s2  }
0x8f: {  	_ = 	snop  }
0x90: {  	(tm) =	ssettm $0x1  }
0x91: {  	s17 =	sld [smem:$0x3FFB];
	_ =	sdelay $0x3  }
0x92: {  	_ =	strace s17  }
0x93: {  	s2 =	sld [smem:$0x3FFC];
	_ =	sdelay $0x3  }
0x94: {  	_ =	strace s2  }
0x95: {  	s2 =	sld [smem:$0x3FFD];
	_ =	sdelay $0x3  }
0x96: {  	_ =	strace s2  }
0x97: {  	_ =	strace $0x8FFFFFFF  }
0x98: {  	s18 =	sld [smem:$0x3FDB];
	_ =	sdelay $0x1  }
0x99: {  	s19 =	simm.s32 $_scs_section_size  }
0x9a: {  	s4 =	simm.s32 $_size__tile_overlayer_lowered;
	s5 =	simm.s32 $_tile_overlayer_lowered  }
0x9b: {  	s22 =	simm.s32 $0x1BFF;
	s21 =	sshll.u32 s5, $0x1;
	s2 =	sadd.s32 s19, s18  }
0x9c: {  	s6 =	simm.s32 $0x0;
	s20 =	sshll.u32 s4, $0x1;
	s4 =	sadd.s32 s21, s2  }
0x9d: {  	[timem:s6], [sflag:s22] =	dma.local [hbm:s4], s20  }
0x9e: {  	_ =	swait.ge [sflag:s22], s20  }
0x9f: {  	s3 =	ssub.s32 $0x0, s20;
	[sflag:s22] =	ssyncset.done $0x0  }
0xa0: {  	[sflag:s22] =	ssyncadd.s32 s3;
	_ =	sdelay $0x1  }
0xa1: {  	s23 =	simm.s32 $0x1B8B  }
0xa2: {  	_ =	swait.ge [sflag:s23], $0x1  }
0xa3: {  	[sflag:s23] =	ssyncset.done $0x0  }
0xa4: {  	s25 =	simm.s32 $0x1B8E;
	s24 =	sld [smem:$0x3FFE];
	[sflag:s23] =	ssyncadd.s32 $0xFFFFFFFF  }
0xa5: {  	s26 =	simm.s32 $execute0_lowered;
	[smem:$0x3FD2] =	sst s25  }
0xa6: {  	s4 =	sshll.u32 s26, $0x1;
	_ =	strace $0x80000049;
	[dreg:$0x1] =	wrdreg $0xFFFFFFFF  }
0xa7: {  	s28 =	simm.s32 $_size_execute0_lowered;
	s2 =	sadd.s32 s2, s4;
	[dreg:$0x0] =	wrdreg $0x0  }
0xa8: {  	s4 =	sshll.u32 s28, $0x1;
	[dreg:$0x2] =	wrdreg s2  }
0xa9: {  	[dreg:$0x3] =	wrdreg s4  }
0xaa: {  	[dreg:$0x4] =	wrdreg $0xC0  }
0xab: {  	_ =	task [dreg:s6], $0x5FFFF  }
0xac: {  	[dreg:$0x1] =	wrdreg $0xFFFFFFFF  }
0xad: {  	[dreg:$0x0] =	wrdreg $0x60  }
0xae: {  	[dreg:$0x2] =	wrdreg s24  }
0xaf: {  	[dreg:$0x3] =	wrdreg $0x0  }
0xb0: {  	[dreg:$0x4] =	wrdreg $0x9  }
0xb1: {  	_ =	task.clear_ibuf [dreg:s6], $0x5FFFF;
	_ =	strace $0x90000049  }
0xb2: {  	s29 =	simm.s32 $0x9;
	_ =	strace $0x8000004B  }
0xb3: {  	_ =	swait.ge [sflag:s29], $0x1  }
0xb4: {  	[sflag:s29] =	ssyncadd.s32 $0xFFFFFFFF  }
0xb5: {  	_ =	strace $0x9000004B  }
0xb6: {  	_ =	sfence  }
0xb7: {  	s30 =	sld [smem:$0x0];
	_ =	sdelay $0x2  }
0xb8: {  	s31 =	sshll.u32 s1, $0xD;
	s1 =	sshrl.u32 s1, $0x2  }
0xb9: {  	s3 =	sand.u32 $0x4000, s31;
	s1 =	sadd.s32 s1, s30  }
0xba: {  	s0 =	sor.u32 s3, s0;
	s1 =	sshll.u32 s1, $0x11  }
0xbb: {  	s0 =	sor.u32 s1, s0  }
0xbc: {  	s0 =	sadd.s32 $0x8F2B, s0  }
0xbd: {  	[sflag:s0] =	ssyncadd.remote.s32 $0x1  }
0xbe: {  	_ =	sfence.sel $0xFFFF  }
0xbf: {  	[dreg:$0x0] =	wrdreg $0xFFFFFFFF;
	(pc) =	sbr.abs _section_cstart, $3  }
0xc0: {  	[dreg:$0x1] =	wrdreg $0xFFFFFFFF  }
0xc1: {  	_ =	task.clear_ibuf [dreg:s6], $0x2FFFF;
	_ =	strace $0x9FFFFFFF  }
0xc2: {  	(tm) =	ssettm $0x7FFFFFFF  }
0xc3: {  	_ =	shalt  }
tec
execute0_lowered:
.L_overlay_start_1:
0x0: {  	(tag) =	ssettag $0x1  }
0x1: {  	s0 =	rddreg [dreg:$0x0]  }
0x2: {  	s1 =	rddreg [dreg:$0x1]  }
0x3: {  	s2 =	simm.s32 $0x0;
	s3 =	srdreg.scid;
	s9 =	stileid.u32  }
0x4: {  	s28 =	simm.s32 $0x147D0;
	s29 =	simm.s32 $0x50;
	s30 =	simm.s32 $0x14050  }
0x5: {  	s31 =	simm.s32 $0x17F70;
	[smem:$0x7FF] =	sst s2;
	s4 =	sadd.s32 $0x15E00, s0  }
0x6: {  	s3 =	sand.u32 $0x1, s3;
	s5 =	sadd.s32 $0x2400, s0;
	s7 =	smul.u32 $0x14000, s9  }
0x7: {  	s0 =	sadd.s32 $0x3DE00, s0;
	s9 =	sshll.u32 s9, $0x1;
	_ =	strace $0x8000004A  }
0x8: {  	s6 =	ssub.s32 $0x2, s3;
	s14 =	sor.u32 s3, s9;
	s3 =	smul.u32 $0x140000, s3  }
0x9: {  	s8 =	sshrl.u32 s6, $0x1;
	s15 =	sor.u32 $0x2800, s7;
	s16 =	sadd.s32 $0x5000, s7  }
0xa: {  	s17 =	sadd.s32 $0x7800, s7;
	s18 =	sadd.s32 $0xA000, s7;
	s19 =	sadd.s32 $0xC800, s7  }
0xb: {  	s20 =	sadd.s32 $0xF000, s7;
	s21 =	sadd.s32 $0x11800, s7;
	s14 =	smul.u32 $0x2710, s14  }
0xc: {  	s6 =	ssub.s32 s6, s8;
	s8 =	sadd.s32 s7, s1;
	s9 =	sadd.s32 s15, s1  }
0xd: {  	s10 =	sadd.s32 s16, s1;
	s22 =	sadd.s32 s17, s1;
	s23 =	sadd.s32 s18, s1  }
0xe: {  	s11 =	sadd.s32 s19, s1;
	s24 =	sadd.s32 s20, s1;
	s7 =	sadd.s32 s7, s3  }
0xf: {  	s25 =	sadd.s32 s21, s1;
	s15 =	sadd.s32 s3, s15;
	[dreg:$0x5] =	wrdreg s11  }
0x10: {  	s12 =	sadd.s32 s3, s17;
	s13 =	sadd.s32 s3, s18;
	[dreg:$0x6] =	wrdreg s24  }
0x11: {  	s19 =	sadd.s32 s3, s19;
	[dreg:$0x7] =	wrdreg s25;
	s7 =	sshrl.u32 s7, $0x3  }
0x12: {  	s26 =	sshrl.u32 s15, $0x3;
	s11 =	sadd.s32 s3, s16;
	s15 =	sshrl.u32 s12, $0x3  }
0x13: {  	s18 =	sshrl.u32 s13, $0x3;
	s24 =	sadd.s32 s3, s20;
	[dreg:$0x3] =	wrdreg s22  }
0x14: {  	s3 =	sadd.s32 s3, s21;
	[dreg:$0x4] =	wrdreg s23;
	s7 =	sadd.s32 s0, s7  }
0x15: {  	s17 =	sadd.s32 s0, s15;
	s15 =	sshrl.u32 s24, $0x3;
	[dreg:$0x8] =	wrdreg s7  }
0x16: {  	s3 =	sshrl.u32 s3, $0x3;
	s7 =	sadd.s32 s0, s26;
	[dreg:$0xb] =	wrdreg s17  }
0x17: {  	s25 =	sadd.s32 s0, s15;
	[dreg:$0x9] =	wrdreg s7;
	s7 =	sshrl.u32 s11, $0x3  }
0x18: {  	s24 =	simm.s32 $0x15770;
	[dreg:$0xe] =	wrdreg s25;
	s7 =	sadd.s32 s0, s7  }
0x19: {  	s26 =	smax.u32 s6, $0x1;
	[dreg:$0xa] =	wrdreg s7;
	s7 =	sadd.s32 s0, s18  }
0x1a: {  	s15 =	simm.s32 $0x0;
	[dreg:$0xc] =	wrdreg s7;
	s7 =	sshrl.u32 s19, $0x3  }
0x1b: {  	[dreg:$0x10] =	wrdreg s26;
	s25 =	simm.s32 $0x4;
	s7 =	sadd.s32 s0, s7  }
0x1c: {  	s26 =	simm.s32 $0x14000;
	s0 =	sadd.s32 s0, s3;
	[dreg:$0xd] =	wrdreg s7  }
0x1d: {  	v0 =	vimm.f32 $0.0e+00;
	s3 =	simm.s32 $0x1A770;
	[dreg:$0xf] =	wrdreg s0;
	s0 =	simm.s32 $0x140A0  }
.LBB2_1:
0x1e: {  	s6 =	simm.s32 $0x0;
	s16 =	simm.s32 $0x200  }
.LBB2_2:
0x1f: {  	p0 =	sne.s32 s16, $0x9E00;
	[tilespmem:s6+$0x157E0] =	vst v0  }
0x20: {  	[tilespmem:s6+$0x15770] =	vst v0  }
0x21: {  	[tilespmem:s6+$0x15780] =	vst v0  }
.Ltmp0:
0x22: {  	[tilespmem:s6+$0x15790] =	vst v0;
	(pc) =	sbr.rel @p0 .LBB2_2-.Ltmp0, $4  }
0x23: {  	[tilespmem:s6+$0x157A0] =	vst v0  }
0x24: {  	[tilespmem:s6+$0x157B0] =	vst v0  }
0x25: {  	[tilespmem:s6+$0x157C0] =	vst v0  }
0x26: {  	[tilespmem:s6+$0x157D0] =	vst v0;
	s6 =	sshra.s32 s16, $0x2;
	s16 =	sadd.s32 $0x200, s16  }
0x27: {  	[tilespmem:s6+$0x157E0] =	vst v0  }
0x28: {  	[tilespmem:s6+$0x15770] =	vst v0  }
0x29: {  	[tilespmem:s6+$0x15780] =	vst v0  }
0x2a: {  	[tilespmem:s6+$0x15790] =	vst v0  }
0x2b: {  	[tilespmem:s6+$0x157A0] =	vst v0  }
0x2c: {  	[tilespmem:s6+$0x157B0] =	vst v0  }
0x2d: {  	[tilespmem:s6+$0x157C0] =	vst v0  }
0x2e: {  	[tilespmem:s6+$0x157D0] =	vst v0  }
0x2f: {  	[spmem:s8] =	stream.linear.scatter [tilespmem:s24], [sflag:$0x4], $0x2800, $0x38;
	[tilespmem:$0x1CF70] =	vst v63  }
0x30: {  	_ =	swait.ge [sflag:s25], $0x2800  }
0x31: {  	[sflag:s25] =	ssyncset.done $0x0  }
0x32: {  	[sflag:s25] =	ssyncadd.s32 $0xFFFFD800  }
0x33: {  	[spmem:s9] =	stream.linear.scatter [tilespmem:s24], [sflag:$0x4], $0x2800, $0x38;
	[tilespmem:$0x1CF70] =	vst v63  }
0x34: {  	_ =	swait.ge [sflag:s25], $0x2800  }
0x35: {  	[sflag:s25] =	ssyncset.done $0x0  }
0x36: {  	[sflag:s25] =	ssyncadd.s32 $0xFFFFD800  }
0x37: {  	[spmem:s10] =	stream.linear.scatter [tilespmem:s24], [sflag:$0x4], $0x2800, $0x38;
	[tilespmem:$0x1CF70] =	vst v63  }
0x38: {  	_ =	swait.ge [sflag:s25], $0x2800  }
0x39: {  	[sflag:s25] =	ssyncset.done $0x0  }
0x3a: {  	[sflag:s25] =	ssyncadd.s32 $0xFFFFD800  }
0x3b: {  	[spmem:s22] =	stream.linear.scatter [tilespmem:s24], [sflag:$0x4], $0x2800, $0x38;
	[tilespmem:$0x1CF70] =	vst v63  }
0x3c: {  	_ =	swait.ge [sflag:s25], $0x2800  }
0x3d: {  	[sflag:s25] =	ssyncset.done $0x0  }
0x3e: {  	[sflag:s25] =	ssyncadd.s32 $0xFFFFD800  }
0x3f: {  	[spmem:s23] =	stream.linear.scatter [tilespmem:s24], [sflag:$0x4], $0x2800, $0x38;
	[tilespmem:$0x1CF70] =	vst v63  }
0x40: {  	_ =	swait.ge [sflag:s25], $0x2800  }
0x41: {  	[sflag:s25] =	ssyncset.done $0x0  }
0x42: {  	s21 =	rddreg [dreg:$0x5];
	[sflag:s25] =	ssyncadd.s32 $0xFFFFD800  }
0x43: {  	[spmem:s21] =	stream.linear.scatter [tilespmem:s24], [sflag:$0x4], $0x2800, $0x38;
	[tilespmem:$0x1CF70] =	vst v63  }
0x44: {  	_ =	swait.ge [sflag:s25], $0x2800  }
0x45: {  	[sflag:s25] =	ssyncset.done $0x0  }
0x46: {  	s22 =	rddreg [dreg:$0x6];
	[sflag:s25] =	ssyncadd.s32 $0xFFFFD800  }
0x47: {  	[spmem:s22] =	stream.linear.scatter [tilespmem:s24], [sflag:$0x4], $0x2800, $0x38;
	[tilespmem:$0x1CF70] =	vst v63  }
0x48: {  	_ =	swait.ge [sflag:s25], $0x2800  }
0x49: {  	[sflag:s25] =	ssyncset.done $0x0  }
0x4a: {  	s23 =	rddreg [dreg:$0x7];
	[sflag:s25] =	ssyncadd.s32 $0xFFFFD800  }
0x4b: {  	[spmem:s23] =	stream.linear.scatter [tilespmem:s24], [sflag:$0x4], $0x2800, $0x38;
	[tilespmem:$0x1CF70] =	vst v63  }
0x4c: {  	_ =	swait.ge [sflag:s25], $0x2800  }
0x4d: {  	s11 =	smov.u32 s8;
	[sflag:s25] =	ssyncset.done $0x0  }
0x4e: {  	s12 =	smov.u32 s9;
	s13 =	smov.u32 s10;
	[sflag:s25] =	ssyncadd.s32 $0xFFFFD800  }
0x4f: {  	s16 =	simm.s32 $0x0;
	s17 =	simm.s32 $0x0;
	[bflag:$0x0] =	sbarrier.arrive $0xFFFF  }
.LBB2_4:
0x50: {  	s6 =	smul.u32 $0x7D0, s17;
	_ =	sdelay $0x1  }
0x51: {  	s6 =	sadd.s32 s14, s6  }
0x52: {  	s6 =	sshrl.u32 s6, $0x3  }
0x53: {  	s6 =	sadd.s32 s5, s6  }
0x54: {  	[tilespmem:s26], [sflag:$0x4] =	stream.linear.gather [hbm4b:s6+s16], $0x7D0, $0x38;
	[tilespmem:$0x1CF70] =	vst v63  }
0x55: {  	_ =	swait.ge [sflag:s25], $0x7D0  }
0x56: {  	[sflag:s25] =	ssyncset.done $0x0  }
0x57: {  	s6 =	sadd.s32 $0x9C40, s6;
	[sflag:s25] =	ssyncadd.s32 $0xFFFFF830  }
0x58: {  	[tilespmem:s28], [sflag:$0x4] =	stream.linear.gather [hbm4b:s6+s16], $0x7D0, $0x38;
	[tilespmem:$0x1CF70] =	vst v63  }
0x59: {  	_ =	swait.ge [sflag:s25], $0x7D0  }
0x5a: {  	[sflag:s25] =	ssyncset.done $0x0  }
0x5b: {  	s18 =	simm.s32 $0x0;
	[sflag:s25] =	ssyncadd.s32 $0xFFFFF830  }
0x5c: {  	v2 =	vld [tilespmem:s18+$0x14040]  }
0x5d: {  	v5 =	vld [tilespmem:s18+$0x14810]  }
0x5e: {  	v6 =	vld [tilespmem:s18+$0x14000]  }
0x5f: {  	v7 =	vld [tilespmem:s18+$0x147D0]  }
0x60: {  	v8 =	vld [tilespmem:s18+$0x14010]  }
0x61: {  	v4 =	vld [tilespmem:s18+$0x147E0]  }
0x62: {  	v1 =	vld [tilespmem:s18+$0x14020]  }
0x63: {  	v3 =	vld [tilespmem:s18+$0x147F0];
	vm0 =	veq.s32 v2, v5  }
0x64: {  	v2 =	vld [tilespmem:s18+$0x14030];
	v5 =	vsel vm0, $0x2710, v5;
	vm0 =	veq.s32 v6, v7  }
0x65: {  	s19 =	simm.s32 $0x50;
	v6 =	vld [tilespmem:s18+$0x14800];
	[tilespmem:s18+$0x14FE0] =	vst v5;
	v7 =	vsel vm0, $0x2710, v7  }
0x66: {  	s6 =	simm.s32 $0x280;
	vm0 =	veq.s32 v8, v4;
	v5 =	vld [tilespmem:s19+$0x14040];
	[tilespmem:s18+$0x14FA0] =	vst v7  }
.LBB2_5:
0x67: {  	p0 =	sne.s32 s6, $0x1E00;
	v7 =	vld [tilespmem:s19+$0x14810];
	v4 =	vsel vm0, $0x2710, v4  }
0x68: {  	v8 =	vld [tilespmem:s19+$0x14000];
	[tilespmem:s18+$0x14FB0] =	vst v4;
	vm0 =	veq.s32 v1, v3  }
0x69: {  	v9 =	vld [tilespmem:s19+$0x147D0];
	v1 =	vsel vm0, $0x2710, v3  }
0x6a: {  	v10 =	vld [tilespmem:s19+$0x14010];
	[tilespmem:s18+$0x14FC0] =	vst v1;
	vm0 =	veq.s32 v2, v6  }
0x6b: {  	v4 =	vld [tilespmem:s19+$0x147E0];
	v2 =	vsel vm0, $0x2710, v6  }
.Ltmp1:
0x6c: {  	v1 =	vld [tilespmem:s19+$0x14020];
	vm0 =	veq.s32 v5, v7;
	[tilespmem:s18+$0x14FD0] =	vst v2;
	s18 =	smov.u32 s19;
	(pc) =	sbr.rel @p0 .LBB2_5-.Ltmp1, $4  }
0x6d: {  	v3 =	vld [tilespmem:s18+$0x147F0];
	v5 =	vsel vm0, $0x2710, v7  }
0x6e: {  	vm0 =	veq.s32 v8, v9;
	v2 =	vld [tilespmem:s18+$0x14030];
	[tilespmem:s18+$0x14FE0] =	vst v5  }
0x6f: {  	s19 =	sshra.s32 s6, $0x2;
	v7 =	vsel vm0, $0x2710, v9;
	v6 =	vld [tilespmem:s18+$0x14800]  }
0x70: {  	s6 =	sadd.s32 $0x140, s6;
	v5 =	vld [tilespmem:s19+$0x14040];
	[tilespmem:s18+$0x14FA0] =	vst v7;
	vm0 =	veq.s32 v10, v4  }
0x71: {  	v7 =	vld [tilespmem:s19+$0x14810];
	v4 =	vsel vm0, $0x2710, v4  }
0x72: {  	v8 =	vld [tilespmem:s19+$0x14000];
	[tilespmem:s18+$0x14FB0] =	vst v4;
	vm9 =	veq.s32 v1, v3  }
0x73: {  	v1 =	vld [tilespmem:s19+$0x147D0];
	v3 =	vsel vm9, $0x2710, v3  }
0x74: {  	v4 =	vld [tilespmem:s19+$0x14010];
	[tilespmem:s18+$0x14FC0] =	vst v3;
	vm10 =	veq.s32 v2, v6  }
0x75: {  	v2 =	vld [tilespmem:s19+$0x147E0];
	v3 =	vsel vm10, $0x2710, v6  }
0x76: {  	v61 =	vld [tilespmem:s19+$0x14020];
	[tilespmem:s18+$0x14FD0] =	vst v3  }
0x77: {  	v3 =	vld [tilespmem:s19+$0x147F0]  }
0x78: {  	v62 =	vld [tilespmem:s19+$0x14030]  }
0x79: {  	s6 =	simm.s32 $0x0;
	v63 =	vld [tilespmem:s19+$0x14800]  }
0x7a: {  	s6 =	smul.u32 $0xAB, s6;
	vm11 =	veq.s32 v5, v7  }
0x7b: {  	v5 =	vsel vm11, $0x2710, v7;
	vm12 =	veq.s32 v8, v1  }
0x7c: {  	s6 =	sshrl.u32 s6, $0x9;
	[tilespmem:s19+$0x14FE0] =	vst v5;
	v1 =	vsel vm12, $0x2710, v1;
	vm13 =	veq.s32 v4, v2  }
0x7d: {  	s6 =	sand.u32 $0x7F, s6;
	[tilespmem:s19+$0x14FA0] =	vst v1;
	v1 =	vsel vm13, $0x2710, v2;
	vm14 =	veq.s32 v61, v3  }
0x7e: {  	s6 =	smul.u32 $0x3, s6;
	[tilespmem:s19+$0x14FB0] =	vst v1;
	vm15 =	veq.s32 v62, v63;
	v1 =	vsel vm14, $0x2710, v3  }
0x7f: {  	[tilespmem:s19+$0x14FC0] =	vst v1;
	v1 =	vsel vm15, $0x2710, v63  }
0x80: {  	s20 =	simm.s32 $0x14FA0;
	s18 =	simm.s32 $0x1;
	s6 =	ssub.s32 $0x0, s6;
	[tilespmem:s19+$0x14FD0] =	vst v1  }
0x81: {  	[tilespmem:s24], [sflag:$0x1] =	stream.indirect.gather [hbm4b:s4+s29], $0x80, s26, s29, $0xb8;
	[tilespmem:$0x1CF70] =	vst v63  }
0x82: {  	p0 =	por $0x0, $0x0;
	s23 =	smul.u32 $0xAB, s18;
	s6 =	sand.u32 $0xFF, s6  }
0x83: {  	[tilespmem:s31], [sflag:$0x2] =	stream.indirect.gather [hbm4b:s4+s29], $0x80, s30, s29, $0xb8;
	[tilespmem:$0x1CF70] =	vst v63  }
0x84: {  	s7 =	smul.u32 $0xA000, s6;
	s21 =	sadd.s32 $0x1, s6;
	s6 =	sshrl.u32 s23, $0x9  }
0x85: {  	[tilespmem:s3], [sflag:$0x3] =	stream.indirect.gather [hbm4b:s4+s29], $0x80, s0, s29, $0xb8;
	[tilespmem:$0x1CF70] =	vst v63  }
0x86: {  	s23 =	simm.s32 $0x2;
	s7 =	sshrl.u32 s7, $0x2;
	_ =	swait.ge [sflag:s21], $0x2800  }
0x87: {  	s6 =	sand.u32 $0x7F, s6;
	s22 =	sadd.s32 $0x15770, s7;
	[sflag:s21] =	ssyncset.done $0x0  }
0x88: {  	s7 =	smul.u32 $0x3, s6;
	s6 =	simm.s32 $0x140F0;
	[sflag:s21] =	ssyncadd.s32 $0xFFFFD800  }
0x89: {  	[spmem:s1] =	stream.indirect.scatter.add.f32 [tilespmem:s22], [sflag:$0x4], $0x80, s20, s29, $0xb8;
	[tilespmem:$0x1CF70] =	vst v63  }
0x8a: {  	s19 =	simm.s32 $0x140F0;
	s20 =	simm.s32 $0x14FF0;
	_ =	swait.ge [sflag:s25], $0x2800  }
.LBB2_7:
0x8b: {  	[sflag:s25] =	ssyncset.done $0x0;
	s19 =	sadd.s32 $0x50, s19  }
0x8c: {  	s8 =	smov.u32 s18;
	s18 =	smov.u32 s23;
	s23 =	sadd.s32 $0x1, s23  }
0x8d: {  	p1 =	sne.s32 s23, $0x19;
	s7 =	ssub.s32 s8, s7;
	[sflag:s25] =	ssyncadd.s32 $0xFFFFD800  }
0x8e: {  	s9 =	simm.s32 @!p0 $0x50;
	s7 =	sand.u32 $0xFF, s7  }
0x8f: {  	s10 =	smul.u32 $0xA000, s7;
	s7 =	sadd.s32 $0x1, s7  }
0x90: {  	[tilespmem:s22], [sflag:s21] =	stream.indirect.gather @!p0 [hbm4b:s4+s9], $0x80, s6, s9, $0xb8;
	[tilespmem:$0x1CF70] =	vst v63  }
0x91: {  	s9 =	smul.u32 $0xAB, s18;
	s6 =	smov.u32 s19;
	s10 =	sshrl.u32 s10, $0x2  }
.Ltmp2:
0x92: {  	s22 =	sadd.s32 $0x15770, s10;
	_ =	swait.ge [sflag:s7], $0x2800;
	(pc) =	sbr.rel @p1 .LBB2_7-.Ltmp2, $4  }
0x93: {  	s21 =	smov.u32 s7;
	s9 =	sshrl.u32 s9, $0x9;
	[sflag:s7] =	ssyncset.done $0x0  }
0x94: {  	p0 =	sgt.u32 s8, $0x15;
	s7 =	sand.u32 $0x7F, s9;
	[sflag:s21] =	ssyncadd.s32 $0xFFFFD800  }
0x95: {  	[spmem:s1] =	stream.indirect.scatter.add.f32 [tilespmem:s22], [sflag:$0x4], $0x80, s20, s29, $0xb8;
	[tilespmem:$0x1CF70] =	vst v63  }
0x96: {  	s7 =	smul.u32 $0x3, s7;
	s20 =	sadd.s32 $0x50, s20;
	_ =	swait.ge [sflag:s25], $0x2800  }
0x97: {  	_ = 	snop  }
0x98: {  	[sflag:s25] =	ssyncset.done $0x0;
	s7 =	ssub.s32 s18, s7  }
0x99: {  	s8 =	simm.s32 @!p0 $0x50;
	[sflag:s25] =	ssyncadd.s32 $0xFFFFD800;
	s7 =	sand.u32 $0xFF, s7  }
0x9a: {  	[tilespmem:s22], [sflag:s21] =	stream.indirect.gather @!p0 [hbm4b:s4+s8], $0x80, s6, s8, $0xb8;
	[tilespmem:$0x1CF70] =	vst v63  }
0x9b: {  	s9 =	smul.u32 $0xA000, s7;
	s7 =	sadd.s32 $0x1, s7  }
0x9c: {  	_ =	swait.ge [sflag:s7], $0x2800  }
0x9d: {  	s23 =	sshrl.u32 s9, $0x2;
	[sflag:s7] =	ssyncset.done $0x0  }
0x9e: {  	s6 =	sadd.s32 $0x15770, s23;
	[sflag:s7] =	ssyncadd.s32 $0xFFFFD800  }
0x9f: {  	[spmem:s1] =	stream.indirect.scatter.add.f32 [tilespmem:s6], [sflag:$0x4], $0x80, s20, s29, $0xb8;
	[tilespmem:$0x1CF70] =	vst v63  }
0xa0: {  	_ =	swait.ge [sflag:s25], $0x2800  }
0xa1: {  	s17 =	sadd.s32 $0x1, s17;
	p0 =	sgt.u32 s18, $0x15;
	[sflag:s25] =	ssyncset.done $0x0  }
0xa2: {  	s8 =	sadd.s32 $0x50, s19;
	s9 =	simm.s32 @!p0 $0x50;
	[sflag:s25] =	ssyncadd.s32 $0xFFFFD800  }
0xa3: {  	[tilespmem:s6], [sflag:s7] =	stream.indirect.gather @!p0 [hbm4b:s4+s9], $0x80, s8, s9, $0xb8;
	[tilespmem:$0x1CF70] =	vst v63  }
0xa4: {  	p0 =	sne.s32 s17, $0x5  }
.Ltmp3:
0xa5: {  	_ = 	snop;
	(pc) =	sbr.rel @p0 .LBB2_4-.Ltmp3, $1  }
0xa6: {  	_ =	sdelay $0x3  }
0xa7: {  	[bflag:$0x0] =	sbarrier.arrive $0xFFFF  }
0xa8: {  	[tilespmem:s24], [sflag:$0x4] =	stream.linear.gather [spmem:s11], $0x2800, $0x38;
	[tilespmem:$0x1CF70] =	vst v63  }
0xa9: {  	_ =	swait.ge [sflag:s25], $0x2800  }
0xaa: {  	[sflag:s25] =	ssyncset.done $0x0  }
0xab: {  	s6 =	rddreg [dreg:$0x8];
	[sflag:s25] =	ssyncadd.s32 $0xFFFFD800  }
0xac: {  	[hbm4b:s6+s2] =	stream.linear.scatter [tilespmem:s24], [sflag:$0x4], $0x2800, $0x38;
	[tilespmem:$0x1CF70] =	vst v63  }
0xad: {  	_ =	swait.ge [sflag:s25], $0x2800  }
0xae: {  	[sflag:s25] =	ssyncset.done $0x0  }
0xaf: {  	[sflag:s25] =	ssyncadd.s32 $0xFFFFD800  }
0xb0: {  	[tilespmem:s24], [sflag:$0x4] =	stream.linear.gather [spmem:s12], $0x2800, $0x38;
	[tilespmem:$0x1CF70] =	vst v63  }
0xb1: {  	_ =	swait.ge [sflag:s25], $0x2800  }
0xb2: {  	[sflag:s25] =	ssyncset.done $0x0  }
0xb3: {  	s23 =	rddreg [dreg:$0x9];
	[sflag:s25] =	ssyncadd.s32 $0xFFFFD800  }
0xb4: {  	[hbm4b:s23+s2] =	stream.linear.scatter [tilespmem:s24], [sflag:$0x4], $0x2800, $0x38;
	[tilespmem:$0x1CF70] =	vst v63  }
0xb5: {  	_ =	swait.ge [sflag:s25], $0x2800  }
0xb6: {  	[sflag:s25] =	ssyncset.done $0x0  }
0xb7: {  	[sflag:s25] =	ssyncadd.s32 $0xFFFFD800  }
0xb8: {  	[tilespmem:s24], [sflag:$0x4] =	stream.linear.gather [spmem:s13], $0x2800, $0x38;
	[tilespmem:$0x1CF70] =	vst v63  }
0xb9: {  	_ =	swait.ge [sflag:s25], $0x2800  }
0xba: {  	[sflag:s25] =	ssyncset.done $0x0  }
0xbb: {  	s7 =	rddreg [dreg:$0xa];
	[sflag:s25] =	ssyncadd.s32 $0xFFFFD800  }
0xbc: {  	[hbm4b:s7+s2] =	stream.linear.scatter [tilespmem:s24], [sflag:$0x4], $0x2800, $0x38;
	[tilespmem:$0x1CF70] =	vst v63  }
0xbd: {  	_ =	swait.ge [sflag:s25], $0x2800  }
0xbe: {  	[sflag:s25] =	ssyncset.done $0x0  }
0xbf: {  	s22 =	rddreg [dreg:$0x3];
	[sflag:s25] =	ssyncadd.s32 $0xFFFFD800  }
0xc0: {  	[tilespmem:s24], [sflag:$0x4] =	stream.linear.gather [spmem:s22], $0x2800, $0x38;
	[tilespmem:$0x1CF70] =	vst v63  }
0xc1: {  	_ =	swait.ge [sflag:s25], $0x2800  }
0xc2: {  	[sflag:s25] =	ssyncset.done $0x0  }
0xc3: {  	s8 =	smov.u32 s11;
	s11 =	rddreg [dreg:$0xb];
	[sflag:s25] =	ssyncadd.s32 $0xFFFFD800  }
0xc4: {  	[hbm4b:s11+s2] =	stream.linear.scatter [tilespmem:s24], [sflag:$0x4], $0x2800, $0x38;
	[tilespmem:$0x1CF70] =	vst v63  }
0xc5: {  	_ =	swait.ge [sflag:s25], $0x2800  }
0xc6: {  	[sflag:s25] =	ssyncset.done $0x0  }
0xc7: {  	s23 =	rddreg [dreg:$0x4];
	[sflag:s25] =	ssyncadd.s32 $0xFFFFD800  }
0xc8: {  	[tilespmem:s24], [sflag:$0x4] =	stream.linear.gather [spmem:s23], $0x2800, $0x38;
	[tilespmem:$0x1CF70] =	vst v63  }
0xc9: {  	_ =	swait.ge [sflag:s25], $0x2800  }
0xca: {  	[sflag:s25] =	ssyncset.done $0x0  }
0xcb: {  	s9 =	smov.u32 s12;
	s12 =	rddreg [dreg:$0xc];
	[sflag:s25] =	ssyncadd.s32 $0xFFFFD800  }
0xcc: {  	[hbm4b:s12+s2] =	stream.linear.scatter [tilespmem:s24], [sflag:$0x4], $0x2800, $0x38;
	[tilespmem:$0x1CF70] =	vst v63  }
0xcd: {  	_ =	swait.ge [sflag:s25], $0x2800  }
0xce: {  	[sflag:s25] =	ssyncset.done $0x0  }
0xcf: {  	s10 =	smov.u32 s13;
	s13 =	rddreg [dreg:$0x5];
	[sflag:s25] =	ssyncadd.s32 $0xFFFFD800  }
0xd0: {  	[tilespmem:s24], [sflag:$0x4] =	stream.linear.gather [spmem:s13], $0x2800, $0x38;
	[tilespmem:$0x1CF70] =	vst v63  }
0xd1: {  	_ =	swait.ge [sflag:s25], $0x2800  }
0xd2: {  	[sflag:s25] =	ssyncset.done $0x0  }
0xd3: {  	s16 =	rddreg [dreg:$0xd];
	[sflag:s25] =	ssyncadd.s32 $0xFFFFD800  }
0xd4: {  	[hbm4b:s16+s2] =	stream.linear.scatter [tilespmem:s24], [sflag:$0x4], $0x2800, $0x38;
	[tilespmem:$0x1CF70] =	vst v63  }
0xd5: {  	_ =	swait.ge [sflag:s25], $0x2800  }
0xd6: {  	[sflag:s25] =	ssyncset.done $0x0  }
0xd7: {  	s17 =	rddreg [dreg:$0x6];
	[sflag:s25] =	ssyncadd.s32 $0xFFFFD800  }
0xd8: {  	[tilespmem:s24], [sflag:$0x4] =	stream.linear.gather [spmem:s17], $0x2800, $0x38;
	[tilespmem:$0x1CF70] =	vst v63  }
0xd9: {  	_ =	swait.ge [sflag:s25], $0x2800  }
0xda: {  	[sflag:s25] =	ssyncset.done $0x0  }
0xdb: {  	s18 =	rddreg [dreg:$0xe];
	[sflag:s25] =	ssyncadd.s32 $0xFFFFD800  }
0xdc: {  	[hbm4b:s18+s2] =	stream.linear.scatter [tilespmem:s24], [sflag:$0x4], $0x2800, $0x38;
	[tilespmem:$0x1CF70] =	vst v63  }
0xdd: {  	_ =	swait.ge [sflag:s25], $0x2800  }
0xde: {  	[sflag:s25] =	ssyncset.done $0x0  }
0xdf: {  	s19 =	rddreg [dreg:$0x7];
	[sflag:s25] =	ssyncadd.s32 $0xFFFFD800  }
0xe0: {  	[tilespmem:s24], [sflag:$0x4] =	stream.linear.gather [spmem:s19], $0x2800, $0x38;
	[tilespmem:$0x1CF70] =	vst v63  }
0xe1: {  	_ =	swait.ge [sflag:s25], $0x2800  }
0xe2: {  	[sflag:s25] =	ssyncset.done $0x0  }
0xe3: {  	s20 =	rddreg [dreg:$0xf];
	[sflag:s25] =	ssyncadd.s32 $0xFFFFD800  }
0xe4: {  	[hbm4b:s20+s2] =	stream.linear.scatter [tilespmem:s24], [sflag:$0x4], $0x2800, $0x38;
	[tilespmem:$0x1CF70] =	vst v63  }
0xe5: {  	_ =	swait.ge [sflag:s25], $0x2800  }
0xe6: {  	s15 =	sadd.s32 $0x1, s15;
	s21 =	rddreg [dreg:$0x10]  }
0xe7: {  	p0 =	sne.s32 s15, s21  }
.Ltmp4:
0xe8: {  	_ = 	snop;
	(pc) =	sbr.rel @p0 .LBB2_1-.Ltmp4, $3  }
0xe9: {  	_ =	sdelay $0x1  }
0xea: {  	[sflag:s25] =	ssyncset.done $0x0  }
0xeb: {  	[sflag:s25] =	ssyncadd.s32 $0xFFFFD800  }
0xec: {  	_ =	sfence.sel $0x180000  }
0xed: {  	[bflag:$0x0] =	sbarrier.arrive $0xFFFF  }
0xee: {  	_ =	strace $0x9000004A  }
0xef: {  	s0 =	stileid.u32;
	[bflag:$0x2] =	sbarrier.arrive $0xFFFF  }
0xf0: {  	p0 =	sne.s32 s0, $0x0;
	s0 =	rddreg [dreg:$0x2]  }
0xf1: {  	s0 =	sadd.s32 @!p0 $0x100000, s0  }
0xf2: {  	[sflag:s0] =	ssyncadd.tile.s32 @!p0 $0x1;
	_ =	shalt  }
.Lfunc_end2:
_tile_overlayer_lowered:
.L_overlay_start_2:
0xf3: {  	(tag) =	ssettag $0x2  }
0xf4: {  	s0 =	rddreg [dreg:$0x0];
	s2 =	stileid.u32  }
0xf5: {  	s1 =	rddreg [dreg:$0x1];
	p0 =	sne.s32 s2, $0x0  }
0xf6: {  	s3 =	rddreg [dreg:$0x2];
	[bflag:$0x3] =	sbarrier.arrive $0xFFFF;
	s2 =	simm.s32 @!p0 $0x1C04  }
0xf7: {  	[timem:s3], [sflag:s2] =	dma.local @!p0 [hbm:s0], s1  }
0xf8: {  	s0 =	simm.s32 @!p0 $0x4  }
0xf9: {  	_ =	swait.ge @!p0 [sflag:s0], s1  }
0xfa: {  	s1 =	ssub.s32 @!p0 $0x0, s1;
	[sflag:s0] =	ssyncset.done @!p0 $0x0  }
0xfb: {  	[sflag:s0] =	ssyncadd.s32 @!p0 s1  }
0xfc: {  	[bflag:$0x3] =	sbarrier.arrive $0xFFFF  }
0xfd: {  	_ =	shalt  }

// kernel: kernel.7.cloned.1.call-start
scs
__scs_entry_jumppad:
0x0: {  	(pc) =	sbr.rel $0x88, $3  }
0x1: {  	(tag) =	ssettag $0x0;
	lr =	simm.s32 $0x1  }
0x2: {  	[smem:$0x3F97] =	sst lr;
	_ =	strace $0xD0000000  }
0x3: {  	_ = 	snop  }
0x4: {  	_ = 	snop  }
0x5: {  	_ = 	snop  }
0x6: {  	_ = 	snop  }
0x7: {  	_ = 	snop  }
__scs_overlays_trampoline_lowered:
0x8: {  	[smem:$0x3FA6] =	sst s0  }
0x9: {  	[smem:$0x3FA7] =	sst s1  }
0xa: {  	[smem:$0x3FA8] =	sst s2  }
0xb: {  	[smem:$0x3FA9] =	sst s3  }
0xc: {  	[smem:$0x3FAA] =	sst s4  }
0xd: {  	[smem:$0x3FAB] =	sst s5  }
0xe: {  	[smem:$0x3FAC] =	sst s6  }
0xf: {  	[smem:$0x3FAD] =	sst s7  }
0x10: {  	[smem:$0x3FAE] =	sst s8  }
0x11: {  	[smem:$0x3FAF] =	sst s9;
	s0 =	simm.s32 @!p0 $0x0  }
0x12: {  	s1 =	sld [smem:$0x3F95];
	s0 =	simm.s32 @p0 $0x1  }
0x13: {  	[smem:$0x3FB0] =	sst s0;
	s0 =	simm.s32 @!p1 $0x0  }
0x14: {  	s2 =	sld [smem:$0x3F94];
	s0 =	simm.s32 @p1 $0x1  }
0x15: {  	[smem:$0x3FB1] =	sst s0;
	s0 =	simm.s32 @!p2 $0x0  }
0x16: {  	s3 =	sld [smem:$0x3FDB];
	s0 =	simm.s32 @p2 $0x1  }
0x17: {  	s4 =	simm.s32 $0x1BF5;
	[smem:$0x3FB3] =	sst s0  }
0x18: {  	s0 =	sld [smem:$0x3F96];
	_ =	swait.ge [sflag:s4], $0x0  }
0x19: {  	s7 =	sld [smem:$0x3F97]  }
0x1a: {  	s8 =	sadd.s32 $0xFFFFE003, lr  }
0x1b: {  	s9 =	sadd.s32 $0xFFFFFEF7, lr;
	s5 =	simm.s32 $0xFFFFFFFF;
	p2 =	slt.u32 s8, $0xFFFFF086  }
0x1c: {  	p1 =	slt.u32 s9, $0xF7A;
	s5 =	simm.s32 @!p2 $0x0  }
0x1d: {  	s5 =	simm.s32 @p1 $0x1;
	p0 =	seq.s32 s7, s2  }
0x1e: {  	s7 =	smul.u32 @!p0 $0xF7A, s2;
	p2 =	seq.s32 @!p0 s5, $0x0  }
0x1f: {  	s9 =	smul.u32 $0xF7A, s1;
	s8 =	simm.s32 @!p0 $0x1BF5;
	p2 =	por !p2, p0  }
0x20: {  	[sflag:s8] =	ssyncset.s32 @!p0 $0xFFFFF086;
	s6 =	sadd.s32 @!p0 s3, s7;
	s7 =	simm.s32 @!p0 $0x108  }
0x21: {  	s3 =	sadd.s32 s3, s9;
	s6 =	sadd.s32 @!p0 $0x88, s6;
	s7 =	simm.s32 @p2 $0x1082  }
0x22: {  	[simem:s7], [sflag:s8] =	dma.local @!p0 [hbm:s6], $0xF7A  }
0x23: {  	s9 =	sor.u32 $0xD0000000, s2;
	s6 =	simm.s32 $0x108;
	_ =	swait.ge @!p0 [sflag:s8], $0x0  }
0x24: {  	s3 =	sadd.s32 $0x88, s3;
	s6 =	simm.s32 @!p1 $0x1082;
	[sflag:s4] =	ssyncset.s32 $0xFFFFF086  }
0x25: {  	[simem:s6], [sflag:s4] =	dma.local [hbm:s3], $0xF7A  }
0x26: {  	[smem:$0x3F97] =	sst s1;
	(tag) =	ssettag s2;
	_ =	strace s9  }
0x27: {  	s1 =	sld [smem:$0x3FA7]  }
0x28: {  	s2 =	sld [smem:$0x3FA8]  }
0x29: {  	s4 =	sld [smem:$0x3FAA]  }
0x2a: {  	p0 =	seq.s32 s5, $0x0;
	s5 =	sld [smem:$0x3FAB]  }
0x2b: {  	s6 =	sld [smem:$0x3FAC]  }
0x2c: {  	s7 =	sld [smem:$0x3FAD]  }
0x2d: {  	s3 =	simm.s32 $0x108;
	s8 =	sld [smem:$0x3FAE]  }
0x2e: {  	s3 =	simm.s32 @!p0 $0x1082;
	s9 =	sld [smem:$0x3FAF]  }
0x2f: {  	lr =	sadd.s32 s0, s3;
	s0 =	sld [smem:$0x3FA6]  }
0x30: {  	s3 =	sld [smem:$0x3FA9]  }
0x31: {  	[smem:$0x3FB2] =	sst s10  }
0x32: {  	s10 =	sld [smem:$0x3FB0];
	_ =	sdelay $0x3  }
0x33: {  	p0 =	seq.s32 s10, $0x1;
	s10 =	sld [smem:$0x3FB2];
	_ =	sdelay $0x3  }
0x34: {  	[smem:$0x3FB2] =	sst s10  }
0x35: {  	s10 =	sld [smem:$0x3FB1];
	_ =	sdelay $0x3  }
0x36: {  	p1 =	seq.s32 s10, $0x1;
	s10 =	sld [smem:$0x3FB2];
	_ =	sdelay $0x3  }
0x37: {  	[smem:$0x3FB2] =	sst s10  }
0x38: {  	s10 =	sld [smem:$0x3FB3]  }
0x39: {  	_ = 	snop;
	(pc) =	sbr.ind lr, $3  }
0x3a: {  	_ = 	snop  }
0x3b: {  	_ = 	snop  }
0x3c: {  	p2 =	seq.s32 s10, $0x1;
	s10 =	sld [smem:$0x3FB2]  }
0x3d: {  	_ =	shalt  }
0x3e: {  	_ =	shalt  }
0x3f: {  	_ =	shalt  }
0x40: {  	_ =	shalt  }
0x41: {  	_ =	shalt  }
0x42: {  	_ =	shalt  }
0x43: {  	_ =	shalt  }
0x44: {  	_ =	shalt  }
0x45: {  	_ =	shalt  }
0x46: {  	_ =	shalt  }
0x47: {  	_ =	shalt  }
0x48: {  	_ =	shalt  }
0x49: {  	_ =	shalt  }
0x4a: {  	_ =	shalt  }
0x4b: {  	_ =	shalt  }
0x4c: {  	_ =	shalt  }
0x4d: {  	_ =	shalt  }
0x4e: {  	_ =	shalt  }
0x4f: {  	_ =	shalt  }
0x50: {  	_ =	shalt  }
0x51: {  	_ =	shalt  }
0x52: {  	_ =	shalt  }
0x53: {  	_ =	shalt  }
0x54: {  	_ =	shalt  }
0x55: {  	_ =	shalt  }
0x56: {  	_ =	shalt  }
0x57: {  	_ =	shalt  }
0x58: {  	_ =	shalt  }
0x59: {  	_ =	shalt  }
0x5a: {  	_ =	shalt  }
0x5b: {  	_ =	shalt  }
0x5c: {  	_ =	shalt  }
0x5d: {  	_ =	shalt  }
0x5e: {  	_ =	shalt  }
0x5f: {  	_ =	shalt  }
0x60: {  	_ =	shalt  }
0x61: {  	_ =	shalt  }
0x62: {  	_ =	shalt  }
0x63: {  	_ =	shalt  }
0x64: {  	_ =	shalt  }
0x65: {  	_ =	shalt  }
0x66: {  	_ =	shalt  }
0x67: {  	_ =	shalt  }
0x68: {  	_ =	shalt  }
0x69: {  	_ =	shalt  }
0x6a: {  	_ =	shalt  }
0x6b: {  	_ =	shalt  }
0x6c: {  	_ =	shalt  }
0x6d: {  	_ =	shalt  }
0x6e: {  	_ =	shalt  }
0x6f: {  	_ =	shalt  }
0x70: {  	_ =	shalt  }
0x71: {  	_ =	shalt  }
0x72: {  	_ =	shalt  }
0x73: {  	_ =	shalt  }
0x74: {  	_ =	shalt  }
0x75: {  	_ =	shalt  }
0x76: {  	_ =	shalt  }
0x77: {  	_ =	shalt  }
0x78: {  	_ =	shalt  }
0x79: {  	_ =	shalt  }
0x7a: {  	_ =	shalt  }
0x7b: {  	_ =	shalt  }
0x7c: {  	_ =	shalt  }
0x7d: {  	_ =	shalt  }
0x7e: {  	_ =	shalt  }
0x7f: {  	_ =	shalt  }
0x80: {  	_ =	shalt  }
0x81: {  	_ =	shalt  }
0x82: {  	_ =	shalt  }
0x83: {  	_ =	shalt  }
0x84: {  	_ =	shalt  }
0x85: {  	_ =	shalt  }
0x86: {  	_ =	shalt  }
0x87: {  	_ =	shalt  }
.Lfunc_end0:
.L_simem_size_0:
called_computation_lowered:
.L_overlay_start_0:
0x88: {  	s2 =	sld [smem:$0x3FD9]  }
0x89: {  	s3 =	sld [smem:$0x3FFE];
	_ =	sdelay $0x1  }
0x8a: {  	s1 =	srdreg.scid  }
0x8b: {  	s0 =	sand.u32 $0x1, s1  }
0x8c: {  	s16 =	sshll.u32 s0, $0xA;
	s2 =	sadd.s32 s3, s2  }
0x8d: {  	s2 =	sadd.s32 s2, s16  }
0x8e: {  	[smem:$0x3FBE] =	sst s2  }
0x8f: {  	_ = 	snop  }
0x90: {  	(tm) =	ssettm $0x1  }
0x91: {  	s17 =	sld [smem:$0x3FFB];
	_ =	sdelay $0x3  }
0x92: {  	_ =	strace s17  }
0x93: {  	s2 =	sld [smem:$0x3FFC];
	_ =	sdelay $0x3  }
0x94: {  	_ =	strace s2  }
0x95: {  	s2 =	sld [smem:$0x3FFD];
	_ =	sdelay $0x3  }
0x96: {  	_ =	strace s2  }
0x97: {  	_ =	strace $0x8FFFFFFF  }
0x98: {  	s18 =	sld [smem:$0x3FDB];
	_ =	sdelay $0x1  }
0x99: {  	s19 =	simm.s32 $_scs_section_size  }
0x9a: {  	s4 =	simm.s32 $_size__tile_overlayer_lowered;
	s5 =	simm.s32 $_tile_overlayer_lowered  }
0x9b: {  	s22 =	simm.s32 $0x1BFF;
	s21 =	sshll.u32 s5, $0x1;
	s2 =	sadd.s32 s19, s18  }
0x9c: {  	s6 =	simm.s32 $0x0;
	s20 =	sshll.u32 s4, $0x1;
	s4 =	sadd.s32 s21, s2  }
0x9d: {  	[timem:s6], [sflag:s22] =	dma.local [hbm:s4], s20  }
0x9e: {  	_ =	swait.ge [sflag:s22], s20  }
0x9f: {  	s3 =	ssub.s32 $0x0, s20;
	[sflag:s22] =	ssyncset.done $0x0  }
0xa0: {  	[sflag:s22] =	ssyncadd.s32 s3;
	_ =	sdelay $0x1  }
0xa1: {  	s23 =	simm.s32 $0x1B8B  }
0xa2: {  	_ =	swait.ge [sflag:s23], $0x1  }
0xa3: {  	[sflag:s23] =	ssyncset.done $0x0  }
0xa4: {  	s25 =	simm.s32 $0x1B8E;
	s24 =	sld [smem:$0x3FFE];
	[sflag:s23] =	ssyncadd.s32 $0xFFFFFFFF  }
0xa5: {  	s26 =	simm.s32 $execute0_lowered;
	[smem:$0x3FD2] =	sst s25  }
0xa6: {  	s4 =	sshll.u32 s26, $0x1;
	_ =	strace $0x80000046;
	[dreg:$0x1] =	wrdreg $0xFFFFFFFF  }
0xa7: {  	s28 =	simm.s32 $_size_execute0_lowered;
	s2 =	sadd.s32 s2, s4;
	[dreg:$0x0] =	wrdreg $0x0  }
0xa8: {  	s4 =	sshll.u32 s28, $0x1;
	[dreg:$0x2] =	wrdreg s2  }
0xa9: {  	[dreg:$0x3] =	wrdreg s4  }
0xaa: {  	[dreg:$0x4] =	wrdreg $0xC0  }
0xab: {  	_ =	task [dreg:s6], $0x5FFFF  }
0xac: {  	[dreg:$0x1] =	wrdreg $0xFFFFFFFF  }
0xad: {  	[dreg:$0x0] =	wrdreg $0x60  }
0xae: {  	[dreg:$0x2] =	wrdreg s24  }
0xaf: {  	[dreg:$0x3] =	wrdreg $0x0  }
0xb0: {  	[dreg:$0x4] =	wrdreg $0x9  }
0xb1: {  	_ =	task.clear_ibuf [dreg:s6], $0x5FFFF;
	_ =	strace $0x90000046  }
0xb2: {  	s29 =	simm.s32 $0x9;
	_ =	strace $0x80000048  }
0xb3: {  	_ =	swait.ge [sflag:s29], $0x1  }
0xb4: {  	[sflag:s29] =	ssyncadd.s32 $0xFFFFFFFF  }
0xb5: {  	_ =	strace $0x90000048  }
0xb6: {  	_ =	sfence  }
0xb7: {  	s30 =	sld [smem:$0x0];
	_ =	sdelay $0x2  }
0xb8: {  	s31 =	sshll.u32 s1, $0xD;
	s1 =	sshrl.u32 s1, $0x2  }
0xb9: {  	s3 =	sand.u32 $0x4000, s31;
	s1 =	sadd.s32 s1, s30  }
0xba: {  	s0 =	sor.u32 s3, s0;
	s1 =	sshll.u32 s1, $0x11  }
0xbb: {  	s0 =	sor.u32 s1, s0  }
0xbc: {  	s0 =	sadd.s32 $0x8F2B, s0  }
0xbd: {  	[sflag:s0] =	ssyncadd.remote.s32 $0x1  }
0xbe: {  	_ =	sfence.sel $0xFFFF  }
0xbf: {  	[dreg:$0x0] =	wrdreg $0xFFFFFFFF;
	(pc) =	sbr.abs _section_cstart, $3  }
0xc0: {  	[dreg:$0x1] =	wrdreg $0xFFFFFFFF  }
0xc1: {  	_ =	task.clear_ibuf [dreg:s6], $0x2FFFF;
	_ =	strace $0x9FFFFFFF  }
0xc2: {  	(tm) =	ssettm $0x7FFFFFFF  }
0xc3: {  	_ =	shalt  }
tec
execute0_lowered:
.L_overlay_start_1:
0x0: {  	(tag) =	ssettag $0x1  }
0x1: {  	s4 =	rddreg [dreg:$0x0]  }
0x2: {  	s2 =	rddreg [dreg:$0x1]  }
0x3: {  	s0 =	rddreg [dreg:$0x2];
	s3 =	srdreg.scid  }
0x4: {  	s1 =	stileid.u32;
	s10 =	simm.s32 $0x1;
	s11 =	simm.s32 $0x2800  }
0x5: {  	s12 =	simm.s32 $0x4F10;
	s13 =	simm.s32 $0x50;
	s14 =	simm.s32 $0x9D30  }
0x6: {  	s5 =	sand.u32 $0x1, s3;
	s6 =	sshll.u32 s1, $0x1;
	s7 =	smul.u32 $0x2800, s1  }
0x7: {  	s3 =	simm.s32 $0x0;
	s6 =	sor.u32 s5, s6;
	s8 =	smul.u32 $0x28000, s5  }
0x8: {  	s15 =	simm.s32 $0x0;
	[smem:$0x7FF] =	sst s3;
	s6 =	smul.u32 $0x2710, s6  }
0x9: {  	s5 =	ssub.s32 $0x2, s5;
	_ =	strace $0x80000047;
	s8 =	sadd.s32 s7, s8  }
0xa: {  	s9 =	sshrl.u32 s5, $0x1;
	s6 =	sshrl.u32 s6, $0x3;
	s8 =	sshrl.u32 s8, $0x3  }
0xb: {  	s9 =	ssub.s32 s5, s9;
	s6 =	sadd.s32 s6, s4;
	s8 =	sadd.s32 s8, s4  }
0xc: {  	s4 =	sadd.s32 s7, s2;
	s5 =	sadd.s32 $0x2400, s6;
	s6 =	sadd.s32 $0xC040, s6  }
0xd: {  	v0 =	vimm.f32 $0.0e+00;
	v1 =	vimm.f32 $1.000000000e+00;
	s7 =	sadd.s32 $0x15E00, s8;
	s8 =	smax.u32 s9, $0x1;
	s9 =	simm.s32 $0xA230  }
.LBB2_1:
0xe: {  	s16 =	simm.s32 $0x0  }
.LBB2_2:
0xf: {  	p0 =	sne.s32 s16, $0x9FC0  }
.Ltmp0:
0x10: {  	_ = 	snop;
	(pc) =	sbr.rel @p0 .LBB2_2-.Ltmp0, $3  }
0x11: {  	_ =	sdelay $0x1  }
0x12: {  	s17 =	sshra.s32 s16, $0x2  }
0x13: {  	s16 =	sadd.s32 $0x40, s16;
	[tilespmem:s17+$0xA230] =	vst v0  }
0x14: {  	s16 =	simm.s32 $0x40;
	s17 =	simm.s32 $0x0  }
.LBB2_4:
0x15: {  	p0 =	sne.s32 s16, $0x13C0;
	[tilespmem:s17+$0x9D30] =	vst v1;
	s17 =	smov.u32 s16;
	s16 =	sadd.s32 $0x40, s16  }
.Ltmp1:
0x16: {  	(pc) =	sbr.rel @p0 .LBB2_4-.Ltmp1, $2  }
0x17: {  	_ =	sdelay $0x2  }
0x18: {  	s17 =	sshra.s32 s17, $0x2  }
0x19: {  	[tilespmem:s17+$0x9D30] =	vst v1  }
0x1a: {  	[spmem:s4] =	stream.linear.scatter [tilespmem:s9], [sflag:$0x1], $0x2800, $0x38;
	[tilespmem:$0xCA30] =	vst v63  }
0x1b: {  	_ =	swait.ge [sflag:s10], $0x2800  }
0x1c: {  	[sflag:s10] =	ssyncset.done $0x0  }
0x1d: {  	[sflag:s10] =	ssyncadd.s32 $0xFFFFD800  }
0x1e: {  	[bflag:$0x0] =	sbarrier.arrive $0xFFFF  }
0x1f: {  	[tilespmem:s11], [sflag:$0x1] =	stream.linear.gather [hbm4b:s5+s3], $0x2710, $0x38;
	[tilespmem:$0xCA30] =	vst v63  }
0x20: {  	_ =	swait.ge [sflag:s10], $0x2710  }
0x21: {  	[sflag:s10] =	ssyncset.done $0x0  }
0x22: {  	[sflag:s10] =	ssyncadd.s32 $0xFFFFD8F0  }
0x23: {  	[tilespmem:s12], [sflag:$0x1] =	stream.linear.gather [hbm4b:s6+s3], $0x2710, $0x38;
	[tilespmem:$0xCA30] =	vst v63  }
0x24: {  	_ =	swait.ge [sflag:s10], $0x2710  }
0x25: {  	[sflag:s10] =	ssyncset.done $0x0  }
0x26: {  	s16 =	simm.s32 $0x40;
	[sflag:s10] =	ssyncadd.s32 $0xFFFFD8F0  }
0x27: {  	v3 =	vld [tilespmem:s16+$0x2800]  }
0x28: {  	v6 =	vld [tilespmem:s16+$0x4F10]  }
0x29: {  	v7 =	vld [tilespmem:s16+$0x27C0]  }
0x2a: {  	v8 =	vld [tilespmem:s16+$0x4ED0]  }
0x2b: {  	v9 =	vld [tilespmem:s16+$0x27D0]  }
0x2c: {  	v5 =	vld [tilespmem:s16+$0x4EE0]  }
0x2d: {  	v2 =	vld [tilespmem:s16+$0x27E0]  }
0x2e: {  	v4 =	vld [tilespmem:s16+$0x4EF0];
	vm0 =	veq.s32 v3, v6  }
0x2f: {  	v3 =	vld [tilespmem:s16+$0x27F0];
	v6 =	vsel vm0, $0x2710, v6;
	vm0 =	veq.s32 v7, v8  }
0x30: {  	s17 =	simm.s32 $0x90;
	v7 =	vld [tilespmem:s16+$0x4F00];
	[tilespmem:s16+$0x7620] =	vst v6;
	v8 =	vsel vm0, $0x2710, v8  }
0x31: {  	s18 =	simm.s32 $0x380;
	vm0 =	veq.s32 v9, v5;
	v6 =	vld [tilespmem:s17+$0x2800];
	[tilespmem:s16+$0x75E0] =	vst v8  }
.LBB2_6:
0x32: {  	p0 =	sne.s32 s18, $0x9C00;
	v8 =	vld [tilespmem:s17+$0x4F10];
	v5 =	vsel vm0, $0x2710, v5  }
0x33: {  	v9 =	vld [tilespmem:s17+$0x27C0];
	[tilespmem:s16+$0x75F0] =	vst v5;
	vm0 =	veq.s32 v2, v4  }
0x34: {  	v10 =	vld [tilespmem:s17+$0x4ED0];
	v2 =	vsel vm0, $0x2710, v4  }
0x35: {  	v11 =	vld [tilespmem:s17+$0x27D0];
	[tilespmem:s16+$0x7600] =	vst v2;
	vm0 =	veq.s32 v3, v7  }
0x36: {  	v5 =	vld [tilespmem:s17+$0x4EE0];
	v3 =	vsel vm0, $0x2710, v7  }
.Ltmp2:
0x37: {  	v2 =	vld [tilespmem:s17+$0x27E0];
	vm0 =	veq.s32 v6, v8;
	[tilespmem:s16+$0x7610] =	vst v3;
	s16 =	smov.u32 s17;
	(pc) =	sbr.rel @p0 .LBB2_6-.Ltmp2, $4  }
0x38: {  	v4 =	vld [tilespmem:s16+$0x4EF0];
	v6 =	vsel vm0, $0x2710, v8  }
0x39: {  	vm0 =	veq.s32 v9, v10;
	v3 =	vld [tilespmem:s16+$0x27F0];
	[tilespmem:s16+$0x7620] =	vst v6  }
0x3a: {  	s17 =	sshra.s32 s18, $0x2;
	v8 =	vsel vm0, $0x2710, v10;
	v7 =	vld [tilespmem:s16+$0x4F00]  }
0x3b: {  	s18 =	sadd.s32 $0x140, s18;
	v6 =	vld [tilespmem:s17+$0x2800];
	[tilespmem:s16+$0x75E0] =	vst v8;
	vm0 =	veq.s32 v11, v5  }
0x3c: {  	v8 =	vld [tilespmem:s17+$0x4F10];
	v5 =	vsel vm0, $0x2710, v5  }
0x3d: {  	v9 =	vld [tilespmem:s17+$0x27C0];
	[tilespmem:s16+$0x75F0] =	vst v5;
	vm9 =	veq.s32 v2, v4  }
0x3e: {  	v2 =	vld [tilespmem:s17+$0x4ED0];
	v4 =	vsel vm9, $0x2710, v4  }
0x3f: {  	v5 =	vld [tilespmem:s17+$0x27D0];
	[tilespmem:s16+$0x7600] =	vst v4;
	vm10 =	veq.s32 v3, v7  }
0x40: {  	v3 =	vld [tilespmem:s17+$0x4EE0];
	v60 =	vsel vm10, $0x2710, v7  }
0x41: {  	v61 =	vld [tilespmem:s17+$0x27E0];
	[tilespmem:s16+$0x7610] =	vst v60  }
0x42: {  	v4 =	vld [tilespmem:s17+$0x4EF0]  }
0x43: {  	v62 =	vld [tilespmem:s17+$0x27F0]  }
0x44: {  	v63 =	vld [tilespmem:s17+$0x4F00]  }
0x45: {  	vm11 =	veq.s32 v6, v8  }
0x46: {  	v6 =	vsel vm11, $0x2710, v8;
	vm12 =	veq.s32 v9, v2  }
0x47: {  	[tilespmem:s17+$0x7620] =	vst v6;
	v2 =	vsel vm12, $0x2710, v2;
	vm13 =	veq.s32 v5, v3  }
0x48: {  	[tilespmem:s17+$0x75E0] =	vst v2;
	v2 =	vsel vm13, $0x2710, v3;
	vm14 =	veq.s32 v61, v4  }
0x49: {  	[tilespmem:s17+$0x75F0] =	vst v2;
	vm15 =	veq.s32 v62, v63;
	v2 =	vsel vm14, $0x2710, v4  }
0x4a: {  	[tilespmem:s17+$0x7600] =	vst v2;
	v2 =	vsel vm15, $0x2710, v63  }
0x4b: {  	s31 =	simm.s32 $0x7620;
	[tilespmem:s17+$0x7610] =	vst v2  }
0x4c: {  	[spmem:s2] =	stream.indirect.scatter.add.f32 [tilespmem:s14], [sflag:$0x1], $0x10, s31, s13, $0xb8;
	[tilespmem:$0xCA30] =	vst v63  }
0x4d: {  	s16 =	simm.s32 $0x140;
	_ =	swait.ge [sflag:s10], $0x500  }
.LBB2_8:
0x4e: {  	s17 =	sshra.s32 s16, $0x2;
	[sflag:s10] =	ssyncset.done $0x0;
	p0 =	sne.s32 s16, $0x9B00  }
.Ltmp3:
0x4f: {  	s17 =	sadd.s32 $0x7620, s17;
	[sflag:s10] =	ssyncadd.s32 $0xFFFFFB00;
	(pc) =	sbr.rel @p0 .LBB2_8-.Ltmp3, $3  }
0x50: {  	[spmem:s2] =	stream.indirect.scatter.add.f32 [tilespmem:s14], [sflag:$0x1], $0x10, s17, s13, $0xb8;
	[tilespmem:$0xCA30] =	vst v63  }
0x51: {  	s16 =	sadd.s32 $0x140, s16;
	_ =	sdelay $0x1  }
0x52: {  	_ =	swait.ge [sflag:s10], $0x500  }
0x53: {  	[sflag:s10] =	ssyncset.done $0x0  }
0x54: {  	[sflag:s10] =	ssyncadd.s32 $0xFFFFFB00  }
0x55: {  	[bflag:$0x0] =	sbarrier.arrive $0xFFFF  }
0x56: {  	[tilespmem:s9], [sflag:$0x1] =	stream.linear.gather [spmem:s4], $0x2800, $0x38;
	[tilespmem:$0xCA30] =	vst v63  }
0x57: {  	s15 =	sadd.s32 $0x1, s15;
	_ =	swait.ge [sflag:s10], $0x2800  }
0x58: {  	p0 =	sne.s32 s15, s8;
	[sflag:s10] =	ssyncset.done $0x0  }
.Ltmp4:
0x59: {  	[sflag:s10] =	ssyncadd.s32 $0xFFFFD800;
	(pc) =	sbr.rel @p0 .LBB2_1-.Ltmp4, $4  }
0x5a: {  	[hbm4b:s7+s3] =	stream.linear.scatter [tilespmem:s9], [sflag:$0x1], $0x2800, $0x38;
	[tilespmem:$0xCA30] =	vst v63  }
0x5b: {  	_ =	swait.ge [sflag:s10], $0x2800  }
0x5c: {  	[sflag:s10] =	ssyncset.done $0x0  }
0x5d: {  	[sflag:s10] =	ssyncadd.s32 $0xFFFFD800  }
0x5e: {  	_ =	sfence.sel $0x180000  }
0x5f: {  	[bflag:$0x0] =	sbarrier.arrive $0xFFFF  }
0x60: {  	p0 =	sne.s32 s1, $0x0;
	_ =	strace $0x90000047  }
0x61: {  	s0 =	sadd.s32 @!p0 $0x100000, s0;
	[bflag:$0x2] =	sbarrier.arrive $0xFFFF  }
0x62: {  	[sflag:s0] =	ssyncadd.tile.s32 @!p0 $0x1;
	_ =	shalt  }
.Lfunc_end2:
_tile_overlayer_lowered:
.L_overlay_start_2:
0x63: {  	(tag) =	ssettag $0x2  }
0x64: {  	s0 =	rddreg [dreg:$0x0];
	s2 =	stileid.u32  }
0x65: {  	s1 =	rddreg [dreg:$0x1];
	p0 =	sne.s32 s2, $0x0  }
0x66: {  	s3 =	rddreg [dreg:$0x2];
	[bflag:$0x3] =	sbarrier.arrive $0xFFFF;
	s2 =	simm.s32 @!p0 $0x1C01  }
0x67: {  	[timem:s3], [sflag:s2] =	dma.local @!p0 [hbm:s0], s1  }
0x68: {  	s0 =	simm.s32 @!p0 $0x1  }
0x69: {  	_ =	swait.ge @!p0 [sflag:s0], s1  }
0x6a: {  	s1 =	ssub.s32 @!p0 $0x0, s1;
	[sflag:s0] =	ssyncset.done @!p0 $0x0  }
0x6b: {  	[sflag:s0] =	ssyncadd.s32 @!p0 s1  }
0x6c: {  	[bflag:$0x3] =	sbarrier.arrive $0xFFFF  }
0x6d: {  	_ =	shalt  }

</sc_bundles>
